<compile_context>
chip_gen: v7x
topology: tpu7x:2x2x1
jax: 0.10.2.dev20260603
libtpu: 0.0.44.dev20260713+nightly
codegen_flags: <defaults>
</compile_context>

<pallas_src>
import functools

import jax
import jax.numpy as jnp
from jax import lax
from jax.experimental import pallas as pl
from jax.experimental.pallas import tpu as pltpu
from jax.experimental.pallas import tpu_sc as plsc

B, N, M, K = 2, 4096, 4096, 16
D, H = 256, 8
C = D // H

NC, NS = 2, 16
NW = NC * NS
NIDX = B * N * K
CHUNKS = (32768, 32768, 32768, 32768)
CH = 128
QB = 512


def _ln(x, g, b, eps=1e-5):
    mu = jnp.mean(x, axis=-1, keepdims=True)
    var = jnp.mean((x - mu) ** 2, axis=-1, keepdims=True)
    return (x - mu) * jax.lax.rsqrt(var + eps) * g + b



def _kv_body(m_ref, wkv_ref, bkv_ref, kv_ref):
    m = m_ref[...]
    kv = jnp.dot(m, wkv_ref[...], preferred_element_type=jnp.float32) + bkv_ref[...]
    kbits = jax.lax.bitcast_convert_type(kv[:, :D], jnp.int32)
    vbits = jax.lax.bitcast_convert_type(kv[:, D:], jnp.int32)
    rne = lambda u: u + 0x7FFF + ((u >> 16) & 1)
    kv_ref[...] = (rne(vbits) & jnp.int32(-65536)) | ((rne(kbits) >> 16) & 0xFFFF)


def _proj_kv(m2d, wkv_t, bkv2, b):
    rb = 1024
    nb = M // rb
    return pl.pallas_call(
        _kv_body,
        grid=(nb,),
        in_specs=[
            pl.BlockSpec((rb, D), lambda i: (b * nb + i, 0)),
            pl.BlockSpec((D, 2 * D), lambda i: (0, 0)),
            pl.BlockSpec((1, 2 * D), lambda i: (0, 0)),
        ],
        out_specs=pl.BlockSpec((rb, D), lambda i: (i, 0)),
        out_shape=jax.ShapeDtypeStruct((M, D), jnp.int32),
    )(m2d, wkv_t, bkv2)



def _sc_gather(idx_chunk, kv_b, nidx_p):
    mesh = plsc.VectorSubcoreMesh(
        core_axis_name="c", subcore_axis_name="s", num_cores=NC, num_subcores=NS
    )
    idx_per_w = nidx_p // NW

    @functools.partial(
        pl.kernel,
        out_type=jax.ShapeDtypeStruct((nidx_p, D), jnp.int32),
        mesh=mesh,
        scratch_types=[
            pltpu.VMEM((idx_per_w,), jnp.int32),
            pltpu.VMEM((CH, D), jnp.int32),
            pltpu.VMEM((CH, D), jnp.int32),
            pltpu.SemaphoreType.DMA,
            pltpu.SemaphoreType.DMA,
        ],
    )
    def gather_kernel(idx_hbm, kv_hbm, out_hbm, idx_v, rows_a, rows_b, sem_a, sem_b):
        cid = lax.axis_index("c")
        sid = lax.axis_index("s")
        wid = sid * NC + cid
        base = wid * idx_per_w
        pltpu.sync_copy(idx_hbm.at[pl.ds(base, idx_per_w)], idx_v)

        nsteps = idx_per_w // CH

        pltpu.async_copy(kv_hbm.at[idx_v.at[pl.ds(0, CH)]], rows_a, sem_a)

        @pl.loop(0, nsteps, step=2)
        def _(s):
            pltpu.async_copy(
                kv_hbm.at[idx_v.at[pl.ds((s + 1) * CH, CH)]], rows_b, sem_b
            )
            pltpu.make_async_copy(
                kv_hbm.at[idx_v.at[pl.ds(s * CH, CH)]], rows_a, sem_a
            ).wait()
            pltpu.sync_copy(rows_a, out_hbm.at[pl.ds(base + s * CH, CH)])

            @pl.when(s + 2 < nsteps)
            def _():
                pltpu.async_copy(
                    kv_hbm.at[idx_v.at[pl.ds((s + 2) * CH, CH)]], rows_a, sem_a
                )

            pltpu.make_async_copy(
                kv_hbm.at[idx_v.at[pl.ds((s + 1) * CH, CH)]], rows_b, sem_b
            ).wait()
            pltpu.sync_copy(rows_b, out_hbm.at[pl.ds(base + (s + 1) * CH, CH)])

    return gather_kernel(idx_chunk, kv_b)



def _attn_body(kv_ref, x_ref, wq_ref, bq_ref, sum_ref, exp_ref, wl_ref, bl_ref,
               g1_ref, bn1_ref, we_ref, be_ref, ws_ref, bs_ref, g2_ref, bn2_ref,
               out_ref):
    qb = x_ref.shape[0]
    xin = x_ref[...]
    q = jnp.dot(xin, wq_ref[...], preferred_element_type=jnp.float32) + bq_ref[...]
    kvi = kv_ref[...]
    k = jax.lax.bitcast_convert_type(kvi << 16, jnp.float32)
    v = jax.lax.bitcast_convert_type(kvi & jnp.int32(-65536), jnp.float32)
    qrep = jnp.broadcast_to(q.reshape(qb, 1, D), (qb, K, D)).reshape(qb * K, D)
    prod = k * qrep
    scores = jnp.dot(prod, sum_ref[...],
                     preferred_element_type=jnp.float32) * (C ** -0.5)
    scores = scores.reshape(qb, K, H)
    mx = jnp.max(scores, axis=1, keepdims=True)
    e = jnp.exp(scores - mx)
    attn = (e / jnp.sum(e, axis=1, keepdims=True)).reshape(qb * K, H)
    attn_exp = jnp.dot(attn, exp_ref[...], preferred_element_type=jnp.float32)
    hid = jnp.sum((attn_exp * v).reshape(qb, K, D), axis=1)
    hid = jnp.dot(hid, wl_ref[...], preferred_element_type=jnp.float32) + bl_ref[...]
    x = _ln(hid + xin, g1_ref[...], bn1_ref[...])
    h = jnp.maximum(
        jnp.dot(x, we_ref[...], preferred_element_type=jnp.float32) + be_ref[...], 0.0
    )
    h = jnp.dot(h, ws_ref[...], preferred_element_type=jnp.float32) + bs_ref[...]
    out_ref[...] = _ln(x + h, g2_ref[...], bn2_ref[...])


def _attn_post(qstart, nq, kvg, x2d, wq_t, bq2, sum_mat, exp_mat,
               wl_t, bl2, g12, bn12, we_t, be2, ws_t, bs2, g22, bn22):
    base = qstart // QB
    grid = (nq // QB,)
    wspec = lambda shape: pl.BlockSpec(shape, lambda i: (0, 0))
    return pl.pallas_call(
        _attn_body,
        grid=grid,
        in_specs=[
            pl.BlockSpec((QB * K, D), lambda i: (i, 0)),
            pl.BlockSpec((QB, D), lambda i: (base + i, 0)),
            wspec((D, D)), wspec((1, D)),
            wspec((D, H)), wspec((H, D)),
            wspec((D, D)), wspec((1, D)), wspec((1, D)), wspec((1, D)),
            wspec((D, 2 * D)), wspec((1, 2 * D)),
            wspec((2 * D, D)), wspec((1, D)), wspec((1, D)), wspec((1, D)),
        ],
        out_specs=pl.BlockSpec((QB, D), lambda i: (i, 0)),
        out_shape=jax.ShapeDtypeStruct((nq, D), jnp.float32),
    )(kvg, x2d, wq_t, bq2, sum_mat, exp_mat,
      wl_t, bl2, g12, bn12, we_t, be2, ws_t, bs2, g22, bn22)



def kernel(input_states, memory_states, indices, Wq, bq, Wk, bk, Wv, bv,
           Wl, bl, g1, bn1, We, be, Ws, bs, g2, bn2):
    x2d = input_states.reshape(B * N, D)
    m2d = memory_states.reshape(B * M, D)
    wkv_t = jnp.concatenate([Wk.T, Wv.T], axis=1)
    bkv2 = jnp.concatenate([bk, bv]).reshape(1, 2 * D)

    head = jnp.arange(D, dtype=jnp.int32) // C
    sum_mat = (head[:, None] == jnp.arange(H, dtype=jnp.int32)[None, :]
               ).astype(jnp.float32)
    exp_mat = sum_mat.T

    kv_tables = [_proj_kv(m2d, wkv_t, bkv2, b) for b in range(B)]
    idx_flat = indices.reshape(NIDX)
    post_args = (
        Wq.T, bq.reshape(1, D), sum_mat, exp_mat,
        Wl.T, bl.reshape(1, D), g1.reshape(1, D), bn1.reshape(1, D),
        We.T, be.reshape(1, 2 * D), Ws.T, bs.reshape(1, D),
        g2.reshape(1, D), bn2.reshape(1, D),
    )
    outs = []
    off = 0
    for nidx_p in CHUNKS:
        idx_c = lax.slice_in_dim(idx_flat, off, off + nidx_p)
        kvg = _sc_gather(idx_c, kv_tables[off // (N * K)], nidx_p)
        outs.append(_attn_post(off // K, nidx_p // K, kvg, x2d, *post_args))
        off += nidx_p
    return jnp.concatenate(outs, axis=0).reshape(B, N, D)

# --- scband reference (transcript-rebuilt; emitter-appended) ---
"""Pipeline reference for scband-sparse-transformer-layer-77214922047595 (READ-ONLY COPY).

The authoritative reference and input builder live on the scoring server;
editing this copy changes nothing except your own understanding.
"""

import jax, jax.numpy as jnp
import numpy as np

B, N, M, K = 2, 4096, 4096, 16
D, H = 256, 8

def layer_norm(x, g, b, eps=1e-5):
    mu = jnp.mean(x, axis=-1, keepdims=True)
    var = jnp.var(x, axis=-1, keepdims=True)
    return (x - mu) / jnp.sqrt(var + eps) * g + b

def knn_gather(x, idx):
    # x: (B, M, C), idx: (B, N, K) -> (B, N, K, C)
    return jax.vmap(lambda xm, im: jnp.take(xm, im, axis=0))(x, idx)

def setup_inputs(seed: int = 0):
    key = jax.random.key(seed)
    ks = jax.random.split(key, 12)
    w = lambda k, shape: jax.random.normal(k, shape, dtype=jnp.float32) * 0.02
    inp = {}
    inp['input_states'] = jax.random.normal(ks[0], (B, N, D), dtype=jnp.float32)
    inp['memory_states'] = jax.random.normal(ks[1], (B, M, D), dtype=jnp.float32)
    inp['indices'] = jax.random.randint(ks[2], (B, N, K), 0, M, dtype=jnp.int32)
    inp['Wq'] = w(ks[3], (D, D)); inp['bq'] = jnp.zeros((D,), jnp.float32)
    inp['Wk'] = w(ks[4], (D, D)); inp['bk'] = jnp.zeros((D,), jnp.float32)
    inp['Wv'] = w(ks[5], (D, D)); inp['bv'] = jnp.zeros((D,), jnp.float32)
    inp['Wl'] = w(ks[6], (D, D)); inp['bl'] = jnp.zeros((D,), jnp.float32)
    inp['g1'] = jnp.ones((D,), jnp.float32); inp['bn1'] = jnp.zeros((D,), jnp.float32)
    inp['We'] = w(ks[7], (2 * D, D)); inp['be'] = jnp.zeros((2 * D,), jnp.float32)
    inp['Ws'] = w(ks[8], (D, 2 * D)); inp['bs'] = jnp.zeros((D,), jnp.float32)
    inp['g2'] = jnp.ones((D,), jnp.float32); inp['bn2'] = jnp.zeros((D,), jnp.float32)
    return inp

def reference(input_states, memory_states, indices, Wq, bq, Wk, bk, Wv, bv, Wl, bl, g1, bn1, We, be, Ws, bs, g2, bn2):
    c = D // H
    q = input_states @ Wq.T + bq                       # (B, N, D)
    kmem = memory_states @ Wk.T + bk                   # (B, M, D)
    vmem = memory_states @ Wv.T + bv                   # (B, M, D)
    k = knn_gather(kmem, indices)                      # (B, N, K, D)
    v = knn_gather(vmem, indices)                      # (B, N, K, D)
    qh = q.reshape(B, N, H, c).transpose(0, 2, 1, 3)           # (B, H, N, c)
    kh = k.reshape(B, N, K, H, c).transpose(0, 3, 1, 2, 4)     # (B, H, N, K, c)
    vh = v.reshape(B, N, K, H, c).transpose(0, 3, 1, 2, 4)     # (B, H, N, K, c)
    scores = jnp.einsum('bhnc,bhnmc->bhnm', qh, kh) / jnp.sqrt(jnp.float32(c))
    attn = jax.nn.softmax(scores, axis=-1)
    hidden = jnp.sum(attn[..., None] * vh, axis=-2)            # (B, H, N, c)
    hidden = hidden.transpose(0, 2, 1, 3).reshape(B, N, D)
    hidden = hidden @ Wl.T + bl
    x = layer_norm(hidden + input_states, g1, bn1)
    # AttentionOutput: expand -> relu -> squeeze -> residual layernorm
    h = jax.nn.relu(x @ We.T + be)
    h = h @ Ws.T + bs
    out = layer_norm(x + h, g2, bn2)
    return out

if __name__ == "__main__":
    import jax
    _d = setup_inputs()
    print(jax.jit(kernel)(*tuple(_d.values())))

</pallas_src>

<mosaic_0001>
#map = affine_map<(d0, d1) -> (0)>
#map1 = affine_map<(d0, d1) -> (0, 0)>
module attributes {stable_mosaic.version = 14 : i64} {
  func.func @gather_kernel(%arg0: i32, %arg1: i32, %arg2: memref<32768xi32, #tpu.memory_space<hbm>>, %arg3: memref<4096x256xi32, #tpu.memory_space<hbm>>, %arg4: memref<32768x256xi32, #tpu.memory_space<hbm>>, %arg5: memref<1024xi32, #tpu.memory_space<vmem>>, %arg6: memref<128x256xi32, #tpu.memory_space<vmem>>, %arg7: memref<128x256xi32, #tpu.memory_space<vmem>>, %arg8: memref<!tpu.dma_semaphore, #tpu.memory_space<semaphore_mem>>, %arg9: memref<!tpu.dma_semaphore, #tpu.memory_space<semaphore_mem>>) attributes {dimension_semantics = [#tpu.dimension_semantics<core_parallel>, #tpu.dimension_semantics<subcore_parallel>], iteration_bounds = array<i64: 2, 16>, scalar_prefetch = 0 : i64, scratch_operands = 5 : i64, tpu.core_type = #tpu.core_type<sc_vector_subcore>, window_params = [{transform_indices = #map}, {transform_indices = #map1}, {transform_indices = #map1}]} {
    %mul3A = arith.constant 2 : i32
    %mul3A_0 = arith.muli %arg1, %mul3A : i32
    %add3A = arith.addi %mul3A_0, %arg0 : i32
    %mul3A_1 = arith.constant 1024 : i32
    %mul3A_2 = arith.muli %add3A, %mul3A_1 : i32
    "tpu.region"() ({
      %run_scoped3A = tpu.sem_alloc : memref<!tpu.dma_semaphore, #tpu.memory_space<semaphore_mem>>
      %dma_start3A_11 = tpu.memref_slice %arg2[%mul3A_2] : memref<32768xi32, #tpu.memory_space<hbm>> -> memref<1024xi32, #tpu.memory_space<hbm>>
      %dma_start3A_12 = tpu.memref_slice %arg2[%mul3A_2] : memref<32768xi32, #tpu.memory_space<hbm>> -> memref<1024xi32, #tpu.memory_space<hbm>>
      tpu.enqueue_dma source(%dma_start3A_12 : memref<1024xi32, #tpu.memory_space<hbm>>) target(%arg5 : memref<1024xi32, #tpu.memory_space<vmem>>) target_semaphore(%run_scoped3A : memref<!tpu.dma_semaphore, #tpu.memory_space<semaphore_mem>>)
      %dma_wait3A = tpu.memref_slice %arg2[%mul3A_2] : memref<32768xi32, #tpu.memory_space<hbm>> -> memref<1024xi32, #tpu.memory_space<hbm>>
      %dma_wait3A_13 = tpu.memref_slice %arg2[%mul3A_2] : memref<32768xi32, #tpu.memory_space<hbm>> -> memref<1024xi32, #tpu.memory_space<hbm>>
      tpu.wait_dma2 semaphore(%run_scoped3A : memref<!tpu.dma_semaphore, #tpu.memory_space<semaphore_mem>>) src(%dma_wait3A_13 : memref<1024xi32, #tpu.memory_space<hbm>>) dst(%arg5 : memref<1024xi32, #tpu.memory_space<vmem>>)
      tpu.yield
    }) : () -> ()
    %dma_start3A = arith.constant 0 : i32
    %dma_start3A_3 = tpu.memref_slice %arg5[%dma_start3A] : memref<1024xi32, #tpu.memory_space<vmem>> -> memref<128xi32, #tpu.memory_space<vmem>>
    %dma_start3A_4 = arith.constant 0 : i32
    %dma_start3A_5 = arith.constant 0 : i32
    %dma_start3A_6 = tpu.memref_slice %arg3[%dma_start3A_4, %dma_start3A_5] : memref<4096x256xi32, #tpu.memory_space<hbm>> -> memref<4096x256xi32, #tpu.memory_space<hbm>>
    tpu.enqueue_indirect_dma source(%dma_start3A_6 : memref<4096x256xi32, #tpu.memory_space<hbm>>) target(%arg6 : memref<128x256xi32, #tpu.memory_space<vmem>>) offsets(%dma_start3A_3 : memref<128xi32, #tpu.memory_space<vmem>>) semaphore(%arg8 : memref<!tpu.dma_semaphore, #tpu.memory_space<semaphore_mem>>)
    %scan3A = arith.constant 0 : i32
    %scan3A_7 = arith.constant 4 : i32
    %scan3A_8 = arith.addi %scan3A, %scan3A_7 : i32
    %scan3A_9 = arith.constant 1 : i32
    scf.for %scan3A_11 = %scan3A to %scan3A_8 step %scan3A_9  : i32 {
      %mul3A_12 = arith.constant 2 : i32
      %mul3A_13 = arith.muli %scan3A_11, %mul3A_12 : i32
      %add3A_14 = arith.constant 0 : i32
      %add3A_15 = arith.addi %add3A_14, %mul3A_13 : i32
      %add3A_16 = arith.constant 1 : i32
      %add3A_17 = arith.addi %add3A_15, %add3A_16 : i32
      %mul3A_18 = arith.constant 128 : i32
      %mul3A_19 = arith.muli %add3A_17, %mul3A_18 : i32
      %dma_start3A_20 = tpu.memref_slice %arg5[%mul3A_19] : memref<1024xi32, #tpu.memory_space<vmem>> -> memref<128xi32, #tpu.memory_space<vmem>>
      %dma_start3A_21 = arith.constant 0 : i32
      %dma_start3A_22 = arith.constant 0 : i32
      %dma_start3A_23 = tpu.memref_slice %arg3[%dma_start3A_21, %dma_start3A_22] : memref<4096x256xi32, #tpu.memory_space<hbm>> -> memref<4096x256xi32, #tpu.memory_space<hbm>>
      tpu.enqueue_indirect_dma source(%dma_start3A_23 : memref<4096x256xi32, #tpu.memory_space<hbm>>) target(%arg7 : memref<128x256xi32, #tpu.memory_space<vmem>>) offsets(%dma_start3A_20 : memref<128xi32, #tpu.memory_space<vmem>>) semaphore(%arg9 : memref<!tpu.dma_semaphore, #tpu.memory_space<semaphore_mem>>)
      %mul3A_24 = arith.constant 128 : i32
      %mul3A_25 = arith.muli %add3A_15, %mul3A_24 : i32
      %dma_wait3A = tpu.memref_slice %arg5[%mul3A_25] : memref<1024xi32, #tpu.memory_space<vmem>> -> memref<128xi32, #tpu.memory_space<vmem>>
      %dma_wait3A_26 = arith.constant 0 : i32
      %dma_wait3A_27 = arith.constant 0 : i32
      %dma_wait3A_28 = tpu.memref_slice %arg3[%dma_wait3A_26, %dma_wait3A_27] : memref<4096x256xi32, #tpu.memory_space<hbm>> -> memref<4096x256xi32, #tpu.memory_space<hbm>>
      tpu.wait_indirect_dma semaphore(%arg8 : memref<!tpu.dma_semaphore, #tpu.memory_space<semaphore_mem>>) src(%dma_wait3A_28 : memref<4096x256xi32, #tpu.memory_space<hbm>>) dst(%arg6 : memref<128x256xi32, #tpu.memory_space<vmem>>)
      %mul3A_29 = arith.constant 128 : i32
      %mul3A_30 = arith.muli %add3A_15, %mul3A_29 : i32
      %add3A_31 = arith.addi %mul3A_2, %mul3A_30 : i32
      "tpu.region"() ({
        %run_scoped3A = tpu.sem_alloc : memref<!tpu.dma_semaphore, #tpu.memory_space<semaphore_mem>>
        %dma_start3A_49 = arith.constant 0 : i32
        %dma_start3A_50 = tpu.memref_slice %arg4[%add3A_31, %dma_start3A_49] : memref<32768x256xi32, #tpu.memory_space<hbm>> -> memref<128x256xi32, #tpu.memory_space<hbm>>
        %dma_start3A_51 = arith.constant 0 : i32
        %dma_start3A_52 = tpu.memref_slice %arg4[%add3A_31, %dma_start3A_51] : memref<32768x256xi32, #tpu.memory_space<hbm>> -> memref<128x256xi32, #tpu.memory_space<hbm>>
        tpu.enqueue_dma source(%arg6 : memref<128x256xi32, #tpu.memory_space<vmem>>) target(%dma_start3A_52 : memref<128x256xi32, #tpu.memory_space<hbm>>) target_semaphore(%run_scoped3A : memref<!tpu.dma_semaphore, #tpu.memory_space<semaphore_mem>>)
        %dma_wait3A_53 = arith.constant 0 : i32
        %dma_wait3A_54 = tpu.memref_slice %arg4[%add3A_31, %dma_wait3A_53] : memref<32768x256xi32, #tpu.memory_space<hbm>> -> memref<128x256xi32, #tpu.memory_space<hbm>>
        %dma_wait3A_55 = arith.constant 0 : i32
        %dma_wait3A_56 = tpu.memref_slice %arg4[%add3A_31, %dma_wait3A_55] : memref<32768x256xi32, #tpu.memory_space<hbm>> -> memref<128x256xi32, #tpu.memory_space<hbm>>
        tpu.wait_dma2 semaphore(%run_scoped3A : memref<!tpu.dma_semaphore, #tpu.memory_space<semaphore_mem>>) src(%arg6 : memref<128x256xi32, #tpu.memory_space<vmem>>) dst(%dma_wait3A_56 : memref<128x256xi32, #tpu.memory_space<hbm>>)
        tpu.yield
      }) : () -> ()
      %add3A_32 = arith.constant 2 : i32
      %add3A_33 = arith.addi %add3A_15, %add3A_32 : i32
      %lt3A = arith.constant 8 : i32
      %lt3A_34 = arith.cmpi slt, %add3A_33, %lt3A : i32
      %convert_element_type3A = arith.extui %lt3A_34 : i1 to i32
      %cond3A = arith.constant 0 : i32
      %cond3A_35 = arith.cmpi ne, %convert_element_type3A, %cond3A : i32
      scf.if %cond3A_35 {
        %add3A_49 = arith.constant 2 : i32
        %add3A_50 = arith.addi %add3A_15, %add3A_49 : i32
        %mul3A_51 = arith.constant 128 : i32
        %mul3A_52 = arith.muli %add3A_50, %mul3A_51 : i32
        %dma_start3A_53 = tpu.memref_slice %arg5[%mul3A_52] : memref<1024xi32, #tpu.memory_space<vmem>> -> memref<128xi32, #tpu.memory_space<vmem>>
        %dma_start3A_54 = arith.constant 0 : i32
        %dma_start3A_55 = arith.constant 0 : i32
        %dma_start3A_56 = tpu.memref_slice %arg3[%dma_start3A_54, %dma_start3A_55] : memref<4096x256xi32, #tpu.memory_space<hbm>> -> memref<4096x256xi32, #tpu.memory_space<hbm>>
        tpu.enqueue_indirect_dma source(%dma_start3A_56 : memref<4096x256xi32, #tpu.memory_space<hbm>>) target(%arg6 : memref<128x256xi32, #tpu.memory_space<vmem>>) offsets(%dma_start3A_53 : memref<128xi32, #tpu.memory_space<vmem>>) semaphore(%arg8 : memref<!tpu.dma_semaphore, #tpu.memory_space<semaphore_mem>>)
      } else {
      }
      %add3A_36 = arith.constant 1 : i32
      %add3A_37 = arith.addi %add3A_15, %add3A_36 : i32
      %mul3A_38 = arith.constant 128 : i32
      %mul3A_39 = arith.muli %add3A_37, %mul3A_38 : i32
      %dma_wait3A_40 = tpu.memref_slice %arg5[%mul3A_39] : memref<1024xi32, #tpu.memory_space<vmem>> -> memref<128xi32, #tpu.memory_space<vmem>>
      %dma_wait3A_41 = arith.constant 0 : i32
      %dma_wait3A_42 = arith.constant 0 : i32
      %dma_wait3A_43 = tpu.memref_slice %arg3[%dma_wait3A_41, %dma_wait3A_42] : memref<4096x256xi32, #tpu.memory_space<hbm>> -> memref<4096x256xi32, #tpu.memory_space<hbm>>
      tpu.wait_indirect_dma semaphore(%arg9 : memref<!tpu.dma_semaphore, #tpu.memory_space<semaphore_mem>>) src(%dma_wait3A_43 : memref<4096x256xi32, #tpu.memory_space<hbm>>) dst(%arg7 : memref<128x256xi32, #tpu.memory_space<vmem>>)
      %add3A_44 = arith.constant 1 : i32
      %add3A_45 = arith.addi %add3A_15, %add3A_44 : i32
      %mul3A_46 = arith.constant 128 : i32
      %mul3A_47 = arith.muli %add3A_45, %mul3A_46 : i32
      %add3A_48 = arith.addi %mul3A_2, %mul3A_47 : i32
      "tpu.region"() ({
        %run_scoped3A = tpu.sem_alloc : memref<!tpu.dma_semaphore, #tpu.memory_space<semaphore_mem>>
        %dma_start3A_49 = arith.constant 0 : i32
        %dma_start3A_50 = tpu.memref_slice %arg4[%add3A_48, %dma_start3A_49] : memref<32768x256xi32, #tpu.memory_space<hbm>> -> memref<128x256xi32, #tpu.memory_space<hbm>>
        %dma_start3A_51 = arith.constant 0 : i32
        %dma_start3A_52 = tpu.memref_slice %arg4[%add3A_48, %dma_start3A_51] : memref<32768x256xi32, #tpu.memory_space<hbm>> -> memref<128x256xi32, #tpu.memory_space<hbm>>
        tpu.enqueue_dma source(%arg7 : memref<128x256xi32, #tpu.memory_space<vmem>>) target(%dma_start3A_52 : memref<128x256xi32, #tpu.memory_space<hbm>>) target_semaphore(%run_scoped3A : memref<!tpu.dma_semaphore, #tpu.memory_space<semaphore_mem>>)
        %dma_wait3A_53 = arith.constant 0 : i32
        %dma_wait3A_54 = tpu.memref_slice %arg4[%add3A_48, %dma_wait3A_53] : memref<32768x256xi32, #tpu.memory_space<hbm>> -> memref<128x256xi32, #tpu.memory_space<hbm>>
        %dma_wait3A_55 = arith.constant 0 : i32
        %dma_wait3A_56 = tpu.memref_slice %arg4[%add3A_48, %dma_wait3A_55] : memref<32768x256xi32, #tpu.memory_space<hbm>> -> memref<128x256xi32, #tpu.memory_space<hbm>>
        tpu.wait_dma2 semaphore(%run_scoped3A : memref<!tpu.dma_semaphore, #tpu.memory_space<semaphore_mem>>) src(%arg7 : memref<128x256xi32, #tpu.memory_space<vmem>>) dst(%dma_wait3A_56 : memref<128x256xi32, #tpu.memory_space<hbm>>)
        tpu.yield
      }) : () -> ()
    }
    %scan3A_10 = arith.constant 4 : i32
    return
  }
}

#map = affine_map<(d0, d1) -> (0)>
#map1 = affine_map<(d0, d1) -> (0, 0)>
module attributes {stable_mosaic.version = 14 : i64} {
  func.func @gather_kernel(%arg0: i32, %arg1: i32, %arg2: memref<32768xi32, #tpu.memory_space<hbm>>, %arg3: memref<4096x256xi32, #tpu.memory_space<hbm>>, %arg4: memref<32768x256xi32, #tpu.memory_space<hbm>>, %arg5: memref<1024xi32, #tpu.memory_space<vmem>>, %arg6: memref<128x256xi32, #tpu.memory_space<vmem>>, %arg7: memref<128x256xi32, #tpu.memory_space<vmem>>, %arg8: memref<!tpu.dma_semaphore, #tpu.memory_space<semaphore_mem>>, %arg9: memref<!tpu.dma_semaphore, #tpu.memory_space<semaphore_mem>>) attributes {dimension_semantics = [#tpu.dimension_semantics<core_parallel>, #tpu.dimension_semantics<subcore_parallel>], iteration_bounds = array<i64: 2, 16>, scalar_prefetch = 0 : i64, scratch_operands = 5 : i64, tpu.core_type = #tpu.core_type<sc_vector_subcore>, window_params = [{transform_indices = #map}, {transform_indices = #map1}, {transform_indices = #map1}]} {
    %mul3A = arith.constant 2 : i32
    %mul3A_0 = arith.muli %arg1, %mul3A : i32
    %add3A = arith.addi %mul3A_0, %arg0 : i32
    %mul3A_1 = arith.constant 1024 : i32
    %mul3A_2 = arith.muli %add3A, %mul3A_1 : i32
    "tpu.region"() ({
      %run_scoped3A = tpu.sem_alloc : memref<!tpu.dma_semaphore, #tpu.memory_space<semaphore_mem>>
      %dma_start3A_11 = tpu.memref_slice %arg2[%mul3A_2] : memref<32768xi32, #tpu.memory_space<hbm>> -> memref<1024xi32, #tpu.memory_space<hbm>>
      %dma_start3A_12 = tpu.memref_slice %arg2[%mul3A_2] : memref<32768xi32, #tpu.memory_space<hbm>> -> memref<1024xi32, #tpu.memory_space<hbm>>
      tpu.enqueue_dma source(%dma_start3A_12 : memref<1024xi32, #tpu.memory_space<hbm>>) target(%arg5 : memref<1024xi32, #tpu.memory_space<vmem>>) target_semaphore(%run_scoped3A : memref<!tpu.dma_semaphore, #tpu.memory_space<semaphore_mem>>)
      %dma_wait3A = tpu.memref_slice %arg2[%mul3A_2] : memref<32768xi32, #tpu.memory_space<hbm>> -> memref<1024xi32, #tpu.memory_space<hbm>>
      %dma_wait3A_13 = tpu.memref_slice %arg2[%mul3A_2] : memref<32768xi32, #tpu.memory_space<hbm>> -> memref<1024xi32, #tpu.memory_space<hbm>>
      tpu.wait_dma2 semaphore(%run_scoped3A : memref<!tpu.dma_semaphore, #tpu.memory_space<semaphore_mem>>) src(%dma_wait3A_13 : memref<1024xi32, #tpu.memory_space<hbm>>) dst(%arg5 : memref<1024xi32, #tpu.memory_space<vmem>>)
      tpu.yield
    }) : () -> ()
    %dma_start3A = arith.constant 0 : i32
    %dma_start3A_3 = tpu.memref_slice %arg5[%dma_start3A] : memref<1024xi32, #tpu.memory_space<vmem>> -> memref<128xi32, #tpu.memory_space<vmem>>
    %dma_start3A_4 = arith.constant 0 : i32
    %dma_start3A_5 = arith.constant 0 : i32
    %dma_start3A_6 = tpu.memref_slice %arg3[%dma_start3A_4, %dma_start3A_5] : memref<4096x256xi32, #tpu.memory_space<hbm>> -> memref<4096x256xi32, #tpu.memory_space<hbm>>
    tpu.enqueue_indirect_dma source(%dma_start3A_6 : memref<4096x256xi32, #tpu.memory_space<hbm>>) target(%arg6 : memref<128x256xi32, #tpu.memory_space<vmem>>) offsets(%dma_start3A_3 : memref<128xi32, #tpu.memory_space<vmem>>) semaphore(%arg8 : memref<!tpu.dma_semaphore, #tpu.memory_space<semaphore_mem>>)
    %scan3A = arith.constant 0 : i32
    %scan3A_7 = arith.constant 4 : i32
    %scan3A_8 = arith.addi %scan3A, %scan3A_7 : i32
    %scan3A_9 = arith.constant 1 : i32
    scf.for %scan3A_11 = %scan3A to %scan3A_8 step %scan3A_9  : i32 {
      %mul3A_12 = arith.constant 2 : i32
      %mul3A_13 = arith.muli %scan3A_11, %mul3A_12 : i32
      %add3A_14 = arith.constant 0 : i32
      %add3A_15 = arith.addi %add3A_14, %mul3A_13 : i32
      %add3A_16 = arith.constant 1 : i32
      %add3A_17 = arith.addi %add3A_15, %add3A_16 : i32
      %mul3A_18 = arith.constant 128 : i32
      %mul3A_19 = arith.muli %add3A_17, %mul3A_18 : i32
      %dma_start3A_20 = tpu.memref_slice %arg5[%mul3A_19] : memref<1024xi32, #tpu.memory_space<vmem>> -> memref<128xi32, #tpu.memory_space<vmem>>
      %dma_start3A_21 = arith.constant 0 : i32
      %dma_start3A_22 = arith.constant 0 : i32
      %dma_start3A_23 = tpu.memref_slice %arg3[%dma_start3A_21, %dma_start3A_22] : memref<4096x256xi32, #tpu.memory_space<hbm>> -> memref<4096x256xi32, #tpu.memory_space<hbm>>
      tpu.enqueue_indirect_dma source(%dma_start3A_23 : memref<4096x256xi32, #tpu.memory_space<hbm>>) target(%arg7 : memref<128x256xi32, #tpu.memory_space<vmem>>) offsets(%dma_start3A_20 : memref<128xi32, #tpu.memory_space<vmem>>) semaphore(%arg9 : memref<!tpu.dma_semaphore, #tpu.memory_space<semaphore_mem>>)
      %mul3A_24 = arith.constant 128 : i32
      %mul3A_25 = arith.muli %add3A_15, %mul3A_24 : i32
      %dma_wait3A = tpu.memref_slice %arg5[%mul3A_25] : memref<1024xi32, #tpu.memory_space<vmem>> -> memref<128xi32, #tpu.memory_space<vmem>>
      %dma_wait3A_26 = arith.constant 0 : i32
      %dma_wait3A_27 = arith.constant 0 : i32
      %dma_wait3A_28 = tpu.memref_slice %arg3[%dma_wait3A_26, %dma_wait3A_27] : memref<4096x256xi32, #tpu.memory_space<hbm>> -> memref<4096x256xi32, #tpu.memory_space<hbm>>
      tpu.wait_indirect_dma semaphore(%arg8 : memref<!tpu.dma_semaphore, #tpu.memory_space<semaphore_mem>>) src(%dma_wait3A_28 : memref<4096x256xi32, #tpu.memory_space<hbm>>) dst(%arg6 : memref<128x256xi32, #tpu.memory_space<vmem>>)
      %mul3A_29 = arith.constant 128 : i32
      %mul3A_30 = arith.muli %add3A_15, %mul3A_29 : i32
      %add3A_31 = arith.addi %mul3A_2, %mul3A_30 : i32
      "tpu.region"() ({
        %run_scoped3A = tpu.sem_alloc : memref<!tpu.dma_semaphore, #tpu.memory_space<semaphore_mem>>
        %dma_start3A_49 = arith.constant 0 : i32
        %dma_start3A_50 = tpu.memref_slice %arg4[%add3A_31, %dma_start3A_49] : memref<32768x256xi32, #tpu.memory_space<hbm>> -> memref<128x256xi32, #tpu.memory_space<hbm>>
        %dma_start3A_51 = arith.constant 0 : i32
        %dma_start3A_52 = tpu.memref_slice %arg4[%add3A_31, %dma_start3A_51] : memref<32768x256xi32, #tpu.memory_space<hbm>> -> memref<128x256xi32, #tpu.memory_space<hbm>>
        tpu.enqueue_dma source(%arg6 : memref<128x256xi32, #tpu.memory_space<vmem>>) target(%dma_start3A_52 : memref<128x256xi32, #tpu.memory_space<hbm>>) target_semaphore(%run_scoped3A : memref<!tpu.dma_semaphore, #tpu.memory_space<semaphore_mem>>)
        %dma_wait3A_53 = arith.constant 0 : i32
        %dma_wait3A_54 = tpu.memref_slice %arg4[%add3A_31, %dma_wait3A_53] : memref<32768x256xi32, #tpu.memory_space<hbm>> -> memref<128x256xi32, #tpu.memory_space<hbm>>
        %dma_wait3A_55 = arith.constant 0 : i32
        %dma_wait3A_56 = tpu.memref_slice %arg4[%add3A_31, %dma_wait3A_55] : memref<32768x256xi32, #tpu.memory_space<hbm>> -> memref<128x256xi32, #tpu.memory_space<hbm>>
        tpu.wait_dma2 semaphore(%run_scoped3A : memref<!tpu.dma_semaphore, #tpu.memory_space<semaphore_mem>>) src(%arg6 : memref<128x256xi32, #tpu.memory_space<vmem>>) dst(%dma_wait3A_56 : memref<128x256xi32, #tpu.memory_space<hbm>>)
        tpu.yield
      }) : () -> ()
      %add3A_32 = arith.constant 2 : i32
      %add3A_33 = arith.addi %add3A_15, %add3A_32 : i32
      %lt3A = arith.constant 8 : i32
      %lt3A_34 = arith.cmpi slt, %add3A_33, %lt3A : i32
      %convert_element_type3A = arith.extui %lt3A_34 : i1 to i32
      %cond3A = arith.constant 0 : i32
      %cond3A_35 = arith.cmpi ne, %convert_element_type3A, %cond3A : i32
      scf.if %cond3A_35 {
        %add3A_49 = arith.constant 2 : i32
        %add3A_50 = arith.addi %add3A_15, %add3A_49 : i32
        %mul3A_51 = arith.constant 128 : i32
        %mul3A_52 = arith.muli %add3A_50, %mul3A_51 : i32
        %dma_start3A_53 = tpu.memref_slice %arg5[%mul3A_52] : memref<1024xi32, #tpu.memory_space<vmem>> -> memref<128xi32, #tpu.memory_space<vmem>>
        %dma_start3A_54 = arith.constant 0 : i32
        %dma_start3A_55 = arith.constant 0 : i32
        %dma_start3A_56 = tpu.memref_slice %arg3[%dma_start3A_54, %dma_start3A_55] : memref<4096x256xi32, #tpu.memory_space<hbm>> -> memref<4096x256xi32, #tpu.memory_space<hbm>>
        tpu.enqueue_indirect_dma source(%dma_start3A_56 : memref<4096x256xi32, #tpu.memory_space<hbm>>) target(%arg6 : memref<128x256xi32, #tpu.memory_space<vmem>>) offsets(%dma_start3A_53 : memref<128xi32, #tpu.memory_space<vmem>>) semaphore(%arg8 : memref<!tpu.dma_semaphore, #tpu.memory_space<semaphore_mem>>)
      } else {
      }
      %add3A_36 = arith.constant 1 : i32
      %add3A_37 = arith.addi %add3A_15, %add3A_36 : i32
      %mul3A_38 = arith.constant 128 : i32
      %mul3A_39 = arith.muli %add3A_37, %mul3A_38 : i32
      %dma_wait3A_40 = tpu.memref_slice %arg5[%mul3A_39] : memref<1024xi32, #tpu.memory_space<vmem>> -> memref<128xi32, #tpu.memory_space<vmem>>
      %dma_wait3A_41 = arith.constant 0 : i32
      %dma_wait3A_42 = arith.constant 0 : i32
      %dma_wait3A_43 = tpu.memref_slice %arg3[%dma_wait3A_41, %dma_wait3A_42] : memref<4096x256xi32, #tpu.memory_space<hbm>> -> memref<4096x256xi32, #tpu.memory_space<hbm>>
      tpu.wait_indirect_dma semaphore(%arg9 : memref<!tpu.dma_semaphore, #tpu.memory_space<semaphore_mem>>) src(%dma_wait3A_43 : memref<4096x256xi32, #tpu.memory_space<hbm>>) dst(%arg7 : memref<128x256xi32, #tpu.memory_space<vmem>>)
      %add3A_44 = arith.constant 1 : i32
      %add3A_45 = arith.addi %add3A_15, %add3A_44 : i32
      %mul3A_46 = arith.constant 128 : i32
      %mul3A_47 = arith.muli %add3A_45, %mul3A_46 : i32
      %add3A_48 = arith.addi %mul3A_2, %mul3A_47 : i32
      "tpu.region"() ({
        %run_scoped3A = tpu.sem_alloc : memref<!tpu.dma_semaphore, #tpu.memory_space<semaphore_mem>>
        %dma_start3A_49 = arith.constant 0 : i32
        %dma_start3A_50 = tpu.memref_slice %arg4[%add3A_48, %dma_start3A_49] : memref<32768x256xi32, #tpu.memory_space<hbm>> -> memref<128x256xi32, #tpu.memory_space<hbm>>
        %dma_start3A_51 = arith.constant 0 : i32
        %dma_start3A_52 = tpu.memref_slice %arg4[%add3A_48, %dma_start3A_51] : memref<32768x256xi32, #tpu.memory_space<hbm>> -> memref<128x256xi32, #tpu.memory_space<hbm>>
        tpu.enqueue_dma source(%arg7 : memref<128x256xi32, #tpu.memory_space<vmem>>) target(%dma_start3A_52 : memref<128x256xi32, #tpu.memory_space<hbm>>) target_semaphore(%run_scoped3A : memref<!tpu.dma_semaphore, #tpu.memory_space<semaphore_mem>>)
        %dma_wait3A_53 = arith.constant 0 : i32
        %dma_wait3A_54 = tpu.memref_slice %arg4[%add3A_48, %dma_wait3A_53] : memref<32768x256xi32, #tpu.memory_space<hbm>> -> memref<128x256xi32, #tpu.memory_space<hbm>>
        %dma_wait3A_55 = arith.constant 0 : i32
        %dma_wait3A_56 = tpu.memref_slice %arg4[%add3A_48, %dma_wait3A_55] : memref<32768x256xi32, #tpu.memory_space<hbm>> -> memref<128x256xi32, #tpu.memory_space<hbm>>
        tpu.wait_dma2 semaphore(%run_scoped3A : memref<!tpu.dma_semaphore, #tpu.memory_space<semaphore_mem>>) src(%arg7 : memref<128x256xi32, #tpu.memory_space<vmem>>) dst(%dma_wait3A_56 : memref<128x256xi32, #tpu.memory_space<hbm>>)
        tpu.yield
      }) : () -> ()
    }
    %scan3A_10 = arith.constant 4 : i32
    return
  }
}

#map = affine_map<(d0, d1) -> (0)>
#map1 = affine_map<(d0, d1) -> (0, 0)>
module attributes {stable_mosaic.version = 14 : i64} {
  func.func @gather_kernel(%arg0: i32, %arg1: i32, %arg2: memref<32768xi32, #tpu.memory_space<hbm>>, %arg3: memref<4096x256xi32, #tpu.memory_space<hbm>>, %arg4: memref<32768x256xi32, #tpu.memory_space<hbm>>, %arg5: memref<1024xi32, #tpu.memory_space<vmem>>, %arg6: memref<128x256xi32, #tpu.memory_space<vmem>>, %arg7: memref<128x256xi32, #tpu.memory_space<vmem>>, %arg8: memref<!tpu.dma_semaphore, #tpu.memory_space<semaphore_mem>>, %arg9: memref<!tpu.dma_semaphore, #tpu.memory_space<semaphore_mem>>) attributes {dimension_semantics = [#tpu.dimension_semantics<core_parallel>, #tpu.dimension_semantics<subcore_parallel>], iteration_bounds = array<i64: 2, 16>, scalar_prefetch = 0 : i64, scratch_operands = 5 : i64, tpu.core_type = #tpu.core_type<sc_vector_subcore>, window_params = [{transform_indices = #map}, {transform_indices = #map1}, {transform_indices = #map1}]} {
    %mul3A = arith.constant 2 : i32
    %mul3A_0 = arith.muli %arg1, %mul3A : i32
    %add3A = arith.addi %mul3A_0, %arg0 : i32
    %mul3A_1 = arith.constant 1024 : i32
    %mul3A_2 = arith.muli %add3A, %mul3A_1 : i32
    "tpu.region"() ({
      %run_scoped3A = tpu.sem_alloc : memref<!tpu.dma_semaphore, #tpu.memory_space<semaphore_mem>>
      %dma_start3A_11 = tpu.memref_slice %arg2[%mul3A_2] : memref<32768xi32, #tpu.memory_space<hbm>> -> memref<1024xi32, #tpu.memory_space<hbm>>
      %dma_start3A_12 = tpu.memref_slice %arg2[%mul3A_2] : memref<32768xi32, #tpu.memory_space<hbm>> -> memref<1024xi32, #tpu.memory_space<hbm>>
      tpu.enqueue_dma source(%dma_start3A_12 : memref<1024xi32, #tpu.memory_space<hbm>>) target(%arg5 : memref<1024xi32, #tpu.memory_space<vmem>>) target_semaphore(%run_scoped3A : memref<!tpu.dma_semaphore, #tpu.memory_space<semaphore_mem>>)
      %dma_wait3A = tpu.memref_slice %arg2[%mul3A_2] : memref<32768xi32, #tpu.memory_space<hbm>> -> memref<1024xi32, #tpu.memory_space<hbm>>
      %dma_wait3A_13 = tpu.memref_slice %arg2[%mul3A_2] : memref<32768xi32, #tpu.memory_space<hbm>> -> memref<1024xi32, #tpu.memory_space<hbm>>
      tpu.wait_dma2 semaphore(%run_scoped3A : memref<!tpu.dma_semaphore, #tpu.memory_space<semaphore_mem>>) src(%dma_wait3A_13 : memref<1024xi32, #tpu.memory_space<hbm>>) dst(%arg5 : memref<1024xi32, #tpu.memory_space<vmem>>)
      tpu.yield
    }) : () -> ()
    %dma_start3A = arith.constant 0 : i32
    %dma_start3A_3 = tpu.memref_slice %arg5[%dma_start3A] : memref<1024xi32, #tpu.memory_space<vmem>> -> memref<128xi32, #tpu.memory_space<vmem>>
    %dma_start3A_4 = arith.constant 0 : i32
    %dma_start3A_5 = arith.constant 0 : i32
    %dma_start3A_6 = tpu.memref_slice %arg3[%dma_start3A_4, %dma_start3A_5] : memref<4096x256xi32, #tpu.memory_space<hbm>> -> memref<4096x256xi32, #tpu.memory_space<hbm>>
    tpu.enqueue_indirect_dma source(%dma_start3A_6 : memref<4096x256xi32, #tpu.memory_space<hbm>>) target(%arg6 : memref<128x256xi32, #tpu.memory_space<vmem>>) offsets(%dma_start3A_3 : memref<128xi32, #tpu.memory_space<vmem>>) semaphore(%arg8 : memref<!tpu.dma_semaphore, #tpu.memory_space<semaphore_mem>>)
    %scan3A = arith.constant 0 : i32
    %scan3A_7 = arith.constant 4 : i32
    %scan3A_8 = arith.addi %scan3A, %scan3A_7 : i32
    %scan3A_9 = arith.constant 1 : i32
    scf.for %scan3A_11 = %scan3A to %scan3A_8 step %scan3A_9  : i32 {
      %mul3A_12 = arith.constant 2 : i32
      %mul3A_13 = arith.muli %scan3A_11, %mul3A_12 : i32
      %add3A_14 = arith.constant 0 : i32
      %add3A_15 = arith.addi %add3A_14, %mul3A_13 : i32
      %add3A_16 = arith.constant 1 : i32
      %add3A_17 = arith.addi %add3A_15, %add3A_16 : i32
      %mul3A_18 = arith.constant 128 : i32
      %mul3A_19 = arith.muli %add3A_17, %mul3A_18 : i32
      %dma_start3A_20 = tpu.memref_slice %arg5[%mul3A_19] : memref<1024xi32, #tpu.memory_space<vmem>> -> memref<128xi32, #tpu.memory_space<vmem>>
      %dma_start3A_21 = arith.constant 0 : i32
      %dma_start3A_22 = arith.constant 0 : i32
      %dma_start3A_23 = tpu.memref_slice %arg3[%dma_start3A_21, %dma_start3A_22] : memref<4096x256xi32, #tpu.memory_space<hbm>> -> memref<4096x256xi32, #tpu.memory_space<hbm>>
      tpu.enqueue_indirect_dma source(%dma_start3A_23 : memref<4096x256xi32, #tpu.memory_space<hbm>>) target(%arg7 : memref<128x256xi32, #tpu.memory_space<vmem>>) offsets(%dma_start3A_20 : memref<128xi32, #tpu.memory_space<vmem>>) semaphore(%arg9 : memref<!tpu.dma_semaphore, #tpu.memory_space<semaphore_mem>>)
      %mul3A_24 = arith.constant 128 : i32
      %mul3A_25 = arith.muli %add3A_15, %mul3A_24 : i32
      %dma_wait3A = tpu.memref_slice %arg5[%mul3A_25] : memref<1024xi32, #tpu.memory_space<vmem>> -> memref<128xi32, #tpu.memory_space<vmem>>
      %dma_wait3A_26 = arith.constant 0 : i32
      %dma_wait3A_27 = arith.constant 0 : i32
      %dma_wait3A_28 = tpu.memref_slice %arg3[%dma_wait3A_26, %dma_wait3A_27] : memref<4096x256xi32, #tpu.memory_space<hbm>> -> memref<4096x256xi32, #tpu.memory_space<hbm>>
      tpu.wait_indirect_dma semaphore(%arg8 : memref<!tpu.dma_semaphore, #tpu.memory_space<semaphore_mem>>) src(%dma_wait3A_28 : memref<4096x256xi32, #tpu.memory_space<hbm>>) dst(%arg6 : memref<128x256xi32, #tpu.memory_space<vmem>>)
      %mul3A_29 = arith.constant 128 : i32
      %mul3A_30 = arith.muli %add3A_15, %mul3A_29 : i32
      %add3A_31 = arith.addi %mul3A_2, %mul3A_30 : i32
      "tpu.region"() ({
        %run_scoped3A = tpu.sem_alloc : memref<!tpu.dma_semaphore, #tpu.memory_space<semaphore_mem>>
        %dma_start3A_49 = arith.constant 0 : i32
        %dma_start3A_50 = tpu.memref_slice %arg4[%add3A_31, %dma_start3A_49] : memref<32768x256xi32, #tpu.memory_space<hbm>> -> memref<128x256xi32, #tpu.memory_space<hbm>>
        %dma_start3A_51 = arith.constant 0 : i32
        %dma_start3A_52 = tpu.memref_slice %arg4[%add3A_31, %dma_start3A_51] : memref<32768x256xi32, #tpu.memory_space<hbm>> -> memref<128x256xi32, #tpu.memory_space<hbm>>
        tpu.enqueue_dma source(%arg6 : memref<128x256xi32, #tpu.memory_space<vmem>>) target(%dma_start3A_52 : memref<128x256xi32, #tpu.memory_space<hbm>>) target_semaphore(%run_scoped3A : memref<!tpu.dma_semaphore, #tpu.memory_space<semaphore_mem>>)
        %dma_wait3A_53 = arith.constant 0 : i32
        %dma_wait3A_54 = tpu.memref_slice %arg4[%add3A_31, %dma_wait3A_53] : memref<32768x256xi32, #tpu.memory_space<hbm>> -> memref<128x256xi32, #tpu.memory_space<hbm>>
        %dma_wait3A_55 = arith.constant 0 : i32
        %dma_wait3A_56 = tpu.memref_slice %arg4[%add3A_31, %dma_wait3A_55] : memref<32768x256xi32, #tpu.memory_space<hbm>> -> memref<128x256xi32, #tpu.memory_space<hbm>>
        tpu.wait_dma2 semaphore(%run_scoped3A : memref<!tpu.dma_semaphore, #tpu.memory_space<semaphore_mem>>) src(%arg6 : memref<128x256xi32, #tpu.memory_space<vmem>>) dst(%dma_wait3A_56 : memref<128x256xi32, #tpu.memory_space<hbm>>)
        tpu.yield
      }) : () -> ()
      %add3A_32 = arith.constant 2 : i32
      %add3A_33 = arith.addi %add3A_15, %add3A_32 : i32
      %lt3A = arith.constant 8 : i32
      %lt3A_34 = arith.cmpi slt, %add3A_33, %lt3A : i32
      %convert_element_type3A = arith.extui %lt3A_34 : i1 to i32
      %cond3A = arith.constant 0 : i32
      %cond3A_35 = arith.cmpi ne, %convert_element_type3A, %cond3A : i32
      scf.if %cond3A_35 {
        %add3A_49 = arith.constant 2 : i32
        %add3A_50 = arith.addi %add3A_15, %add3A_49 : i32
        %mul3A_51 = arith.constant 128 : i32
        %mul3A_52 = arith.muli %add3A_50, %mul3A_51 : i32
        %dma_start3A_53 = tpu.memref_slice %arg5[%mul3A_52] : memref<1024xi32, #tpu.memory_space<vmem>> -> memref<128xi32, #tpu.memory_space<vmem>>
        %dma_start3A_54 = arith.constant 0 : i32
        %dma_start3A_55 = arith.constant 0 : i32
        %dma_start3A_56 = tpu.memref_slice %arg3[%dma_start3A_54, %dma_start3A_55] : memref<4096x256xi32, #tpu.memory_space<hbm>> -> memref<4096x256xi32, #tpu.memory_space<hbm>>
        tpu.enqueue_indirect_dma source(%dma_start3A_56 : memref<4096x256xi32, #tpu.memory_space<hbm>>) target(%arg6 : memref<128x256xi32, #tpu.memory_space<vmem>>) offsets(%dma_start3A_53 : memref<128xi32, #tpu.memory_space<vmem>>) semaphore(%arg8 : memref<!tpu.dma_semaphore, #tpu.memory_space<semaphore_mem>>)
      } else {
      }
      %add3A_36 = arith.constant 1 : i32
      %add3A_37 = arith.addi %add3A_15, %add3A_36 : i32
      %mul3A_38 = arith.constant 128 : i32
      %mul3A_39 = arith.muli %add3A_37, %mul3A_38 : i32
      %dma_wait3A_40 = tpu.memref_slice %arg5[%mul3A_39] : memref<1024xi32, #tpu.memory_space<vmem>> -> memref<128xi32, #tpu.memory_space<vmem>>
      %dma_wait3A_41 = arith.constant 0 : i32
      %dma_wait3A_42 = arith.constant 0 : i32
      %dma_wait3A_43 = tpu.memref_slice %arg3[%dma_wait3A_41, %dma_wait3A_42] : memref<4096x256xi32, #tpu.memory_space<hbm>> -> memref<4096x256xi32, #tpu.memory_space<hbm>>
      tpu.wait_indirect_dma semaphore(%arg9 : memref<!tpu.dma_semaphore, #tpu.memory_space<semaphore_mem>>) src(%dma_wait3A_43 : memref<4096x256xi32, #tpu.memory_space<hbm>>) dst(%arg7 : memref<128x256xi32, #tpu.memory_space<vmem>>)
      %add3A_44 = arith.constant 1 : i32
      %add3A_45 = arith.addi %add3A_15, %add3A_44 : i32
      %mul3A_46 = arith.constant 128 : i32
      %mul3A_47 = arith.muli %add3A_45, %mul3A_46 : i32
      %add3A_48 = arith.addi %mul3A_2, %mul3A_47 : i32
      "tpu.region"() ({
        %run_scoped3A = tpu.sem_alloc : memref<!tpu.dma_semaphore, #tpu.memory_space<semaphore_mem>>
        %dma_start3A_49 = arith.constant 0 : i32
        %dma_start3A_50 = tpu.memref_slice %arg4[%add3A_48, %dma_start3A_49] : memref<32768x256xi32, #tpu.memory_space<hbm>> -> memref<128x256xi32, #tpu.memory_space<hbm>>
        %dma_start3A_51 = arith.constant 0 : i32
        %dma_start3A_52 = tpu.memref_slice %arg4[%add3A_48, %dma_start3A_51] : memref<32768x256xi32, #tpu.memory_space<hbm>> -> memref<128x256xi32, #tpu.memory_space<hbm>>
        tpu.enqueue_dma source(%arg7 : memref<128x256xi32, #tpu.memory_space<vmem>>) target(%dma_start3A_52 : memref<128x256xi32, #tpu.memory_space<hbm>>) target_semaphore(%run_scoped3A : memref<!tpu.dma_semaphore, #tpu.memory_space<semaphore_mem>>)
        %dma_wait3A_53 = arith.constant 0 : i32
        %dma_wait3A_54 = tpu.memref_slice %arg4[%add3A_48, %dma_wait3A_53] : memref<32768x256xi32, #tpu.memory_space<hbm>> -> memref<128x256xi32, #tpu.memory_space<hbm>>
        %dma_wait3A_55 = arith.constant 0 : i32
        %dma_wait3A_56 = tpu.memref_slice %arg4[%add3A_48, %dma_wait3A_55] : memref<32768x256xi32, #tpu.memory_space<hbm>> -> memref<128x256xi32, #tpu.memory_space<hbm>>
        tpu.wait_dma2 semaphore(%run_scoped3A : memref<!tpu.dma_semaphore, #tpu.memory_space<semaphore_mem>>) src(%arg7 : memref<128x256xi32, #tpu.memory_space<vmem>>) dst(%dma_wait3A_56 : memref<128x256xi32, #tpu.memory_space<hbm>>)
        tpu.yield
      }) : () -> ()
    }
    %scan3A_10 = arith.constant 4 : i32
    return
  }
}

#map = affine_map<(d0, d1) -> (0)>
#map1 = affine_map<(d0, d1) -> (0, 0)>
module attributes {stable_mosaic.version = 14 : i64} {
  func.func @gather_kernel(%arg0: i32, %arg1: i32, %arg2: memref<32768xi32, #tpu.memory_space<hbm>>, %arg3: memref<4096x256xi32, #tpu.memory_space<hbm>>, %arg4: memref<32768x256xi32, #tpu.memory_space<hbm>>, %arg5: memref<1024xi32, #tpu.memory_space<vmem>>, %arg6: memref<128x256xi32, #tpu.memory_space<vmem>>, %arg7: memref<128x256xi32, #tpu.memory_space<vmem>>, %arg8: memref<!tpu.dma_semaphore, #tpu.memory_space<semaphore_mem>>, %arg9: memref<!tpu.dma_semaphore, #tpu.memory_space<semaphore_mem>>) attributes {dimension_semantics = [#tpu.dimension_semantics<core_parallel>, #tpu.dimension_semantics<subcore_parallel>], iteration_bounds = array<i64: 2, 16>, scalar_prefetch = 0 : i64, scratch_operands = 5 : i64, tpu.core_type = #tpu.core_type<sc_vector_subcore>, window_params = [{transform_indices = #map}, {transform_indices = #map1}, {transform_indices = #map1}]} {
    %mul3A = arith.constant 2 : i32
    %mul3A_0 = arith.muli %arg1, %mul3A : i32
    %add3A = arith.addi %mul3A_0, %arg0 : i32
    %mul3A_1 = arith.constant 1024 : i32
    %mul3A_2 = arith.muli %add3A, %mul3A_1 : i32
    "tpu.region"() ({
      %run_scoped3A = tpu.sem_alloc : memref<!tpu.dma_semaphore, #tpu.memory_space<semaphore_mem>>
      %dma_start3A_11 = tpu.memref_slice %arg2[%mul3A_2] : memref<32768xi32, #tpu.memory_space<hbm>> -> memref<1024xi32, #tpu.memory_space<hbm>>
      %dma_start3A_12 = tpu.memref_slice %arg2[%mul3A_2] : memref<32768xi32, #tpu.memory_space<hbm>> -> memref<1024xi32, #tpu.memory_space<hbm>>
      tpu.enqueue_dma source(%dma_start3A_12 : memref<1024xi32, #tpu.memory_space<hbm>>) target(%arg5 : memref<1024xi32, #tpu.memory_space<vmem>>) target_semaphore(%run_scoped3A : memref<!tpu.dma_semaphore, #tpu.memory_space<semaphore_mem>>)
      %dma_wait3A = tpu.memref_slice %arg2[%mul3A_2] : memref<32768xi32, #tpu.memory_space<hbm>> -> memref<1024xi32, #tpu.memory_space<hbm>>
      %dma_wait3A_13 = tpu.memref_slice %arg2[%mul3A_2] : memref<32768xi32, #tpu.memory_space<hbm>> -> memref<1024xi32, #tpu.memory_space<hbm>>
      tpu.wait_dma2 semaphore(%run_scoped3A : memref<!tpu.dma_semaphore, #tpu.memory_space<semaphore_mem>>) src(%dma_wait3A_13 : memref<1024xi32, #tpu.memory_space<hbm>>) dst(%arg5 : memref<1024xi32, #tpu.memory_space<vmem>>)
      tpu.yield
    }) : () -> ()
    %dma_start3A = arith.constant 0 : i32
    %dma_start3A_3 = tpu.memref_slice %arg5[%dma_start3A] : memref<1024xi32, #tpu.memory_space<vmem>> -> memref<128xi32, #tpu.memory_space<vmem>>
    %dma_start3A_4 = arith.constant 0 : i32
    %dma_start3A_5 = arith.constant 0 : i32
    %dma_start3A_6 = tpu.memref_slice %arg3[%dma_start3A_4, %dma_start3A_5] : memref<4096x256xi32, #tpu.memory_space<hbm>> -> memref<4096x256xi32, #tpu.memory_space<hbm>>
    tpu.enqueue_indirect_dma source(%dma_start3A_6 : memref<4096x256xi32, #tpu.memory_space<hbm>>) target(%arg6 : memref<128x256xi32, #tpu.memory_space<vmem>>) offsets(%dma_start3A_3 : memref<128xi32, #tpu.memory_space<vmem>>) semaphore(%arg8 : memref<!tpu.dma_semaphore, #tpu.memory_space<semaphore_mem>>)
    %scan3A = arith.constant 0 : i32
    %scan3A_7 = arith.constant 4 : i32
    %scan3A_8 = arith.addi %scan3A, %scan3A_7 : i32
    %scan3A_9 = arith.constant 1 : i32
    scf.for %scan3A_11 = %scan3A to %scan3A_8 step %scan3A_9  : i32 {
      %mul3A_12 = arith.constant 2 : i32
      %mul3A_13 = arith.muli %scan3A_11, %mul3A_12 : i32
      %add3A_14 = arith.constant 0 : i32
      %add3A_15 = arith.addi %add3A_14, %mul3A_13 : i32
      %add3A_16 = arith.constant 1 : i32
      %add3A_17 = arith.addi %add3A_15, %add3A_16 : i32
      %mul3A_18 = arith.constant 128 : i32
      %mul3A_19 = arith.muli %add3A_17, %mul3A_18 : i32
      %dma_start3A_20 = tpu.memref_slice %arg5[%mul3A_19] : memref<1024xi32, #tpu.memory_space<vmem>> -> memref<128xi32, #tpu.memory_space<vmem>>
      %dma_start3A_21 = arith.constant 0 : i32
      %dma_start3A_22 = arith.constant 0 : i32
      %dma_start3A_23 = tpu.memref_slice %arg3[%dma_start3A_21, %dma_start3A_22] : memref<4096x256xi32, #tpu.memory_space<hbm>> -> memref<4096x256xi32, #tpu.memory_space<hbm>>
      tpu.enqueue_indirect_dma source(%dma_start3A_23 : memref<4096x256xi32, #tpu.memory_space<hbm>>) target(%arg7 : memref<128x256xi32, #tpu.memory_space<vmem>>) offsets(%dma_start3A_20 : memref<128xi32, #tpu.memory_space<vmem>>) semaphore(%arg9 : memref<!tpu.dma_semaphore, #tpu.memory_space<semaphore_mem>>)
      %mul3A_24 = arith.constant 128 : i32
      %mul3A_25 = arith.muli %add3A_15, %mul3A_24 : i32
      %dma_wait3A = tpu.memref_slice %arg5[%mul3A_25] : memref<1024xi32, #tpu.memory_space<vmem>> -> memref<128xi32, #tpu.memory_space<vmem>>
      %dma_wait3A_26 = arith.constant 0 : i32
      %dma_wait3A_27 = arith.constant 0 : i32
      %dma_wait3A_28 = tpu.memref_slice %arg3[%dma_wait3A_26, %dma_wait3A_27] : memref<4096x256xi32, #tpu.memory_space<hbm>> -> memref<4096x256xi32, #tpu.memory_space<hbm>>
      tpu.wait_indirect_dma semaphore(%arg8 : memref<!tpu.dma_semaphore, #tpu.memory_space<semaphore_mem>>) src(%dma_wait3A_28 : memref<4096x256xi32, #tpu.memory_space<hbm>>) dst(%arg6 : memref<128x256xi32, #tpu.memory_space<vmem>>)
      %mul3A_29 = arith.constant 128 : i32
      %mul3A_30 = arith.muli %add3A_15, %mul3A_29 : i32
      %add3A_31 = arith.addi %mul3A_2, %mul3A_30 : i32
      "tpu.region"() ({
        %run_scoped3A = tpu.sem_alloc : memref<!tpu.dma_semaphore, #tpu.memory_space<semaphore_mem>>
        %dma_start3A_49 = arith.constant 0 : i32
        %dma_start3A_50 = tpu.memref_slice %arg4[%add3A_31, %dma_start3A_49] : memref<32768x256xi32, #tpu.memory_space<hbm>> -> memref<128x256xi32, #tpu.memory_space<hbm>>
        %dma_start3A_51 = arith.constant 0 : i32
        %dma_start3A_52 = tpu.memref_slice %arg4[%add3A_31, %dma_start3A_51] : memref<32768x256xi32, #tpu.memory_space<hbm>> -> memref<128x256xi32, #tpu.memory_space<hbm>>
        tpu.enqueue_dma source(%arg6 : memref<128x256xi32, #tpu.memory_space<vmem>>) target(%dma_start3A_52 : memref<128x256xi32, #tpu.memory_space<hbm>>) target_semaphore(%run_scoped3A : memref<!tpu.dma_semaphore, #tpu.memory_space<semaphore_mem>>)
        %dma_wait3A_53 = arith.constant 0 : i32
        %dma_wait3A_54 = tpu.memref_slice %arg4[%add3A_31, %dma_wait3A_53] : memref<32768x256xi32, #tpu.memory_space<hbm>> -> memref<128x256xi32, #tpu.memory_space<hbm>>
        %dma_wait3A_55 = arith.constant 0 : i32
        %dma_wait3A_56 = tpu.memref_slice %arg4[%add3A_31, %dma_wait3A_55] : memref<32768x256xi32, #tpu.memory_space<hbm>> -> memref<128x256xi32, #tpu.memory_space<hbm>>
        tpu.wait_dma2 semaphore(%run_scoped3A : memref<!tpu.dma_semaphore, #tpu.memory_space<semaphore_mem>>) src(%arg6 : memref<128x256xi32, #tpu.memory_space<vmem>>) dst(%dma_wait3A_56 : memref<128x256xi32, #tpu.memory_space<hbm>>)
        tpu.yield
      }) : () -> ()
      %add3A_32 = arith.constant 2 : i32
      %add3A_33 = arith.addi %add3A_15, %add3A_32 : i32
      %lt3A = arith.constant 8 : i32
      %lt3A_34 = arith.cmpi slt, %add3A_33, %lt3A : i32
      %convert_element_type3A = arith.extui %lt3A_34 : i1 to i32
      %cond3A = arith.constant 0 : i32
      %cond3A_35 = arith.cmpi ne, %convert_element_type3A, %cond3A : i32
      scf.if %cond3A_35 {
        %add3A_49 = arith.constant 2 : i32
        %add3A_50 = arith.addi %add3A_15, %add3A_49 : i32
        %mul3A_51 = arith.constant 128 : i32
        %mul3A_52 = arith.muli %add3A_50, %mul3A_51 : i32
        %dma_start3A_53 = tpu.memref_slice %arg5[%mul3A_52] : memref<1024xi32, #tpu.memory_space<vmem>> -> memref<128xi32, #tpu.memory_space<vmem>>
        %dma_start3A_54 = arith.constant 0 : i32
        %dma_start3A_55 = arith.constant 0 : i32
        %dma_start3A_56 = tpu.memref_slice %arg3[%dma_start3A_54, %dma_start3A_55] : memref<4096x256xi32, #tpu.memory_space<hbm>> -> memref<4096x256xi32, #tpu.memory_space<hbm>>
        tpu.enqueue_indirect_dma source(%dma_start3A_56 : memref<4096x256xi32, #tpu.memory_space<hbm>>) target(%arg6 : memref<128x256xi32, #tpu.memory_space<vmem>>) offsets(%dma_start3A_53 : memref<128xi32, #tpu.memory_space<vmem>>) semaphore(%arg8 : memref<!tpu.dma_semaphore, #tpu.memory_space<semaphore_mem>>)
      } else {
      }
      %add3A_36 = arith.constant 1 : i32
      %add3A_37 = arith.addi %add3A_15, %add3A_36 : i32
      %mul3A_38 = arith.constant 128 : i32
      %mul3A_39 = arith.muli %add3A_37, %mul3A_38 : i32
      %dma_wait3A_40 = tpu.memref_slice %arg5[%mul3A_39] : memref<1024xi32, #tpu.memory_space<vmem>> -> memref<128xi32, #tpu.memory_space<vmem>>
      %dma_wait3A_41 = arith.constant 0 : i32
      %dma_wait3A_42 = arith.constant 0 : i32
      %dma_wait3A_43 = tpu.memref_slice %arg3[%dma_wait3A_41, %dma_wait3A_42] : memref<4096x256xi32, #tpu.memory_space<hbm>> -> memref<4096x256xi32, #tpu.memory_space<hbm>>
      tpu.wait_indirect_dma semaphore(%arg9 : memref<!tpu.dma_semaphore, #tpu.memory_space<semaphore_mem>>) src(%dma_wait3A_43 : memref<4096x256xi32, #tpu.memory_space<hbm>>) dst(%arg7 : memref<128x256xi32, #tpu.memory_space<vmem>>)
      %add3A_44 = arith.constant 1 : i32
      %add3A_45 = arith.addi %add3A_15, %add3A_44 : i32
      %mul3A_46 = arith.constant 128 : i32
      %mul3A_47 = arith.muli %add3A_45, %mul3A_46 : i32
      %add3A_48 = arith.addi %mul3A_2, %mul3A_47 : i32
      "tpu.region"() ({
        %run_scoped3A = tpu.sem_alloc : memref<!tpu.dma_semaphore, #tpu.memory_space<semaphore_mem>>
        %dma_start3A_49 = arith.constant 0 : i32
        %dma_start3A_50 = tpu.memref_slice %arg4[%add3A_48, %dma_start3A_49] : memref<32768x256xi32, #tpu.memory_space<hbm>> -> memref<128x256xi32, #tpu.memory_space<hbm>>
        %dma_start3A_51 = arith.constant 0 : i32
        %dma_start3A_52 = tpu.memref_slice %arg4[%add3A_48, %dma_start3A_51] : memref<32768x256xi32, #tpu.memory_space<hbm>> -> memref<128x256xi32, #tpu.memory_space<hbm>>
        tpu.enqueue_dma source(%arg7 : memref<128x256xi32, #tpu.memory_space<vmem>>) target(%dma_start3A_52 : memref<128x256xi32, #tpu.memory_space<hbm>>) target_semaphore(%run_scoped3A : memref<!tpu.dma_semaphore, #tpu.memory_space<semaphore_mem>>)
        %dma_wait3A_53 = arith.constant 0 : i32
        %dma_wait3A_54 = tpu.memref_slice %arg4[%add3A_48, %dma_wait3A_53] : memref<32768x256xi32, #tpu.memory_space<hbm>> -> memref<128x256xi32, #tpu.memory_space<hbm>>
        %dma_wait3A_55 = arith.constant 0 : i32
        %dma_wait3A_56 = tpu.memref_slice %arg4[%add3A_48, %dma_wait3A_55] : memref<32768x256xi32, #tpu.memory_space<hbm>> -> memref<128x256xi32, #tpu.memory_space<hbm>>
        tpu.wait_dma2 semaphore(%run_scoped3A : memref<!tpu.dma_semaphore, #tpu.memory_space<semaphore_mem>>) src(%arg7 : memref<128x256xi32, #tpu.memory_space<vmem>>) dst(%dma_wait3A_56 : memref<128x256xi32, #tpu.memory_space<hbm>>)
        tpu.yield
      }) : () -> ()
    }
    %scan3A_10 = arith.constant 4 : i32
    return
  }
}

module attributes {stable_mosaic.version = 14 : i64} {
  func.func @_kv_body(%arg0: i32, %arg1: memref<1024x256xf32, #tpu.memory_space<vmem>>, %arg2: memref<256x512xf32, #tpu.memory_space<vmem>>, %arg3: memref<1x512xf32, #tpu.memory_space<vmem>>, %arg4: memref<1024x256xi32, #tpu.memory_space<vmem>>) attributes {dimension_semantics = [#tpu.dimension_semantics<arbitrary>], iteration_bounds = array<i64: 4>, scalar_prefetch = 0 : i64, scratch_operands = 0 : i64, tpu.core_type = #tpu.core_type<tc>, window_params = [{transform_indices = @transform_0, window_bounds = array<i64: 1024, 256>}, {pipeline_mode = #tpu.pipeline_mode<synchronous>, transform_indices = @transform_1, window_bounds = array<i64: 256, 512>}, {pipeline_mode = #tpu.pipeline_mode<synchronous>, transform_indices = @transform_2, window_bounds = array<i64: 1, 512>}, {transform_indices = @transform_3, window_bounds = array<i64: 1024, 256>}]} {
    %get3A = arith.constant 0 : index
    %get3A_0 = arith.constant 0 : index
    %get3A_1 = vector.load %arg1[%get3A, %get3A_0] : memref<1024x256xf32, #tpu.memory_space<vmem>>, vector<1024x256xf32>
    %get3A_2 = arith.constant 0 : index
    %get3A_3 = arith.constant 0 : index
    %get3A_4 = vector.load %arg2[%get3A_2, %get3A_3] : memref<256x512xf32, #tpu.memory_space<vmem>>, vector<256x512xf32>
    %dot_general3A = arith.constant dense<0.000000e+00> : vector<1024x512xf32>
    %dot_general3A_5 = tpu.matmul %get3A_1, %get3A_4, %dot_general3A {dimension_numbers = #tpu.dot_dimension_numbers<[1], [0], [0], [1], [0, 0, 1, 1], [], []>, transpose_lhs_hint = false} : vector<1024x256xf32>, vector<256x512xf32>, vector<1024x512xf32> -> vector<1024x512xf32>
    %get3A_6 = arith.constant 0 : index
    %get3A_7 = arith.constant 0 : index
    %get3A_8 = vector.load %arg3[%get3A_6, %get3A_7] : memref<1x512xf32, #tpu.memory_space<vmem>>, vector<1x512xf32>
    %add3A = vector.broadcast %get3A_8 : vector<1x512xf32> to vector<1024x512xf32>
    %add3A_9 = arith.addf %dot_general3A_5, %add3A : vector<1024x512xf32>
    %slice3A = vector.extract_strided_slice %add3A_9 {offsets = [0, 0], sizes = [1024, 256], strides = [1, 1]} : vector<1024x512xf32> to vector<1024x256xf32>
    %bitcast_convert_type3A = tpu.bitcast %slice3A : vector<1024x256xf32> -> vector<1024x256xi32>
    %slice3A_10 = vector.extract_strided_slice %add3A_9 {offsets = [0, 256], sizes = [1024, 256], strides = [1, 1]} : vector<1024x512xf32> to vector<1024x256xf32>
    %bitcast_convert_type3A_11 = tpu.bitcast %slice3A_10 : vector<1024x256xf32> -> vector<1024x256xi32>
    %add3A_12 = arith.constant 32767 : i32
    %add3A_13 = vector.broadcast %add3A_12 : i32 to vector<1024x256xi32>
    %add3A_14 = arith.addi %bitcast_convert_type3A_11, %add3A_13 : vector<1024x256xi32>
    %shift_right_arithmetic3A = arith.constant 16 : i32
    %shift_right_arithmetic3A_15 = vector.broadcast %shift_right_arithmetic3A : i32 to vector<1024x256xi32>
    %shift_right_arithmetic3A_16 = arith.shrsi %bitcast_convert_type3A_11, %shift_right_arithmetic3A_15 : vector<1024x256xi32>
    %and3A = arith.constant 1 : i32
    %and3A_17 = vector.broadcast %and3A : i32 to vector<1024x256xi32>
    %and3A_18 = arith.andi %shift_right_arithmetic3A_16, %and3A_17 : vector<1024x256xi32>
    %add3A_19 = arith.addi %add3A_14, %and3A_18 : vector<1024x256xi32>
    %and3A_20 = arith.constant -65536 : i32
    %and3A_21 = vector.broadcast %and3A_20 : i32 to vector<1024x256xi32>
    %and3A_22 = arith.andi %add3A_19, %and3A_21 : vector<1024x256xi32>
    %add3A_23 = arith.constant 32767 : i32
    %add3A_24 = vector.broadcast %add3A_23 : i32 to vector<1024x256xi32>
    %add3A_25 = arith.addi %bitcast_convert_type3A, %add3A_24 : vector<1024x256xi32>
    %shift_right_arithmetic3A_26 = arith.constant 16 : i32
    %shift_right_arithmetic3A_27 = vector.broadcast %shift_right_arithmetic3A_26 : i32 to vector<1024x256xi32>
    %shift_right_arithmetic3A_28 = arith.shrsi %bitcast_convert_type3A, %shift_right_arithmetic3A_27 : vector<1024x256xi32>
    %and3A_29 = arith.constant 1 : i32
    %and3A_30 = vector.broadcast %and3A_29 : i32 to vector<1024x256xi32>
    %and3A_31 = arith.andi %shift_right_arithmetic3A_28, %and3A_30 : vector<1024x256xi32>
    %add3A_32 = arith.addi %add3A_25, %and3A_31 : vector<1024x256xi32>
    %shift_right_arithmetic3A_33 = arith.constant 16 : i32
    %shift_right_arithmetic3A_34 = vector.broadcast %shift_right_arithmetic3A_33 : i32 to vector<1024x256xi32>
    %shift_right_arithmetic3A_35 = arith.shrsi %add3A_32, %shift_right_arithmetic3A_34 : vector<1024x256xi32>
    %and3A_36 = arith.constant 65535 : i32
    %and3A_37 = vector.broadcast %and3A_36 : i32 to vector<1024x256xi32>
    %and3A_38 = arith.andi %shift_right_arithmetic3A_35, %and3A_37 : vector<1024x256xi32>
    %or3A = arith.ori %and3A_22, %and3A_38 : vector<1024x256xi32>
    %swap3A = arith.constant 0 : index
    %swap3A_39 = arith.constant 0 : index
    %swap3A_40 = vector.load %arg4[%swap3A, %swap3A_39] : memref<1024x256xi32, #tpu.memory_space<vmem>>, vector<1024x256xi32>
    tpu.vector_store %arg4[%swap3A, %swap3A_39], %or3A {strides = array<i32>} : memref<1024x256xi32, #tpu.memory_space<vmem>>, vector<1024x256xi32>,
    return
  }
  func.func @transform_0(%arg0: i32) -> (i32, i32) {
    %add3A = arith.constant 0 : i32
    %add3A_0 = arith.addi %add3A, %arg0 : i32
    %c0_i32 = arith.constant 0 : i32
    %c0_i32_1 = arith.constant 0 : i32
    return %add3A_0, %c0_i32 : i32, i32
  }
  func.func @transform_1(%arg0: i32) -> (i32, i32) {
    %c0_i32 = arith.constant 0 : i32
    %c0_i32_0 = arith.constant 0 : i32
    %c0_i32_1 = arith.constant 0 : i32
    return %c0_i32, %c0_i32_0 : i32, i32
  }
  func.func @transform_2(%arg0: i32) -> (i32, i32) {
    %c0_i32 = arith.constant 0 : i32
    %c0_i32_0 = arith.constant 0 : i32
    %c0_i32_1 = arith.constant 0 : i32
    return %c0_i32, %c0_i32_0 : i32, i32
  }
  func.func @transform_3(%arg0: i32) -> (i32, i32) {
    %c0_i32 = arith.constant 0 : i32
    %c0_i32_0 = arith.constant 0 : i32
    return %arg0, %c0_i32 : i32, i32
  }
}

module attributes {stable_mosaic.version = 14 : i64} {
  func.func @_kv_body(%arg0: i32, %arg1: memref<1024x256xf32, #tpu.memory_space<vmem>>, %arg2: memref<256x512xf32, #tpu.memory_space<vmem>>, %arg3: memref<1x512xf32, #tpu.memory_space<vmem>>, %arg4: memref<1024x256xi32, #tpu.memory_space<vmem>>) attributes {dimension_semantics = [#tpu.dimension_semantics<arbitrary>], iteration_bounds = array<i64: 4>, scalar_prefetch = 0 : i64, scratch_operands = 0 : i64, tpu.core_type = #tpu.core_type<tc>, window_params = [{transform_indices = @transform_0, window_bounds = array<i64: 1024, 256>}, {pipeline_mode = #tpu.pipeline_mode<synchronous>, transform_indices = @transform_1, window_bounds = array<i64: 256, 512>}, {pipeline_mode = #tpu.pipeline_mode<synchronous>, transform_indices = @transform_2, window_bounds = array<i64: 1, 512>}, {transform_indices = @transform_3, window_bounds = array<i64: 1024, 256>}]} {
    %get3A = arith.constant 0 : index
    %get3A_0 = arith.constant 0 : index
    %get3A_1 = vector.load %arg1[%get3A, %get3A_0] : memref<1024x256xf32, #tpu.memory_space<vmem>>, vector<1024x256xf32>
    %get3A_2 = arith.constant 0 : index
    %get3A_3 = arith.constant 0 : index
    %get3A_4 = vector.load %arg2[%get3A_2, %get3A_3] : memref<256x512xf32, #tpu.memory_space<vmem>>, vector<256x512xf32>
    %dot_general3A = arith.constant dense<0.000000e+00> : vector<1024x512xf32>
    %dot_general3A_5 = tpu.matmul %get3A_1, %get3A_4, %dot_general3A {dimension_numbers = #tpu.dot_dimension_numbers<[1], [0], [0], [1], [0, 0, 1, 1], [], []>, transpose_lhs_hint = false} : vector<1024x256xf32>, vector<256x512xf32>, vector<1024x512xf32> -> vector<1024x512xf32>
    %get3A_6 = arith.constant 0 : index
    %get3A_7 = arith.constant 0 : index
    %get3A_8 = vector.load %arg3[%get3A_6, %get3A_7] : memref<1x512xf32, #tpu.memory_space<vmem>>, vector<1x512xf32>
    %add3A = vector.broadcast %get3A_8 : vector<1x512xf32> to vector<1024x512xf32>
    %add3A_9 = arith.addf %dot_general3A_5, %add3A : vector<1024x512xf32>
    %slice3A = vector.extract_strided_slice %add3A_9 {offsets = [0, 0], sizes = [1024, 256], strides = [1, 1]} : vector<1024x512xf32> to vector<1024x256xf32>
    %bitcast_convert_type3A = tpu.bitcast %slice3A : vector<1024x256xf32> -> vector<1024x256xi32>
    %slice3A_10 = vector.extract_strided_slice %add3A_9 {offsets = [0, 256], sizes = [1024, 256], strides = [1, 1]} : vector<1024x512xf32> to vector<1024x256xf32>
    %bitcast_convert_type3A_11 = tpu.bitcast %slice3A_10 : vector<1024x256xf32> -> vector<1024x256xi32>
    %add3A_12 = arith.constant 32767 : i32
    %add3A_13 = vector.broadcast %add3A_12 : i32 to vector<1024x256xi32>
    %add3A_14 = arith.addi %bitcast_convert_type3A_11, %add3A_13 : vector<1024x256xi32>
    %shift_right_arithmetic3A = arith.constant 16 : i32
    %shift_right_arithmetic3A_15 = vector.broadcast %shift_right_arithmetic3A : i32 to vector<1024x256xi32>
    %shift_right_arithmetic3A_16 = arith.shrsi %bitcast_convert_type3A_11, %shift_right_arithmetic3A_15 : vector<1024x256xi32>
    %and3A = arith.constant 1 : i32
    %and3A_17 = vector.broadcast %and3A : i32 to vector<1024x256xi32>
    %and3A_18 = arith.andi %shift_right_arithmetic3A_16, %and3A_17 : vector<1024x256xi32>
    %add3A_19 = arith.addi %add3A_14, %and3A_18 : vector<1024x256xi32>
    %and3A_20 = arith.constant -65536 : i32
    %and3A_21 = vector.broadcast %and3A_20 : i32 to vector<1024x256xi32>
    %and3A_22 = arith.andi %add3A_19, %and3A_21 : vector<1024x256xi32>
    %add3A_23 = arith.constant 32767 : i32
    %add3A_24 = vector.broadcast %add3A_23 : i32 to vector<1024x256xi32>
    %add3A_25 = arith.addi %bitcast_convert_type3A, %add3A_24 : vector<1024x256xi32>
    %shift_right_arithmetic3A_26 = arith.constant 16 : i32
    %shift_right_arithmetic3A_27 = vector.broadcast %shift_right_arithmetic3A_26 : i32 to vector<1024x256xi32>
    %shift_right_arithmetic3A_28 = arith.shrsi %bitcast_convert_type3A, %shift_right_arithmetic3A_27 : vector<1024x256xi32>
    %and3A_29 = arith.constant 1 : i32
    %and3A_30 = vector.broadcast %and3A_29 : i32 to vector<1024x256xi32>
    %and3A_31 = arith.andi %shift_right_arithmetic3A_28, %and3A_30 : vector<1024x256xi32>
    %add3A_32 = arith.addi %add3A_25, %and3A_31 : vector<1024x256xi32>
    %shift_right_arithmetic3A_33 = arith.constant 16 : i32
    %shift_right_arithmetic3A_34 = vector.broadcast %shift_right_arithmetic3A_33 : i32 to vector<1024x256xi32>
    %shift_right_arithmetic3A_35 = arith.shrsi %add3A_32, %shift_right_arithmetic3A_34 : vector<1024x256xi32>
    %and3A_36 = arith.constant 65535 : i32
    %and3A_37 = vector.broadcast %and3A_36 : i32 to vector<1024x256xi32>
    %and3A_38 = arith.andi %shift_right_arithmetic3A_35, %and3A_37 : vector<1024x256xi32>
    %or3A = arith.ori %and3A_22, %and3A_38 : vector<1024x256xi32>
    %swap3A = arith.constant 0 : index
    %swap3A_39 = arith.constant 0 : index
    %swap3A_40 = vector.load %arg4[%swap3A, %swap3A_39] : memref<1024x256xi32, #tpu.memory_space<vmem>>, vector<1024x256xi32>
    tpu.vector_store %arg4[%swap3A, %swap3A_39], %or3A {strides = array<i32>} : memref<1024x256xi32, #tpu.memory_space<vmem>>, vector<1024x256xi32>,
    return
  }
  func.func @transform_0(%arg0: i32) -> (i32, i32) {
    %add3A = arith.constant 4 : i32
    %add3A_0 = arith.addi %add3A, %arg0 : i32
    %c0_i32 = arith.constant 0 : i32
    %c0_i32_1 = arith.constant 0 : i32
    return %add3A_0, %c0_i32 : i32, i32
  }
  func.func @transform_1(%arg0: i32) -> (i32, i32) {
    %c0_i32 = arith.constant 0 : i32
    %c0_i32_0 = arith.constant 0 : i32
    %c0_i32_1 = arith.constant 0 : i32
    return %c0_i32, %c0_i32_0 : i32, i32
  }
  func.func @transform_2(%arg0: i32) -> (i32, i32) {
    %c0_i32 = arith.constant 0 : i32
    %c0_i32_0 = arith.constant 0 : i32
    %c0_i32_1 = arith.constant 0 : i32
    return %c0_i32, %c0_i32_0 : i32, i32
  }
  func.func @transform_3(%arg0: i32) -> (i32, i32) {
    %c0_i32 = arith.constant 0 : i32
    %c0_i32_0 = arith.constant 0 : i32
    return %arg0, %c0_i32 : i32, i32
  }
}

module attributes {stable_mosaic.version = 14 : i64} {
  func.func @_attn_body(%arg0: i32, %arg1: memref<8192x256xi32, #tpu.memory_space<vmem>>, %arg2: memref<512x256xf32, #tpu.memory_space<vmem>>, %arg3: memref<256x256xf32, #tpu.memory_space<vmem>>, %arg4: memref<1x256xf32, #tpu.memory_space<vmem>>, %arg5: memref<256x8xf32, #tpu.memory_space<vmem>>, %arg6: memref<8x256xf32, #tpu.memory_space<vmem>>, %arg7: memref<256x256xf32, #tpu.memory_space<vmem>>, %arg8: memref<1x256xf32, #tpu.memory_space<vmem>>, %arg9: memref<1x256xf32, #tpu.memory_space<vmem>>, %arg10: memref<1x256xf32, #tpu.memory_space<vmem>>, %arg11: memref<256x512xf32, #tpu.memory_space<vmem>>, %arg12: memref<1x512xf32, #tpu.memory_space<vmem>>, %arg13: memref<512x256xf32, #tpu.memory_space<vmem>>, %arg14: memref<1x256xf32, #tpu.memory_space<vmem>>, %arg15: memref<1x256xf32, #tpu.memory_space<vmem>>, %arg16: memref<1x256xf32, #tpu.memory_space<vmem>>, %arg17: memref<512x256xf32, #tpu.memory_space<vmem>>) attributes {dimension_semantics = [#tpu.dimension_semantics<arbitrary>], iteration_bounds = array<i64: 4>, scalar_prefetch = 0 : i64, scratch_operands = 0 : i64, tpu.core_type = #tpu.core_type<tc>, window_params = [{transform_indices = @transform_0, window_bounds = array<i64: 8192, 256>}, {transform_indices = @transform_1, window_bounds = array<i64: 512, 256>}, {pipeline_mode = #tpu.pipeline_mode<synchronous>, transform_indices = @transform_2, window_bounds = array<i64: 256, 256>}, {pipeline_mode = #tpu.pipeline_mode<synchronous>, transform_indices = @transform_3, window_bounds = array<i64: 1, 256>}, {pipeline_mode = #tpu.pipeline_mode<synchronous>, transform_indices = @transform_4, window_bounds = array<i64: 256, 8>}, {pipeline_mode = #tpu.pipeline_mode<synchronous>, transform_indices = @transform_5, window_bounds = array<i64: 8, 256>}, {pipeline_mode = #tpu.pipeline_mode<synchronous>, transform_indices = @transform_6, window_bounds = array<i64: 256, 256>}, {pipeline_mode = #tpu.pipeline_mode<synchronous>, transform_indices = @transform_7, window_bounds = array<i64: 1, 256>}, {pipeline_mode = #tpu.pipeline_mode<synchronous>, transform_indices = @transform_8, window_bounds = array<i64: 1, 256>}, {pipeline_mode = #tpu.pipeline_mode<synchronous>, transform_indices = @transform_9, window_bounds = array<i64: 1, 256>}, {pipeline_mode = #tpu.pipeline_mode<synchronous>, transform_indices = @transform_10, window_bounds = array<i64: 256, 512>}, {pipeline_mode = #tpu.pipeline_mode<synchronous>, transform_indices = @transform_11, window_bounds = array<i64: 1, 512>}, {pipeline_mode = #tpu.pipeline_mode<synchronous>, transform_indices = @transform_12, window_bounds = array<i64: 512, 256>}, {pipeline_mode = #tpu.pipeline_mode<synchronous>, transform_indices = @transform_13, window_bounds = array<i64: 1, 256>}, {pipeline_mode = #tpu.pipeline_mode<synchronous>, transform_indices = @transform_14, window_bounds = array<i64: 1, 256>}, {pipeline_mode = #tpu.pipeline_mode<synchronous>, transform_indices = @transform_15, window_bounds = array<i64: 1, 256>}, {transform_indices = @transform_16, window_bounds = array<i64: 512, 256>}]} {
    %get3A = arith.constant 0 : index
    %get3A_0 = arith.constant 0 : index
    %get3A_1 = vector.load %arg2[%get3A, %get3A_0] : memref<512x256xf32, #tpu.memory_space<vmem>>, vector<512x256xf32>
    %get3A_2 = arith.constant 0 : index
    %get3A_3 = arith.constant 0 : index
    %get3A_4 = vector.load %arg3[%get3A_2, %get3A_3] : memref<256x256xf32, #tpu.memory_space<vmem>>, vector<256x256xf32>
    %dot_general3A = arith.constant dense<0.000000e+00> : vector<512x256xf32>
    %dot_general3A_5 = tpu.matmul %get3A_1, %get3A_4, %dot_general3A {dimension_numbers = #tpu.dot_dimension_numbers<[1], [0], [0], [1], [0, 0, 1, 1], [], []>, transpose_lhs_hint = false} : vector<512x256xf32>, vector<256x256xf32>, vector<512x256xf32> -> vector<512x256xf32>
    %get3A_6 = arith.constant 0 : index
    %get3A_7 = arith.constant 0 : index
    %get3A_8 = vector.load %arg4[%get3A_6, %get3A_7] : memref<1x256xf32, #tpu.memory_space<vmem>>, vector<1x256xf32>
    %add3A = vector.broadcast %get3A_8 : vector<1x256xf32> to vector<512x256xf32>
    %add3A_9 = arith.addf %dot_general3A_5, %add3A : vector<512x256xf32>
    %get3A_10 = arith.constant 0 : index
    %get3A_11 = arith.constant 0 : index
    %get3A_12 = vector.load %arg1[%get3A_10, %get3A_11] : memref<8192x256xi32, #tpu.memory_space<vmem>>, vector<8192x256xi32>
    %shift_left3A = arith.constant 16 : i32
    %shift_left3A_13 = vector.broadcast %shift_left3A : i32 to vector<8192x256xi32>
    %shift_left3A_14 = arith.shli %get3A_12, %shift_left3A_13 : vector<8192x256xi32>
    %bitcast_convert_type3A = tpu.bitcast %shift_left3A_14 : vector<8192x256xi32> -> vector<8192x256xf32>
    %and3A = arith.constant -65536 : i32
    %and3A_15 = vector.broadcast %and3A : i32 to vector<8192x256xi32>
    %and3A_16 = arith.andi %get3A_12, %and3A_15 : vector<8192x256xi32>
    %bitcast_convert_type3A_17 = tpu.bitcast %and3A_16 : vector<8192x256xi32> -> vector<8192x256xf32>
    %reshape3A = vector.shape_cast %add3A_9 : vector<512x256xf32> to vector<512x1x256xf32>
    %broadcast_in_dim3A = vector.shape_cast %reshape3A : vector<512x1x256xf32> to vector<512x1x256xf32>
    %broadcast_in_dim3A_18 = vector.broadcast %broadcast_in_dim3A : vector<512x1x256xf32> to vector<512x16x256xf32>
    %reshape3A_19 = vector.shape_cast %broadcast_in_dim3A_18 : vector<512x16x256xf32> to vector<8192x256xf32>
    %mul3A = arith.mulf %bitcast_convert_type3A, %reshape3A_19 : vector<8192x256xf32>
    %get3A_20 = arith.constant 0 : index
    %get3A_21 = arith.constant 0 : index
    %get3A_22 = vector.load %arg5[%get3A_20, %get3A_21] : memref<256x8xf32, #tpu.memory_space<vmem>>, vector<256x8xf32>
    %dot_general3A_23 = arith.constant dense<0.000000e+00> : vector<8192x8xf32>
    %dot_general3A_24 = tpu.matmul %mul3A, %get3A_22, %dot_general3A_23 {dimension_numbers = #tpu.dot_dimension_numbers<[1], [0], [0], [1], [0, 0, 1, 1], [], []>, transpose_lhs_hint = false} : vector<8192x256xf32>, vector<256x8xf32>, vector<8192x8xf32> -> vector<8192x8xf32>
    %mul3A_25 = arith.constant 0.176776692 : f32
    %mul3A_26 = vector.broadcast %mul3A_25 : f32 to vector<8192x8xf32>
    %mul3A_27 = arith.mulf %dot_general3A_24, %mul3A_26 : vector<8192x8xf32>
    %reshape3A_28 = vector.shape_cast %mul3A_27 : vector<8192x8xf32> to vector<512x16x8xf32>
    %reduce_max3A = arith.constant dense<0xFF800000> : vector<512x8xf32>
    %reduce_max3A_29 = vector.multi_reduction <maximumf>, %reshape3A_28, %reduce_max3A [1] : vector<512x16x8xf32> to vector<512x8xf32>
    %broadcast_in_dim3A_30 = vector.shape_cast %reduce_max3A_29 : vector<512x8xf32> to vector<512x1x8xf32>
    %sub3A = vector.broadcast %broadcast_in_dim3A_30 : vector<512x1x8xf32> to vector<512x16x8xf32>
    %sub3A_31 = arith.subf %reshape3A_28, %sub3A : vector<512x16x8xf32>
    %exp3A = math.exp %sub3A_31 : vector<512x16x8xf32>
    %reduce_sum3A = arith.constant dense<0.000000e+00> : vector<512x8xf32>
    %reduce_sum3A_32 = vector.multi_reduction <add>, %exp3A, %reduce_sum3A [1] : vector<512x16x8xf32> to vector<512x8xf32>
    %broadcast_in_dim3A_33 = vector.shape_cast %reduce_sum3A_32 : vector<512x8xf32> to vector<512x1x8xf32>
    %div3A = vector.broadcast %broadcast_in_dim3A_33 : vector<512x1x8xf32> to vector<512x16x8xf32>
    %div3A_34 = arith.divf %exp3A, %div3A : vector<512x16x8xf32>
    %reshape3A_35 = vector.shape_cast %div3A_34 : vector<512x16x8xf32> to vector<8192x8xf32>
    %get3A_36 = arith.constant 0 : index
    %get3A_37 = arith.constant 0 : index
    %get3A_38 = vector.load %arg6[%get3A_36, %get3A_37] : memref<8x256xf32, #tpu.memory_space<vmem>>, vector<8x256xf32>
    %dot_general3A_39 = arith.constant dense<0.000000e+00> : vector<8192x256xf32>
    %dot_general3A_40 = tpu.matmul %reshape3A_35, %get3A_38, %dot_general3A_39 {dimension_numbers = #tpu.dot_dimension_numbers<[1], [0], [0], [1], [0, 0, 1, 1], [], []>, transpose_lhs_hint = false} : vector<8192x8xf32>, vector<8x256xf32>, vector<8192x256xf32> -> vector<8192x256xf32>
    %mul3A_41 = arith.mulf %dot_general3A_40, %bitcast_convert_type3A_17 : vector<8192x256xf32>
    %reshape3A_42 = vector.shape_cast %mul3A_41 : vector<8192x256xf32> to vector<512x16x256xf32>
    %reduce_sum3A_43 = arith.constant dense<0.000000e+00> : vector<512x256xf32>
    %reduce_sum3A_44 = vector.multi_reduction <add>, %reshape3A_42, %reduce_sum3A_43 [1] : vector<512x16x256xf32> to vector<512x256xf32>
    %get3A_45 = arith.constant 0 : index
    %get3A_46 = arith.constant 0 : index
    %get3A_47 = vector.load %arg7[%get3A_45, %get3A_46] : memref<256x256xf32, #tpu.memory_space<vmem>>, vector<256x256xf32>
    %dot_general3A_48 = arith.constant dense<0.000000e+00> : vector<512x256xf32>
    %dot_general3A_49 = tpu.matmul %reduce_sum3A_44, %get3A_47, %dot_general3A_48 {dimension_numbers = #tpu.dot_dimension_numbers<[1], [0], [0], [1], [0, 0, 1, 1], [], []>, transpose_lhs_hint = false} : vector<512x256xf32>, vector<256x256xf32>, vector<512x256xf32> -> vector<512x256xf32>
    %get3A_50 = arith.constant 0 : index
    %get3A_51 = arith.constant 0 : index
    %get3A_52 = vector.load %arg8[%get3A_50, %get3A_51] : memref<1x256xf32, #tpu.memory_space<vmem>>, vector<1x256xf32>
    %add3A_53 = vector.broadcast %get3A_52 : vector<1x256xf32> to vector<512x256xf32>
    %add3A_54 = arith.addf %dot_general3A_49, %add3A_53 : vector<512x256xf32>
    %add3A_55 = arith.addf %add3A_54, %get3A_1 : vector<512x256xf32>
    %get3A_56 = arith.constant 0 : index
    %get3A_57 = arith.constant 0 : index
    %get3A_58 = vector.load %arg9[%get3A_56, %get3A_57] : memref<1x256xf32, #tpu.memory_space<vmem>>, vector<1x256xf32>
    %get3A_59 = arith.constant 0 : index
    %get3A_60 = arith.constant 0 : index
    %get3A_61 = vector.load %arg10[%get3A_59, %get3A_60] : memref<1x256xf32, #tpu.memory_space<vmem>>, vector<1x256xf32>
    %reduce_sum3A_62 = arith.constant dense<0.000000e+00> : vector<512xf32>
    %reduce_sum3A_63 = vector.multi_reduction <add>, %add3A_55, %reduce_sum3A_62 [1] : vector<512x256xf32> to vector<512xf32>
    %broadcast_in_dim3A_64 = vector.shape_cast %reduce_sum3A_63 : vector<512xf32> to vector<512x1xf32>
    %div3A_65 = arith.constant 2.560000e+02 : f32
    %div3A_66 = vector.broadcast %div3A_65 : f32 to vector<512x1xf32>
    %div3A_67 = arith.divf %broadcast_in_dim3A_64, %div3A_66 : vector<512x1xf32>
    %sub3A_68 = vector.broadcast %div3A_67 : vector<512x1xf32> to vector<512x256xf32>
    %sub3A_69 = arith.subf %add3A_55, %sub3A_68 : vector<512x256xf32>
    %integer_pow3A = arith.mulf %sub3A_69, %sub3A_69 : vector<512x256xf32>
    %reduce_sum3A_70 = arith.constant dense<0.000000e+00> : vector<512xf32>
    %reduce_sum3A_71 = vector.multi_reduction <add>, %integer_pow3A, %reduce_sum3A_70 [1] : vector<512x256xf32> to vector<512xf32>
    %broadcast_in_dim3A_72 = vector.shape_cast %reduce_sum3A_71 : vector<512xf32> to vector<512x1xf32>
    %div3A_73 = arith.constant 2.560000e+02 : f32
    %div3A_74 = vector.broadcast %div3A_73 : f32 to vector<512x1xf32>
    %div3A_75 = arith.divf %broadcast_in_dim3A_72, %div3A_74 : vector<512x1xf32>
    %sub3A_76 = vector.broadcast %div3A_67 : vector<512x1xf32> to vector<512x256xf32>
    %sub3A_77 = arith.subf %add3A_55, %sub3A_76 : vector<512x256xf32>
    %add3A_78 = arith.constant 9.99999974E-6 : f32
    %add3A_79 = vector.broadcast %add3A_78 : f32 to vector<512x1xf32>
    %add3A_80 = arith.addf %div3A_75, %add3A_79 : vector<512x1xf32>
    %rsqrt3A = math.rsqrt %add3A_80 : vector<512x1xf32>
    %mul3A_81 = vector.broadcast %rsqrt3A : vector<512x1xf32> to vector<512x256xf32>
    %mul3A_82 = arith.mulf %sub3A_77, %mul3A_81 : vector<512x256xf32>
    %mul3A_83 = vector.broadcast %get3A_58 : vector<1x256xf32> to vector<512x256xf32>
    %mul3A_84 = arith.mulf %mul3A_82, %mul3A_83 : vector<512x256xf32>
    %add3A_85 = vector.broadcast %get3A_61 : vector<1x256xf32> to vector<512x256xf32>
    %add3A_86 = arith.addf %mul3A_84, %add3A_85 : vector<512x256xf32>
    %get3A_87 = arith.constant 0 : index
    %get3A_88 = arith.constant 0 : index
    %get3A_89 = vector.load %arg11[%get3A_87, %get3A_88] : memref<256x512xf32, #tpu.memory_space<vmem>>, vector<256x512xf32>
    %dot_general3A_90 = arith.constant dense<0.000000e+00> : vector<512x512xf32>
    %dot_general3A_91 = tpu.matmul %add3A_86, %get3A_89, %dot_general3A_90 {dimension_numbers = #tpu.dot_dimension_numbers<[1], [0], [0], [1], [0, 0, 1, 1], [], []>, transpose_lhs_hint = false} : vector<512x256xf32>, vector<256x512xf32>, vector<512x512xf32> -> vector<512x512xf32>
    %get3A_92 = arith.constant 0 : index
    %get3A_93 = arith.constant 0 : index
    %get3A_94 = vector.load %arg12[%get3A_92, %get3A_93] : memref<1x512xf32, #tpu.memory_space<vmem>>, vector<1x512xf32>
    %add3A_95 = vector.broadcast %get3A_94 : vector<1x512xf32> to vector<512x512xf32>
    %add3A_96 = arith.addf %dot_general3A_91, %add3A_95 : vector<512x512xf32>
    %max3A = arith.constant 0.000000e+00 : f32
    %max3A_97 = vector.broadcast %max3A : f32 to vector<512x512xf32>
    %max3A_98 = arith.maximumf %add3A_96, %max3A_97 : vector<512x512xf32>
    %get3A_99 = arith.constant 0 : index
    %get3A_100 = arith.constant 0 : index
    %get3A_101 = vector.load %arg13[%get3A_99, %get3A_100] : memref<512x256xf32, #tpu.memory_space<vmem>>, vector<512x256xf32>
    %dot_general3A_102 = arith.constant dense<0.000000e+00> : vector<512x256xf32>
    %dot_general3A_103 = tpu.matmul %max3A_98, %get3A_101, %dot_general3A_102 {dimension_numbers = #tpu.dot_dimension_numbers<[1], [0], [0], [1], [0, 0, 1, 1], [], []>, transpose_lhs_hint = false} : vector<512x512xf32>, vector<512x256xf32>, vector<512x256xf32> -> vector<512x256xf32>
    %get3A_104 = arith.constant 0 : index
    %get3A_105 = arith.constant 0 : index
    %get3A_106 = vector.load %arg14[%get3A_104, %get3A_105] : memref<1x256xf32, #tpu.memory_space<vmem>>, vector<1x256xf32>
    %add3A_107 = vector.broadcast %get3A_106 : vector<1x256xf32> to vector<512x256xf32>
    %add3A_108 = arith.addf %dot_general3A_103, %add3A_107 : vector<512x256xf32>
    %add3A_109 = arith.addf %add3A_86, %add3A_108 : vector<512x256xf32>
    %get3A_110 = arith.constant 0 : index
    %get3A_111 = arith.constant 0 : index
    %get3A_112 = vector.load %arg15[%get3A_110, %get3A_111] : memref<1x256xf32, #tpu.memory_space<vmem>>, vector<1x256xf32>
    %get3A_113 = arith.constant 0 : index
    %get3A_114 = arith.constant 0 : index
    %get3A_115 = vector.load %arg16[%get3A_113, %get3A_114] : memref<1x256xf32, #tpu.memory_space<vmem>>, vector<1x256xf32>
    %reduce_sum3A_116 = arith.constant dense<0.000000e+00> : vector<512xf32>
    %reduce_sum3A_117 = vector.multi_reduction <add>, %add3A_109, %reduce_sum3A_116 [1] : vector<512x256xf32> to vector<512xf32>
    %broadcast_in_dim3A_118 = vector.shape_cast %reduce_sum3A_117 : vector<512xf32> to vector<512x1xf32>
    %div3A_119 = arith.constant 2.560000e+02 : f32
    %div3A_120 = vector.broadcast %div3A_119 : f32 to vector<512x1xf32>
    %div3A_121 = arith.divf %broadcast_in_dim3A_118, %div3A_120 : vector<512x1xf32>
    %sub3A_122 = vector.broadcast %div3A_121 : vector<512x1xf32> to vector<512x256xf32>
    %sub3A_123 = arith.subf %add3A_109, %sub3A_122 : vector<512x256xf32>
    %integer_pow3A_124 = arith.mulf %sub3A_123, %sub3A_123 : vector<512x256xf32>
    %reduce_sum3A_125 = arith.constant dense<0.000000e+00> : vector<512xf32>
    %reduce_sum3A_126 = vector.multi_reduction <add>, %integer_pow3A_124, %reduce_sum3A_125 [1] : vector<512x256xf32> to vector<512xf32>
    %broadcast_in_dim3A_127 = vector.shape_cast %reduce_sum3A_126 : vector<512xf32> to vector<512x1xf32>
    %div3A_128 = arith.constant 2.560000e+02 : f32
    %div3A_129 = vector.broadcast %div3A_128 : f32 to vector<512x1xf32>
    %div3A_130 = arith.divf %broadcast_in_dim3A_127, %div3A_129 : vector<512x1xf32>
    %sub3A_131 = vector.broadcast %div3A_121 : vector<512x1xf32> to vector<512x256xf32>
    %sub3A_132 = arith.subf %add3A_109, %sub3A_131 : vector<512x256xf32>
    %add3A_133 = arith.constant 9.99999974E-6 : f32
    %add3A_134 = vector.broadcast %add3A_133 : f32 to vector<512x1xf32>
    %add3A_135 = arith.addf %div3A_130, %add3A_134 : vector<512x1xf32>
    %rsqrt3A_136 = math.rsqrt %add3A_135 : vector<512x1xf32>
    %mul3A_137 = vector.broadcast %rsqrt3A_136 : vector<512x1xf32> to vector<512x256xf32>
    %mul3A_138 = arith.mulf %sub3A_132, %mul3A_137 : vector<512x256xf32>
    %mul3A_139 = vector.broadcast %get3A_112 : vector<1x256xf32> to vector<512x256xf32>
    %mul3A_140 = arith.mulf %mul3A_138, %mul3A_139 : vector<512x256xf32>
    %add3A_141 = vector.broadcast %get3A_115 : vector<1x256xf32> to vector<512x256xf32>
    %add3A_142 = arith.addf %mul3A_140, %add3A_141 : vector<512x256xf32>
    %swap3A = arith.constant 0 : index
    %swap3A_143 = arith.constant 0 : index
    %swap3A_144 = vector.load %arg17[%swap3A, %swap3A_143] : memref<512x256xf32, #tpu.memory_space<vmem>>, vector<512x256xf32>
    tpu.vector_store %arg17[%swap3A, %swap3A_143], %add3A_142 {strides = array<i32>} : memref<512x256xf32, #tpu.memory_space<vmem>>, vector<512x256xf32>,
    return
  }
  func.func @transform_0(%arg0: i32) -> (i32, i32) {
    %c0_i32 = arith.constant 0 : i32
    %c0_i32_0 = arith.constant 0 : i32
    return %arg0, %c0_i32 : i32, i32
  }
  func.func @transform_1(%arg0: i32) -> (i32, i32) {
    %add3A = arith.constant 12 : i32
    %add3A_0 = arith.addi %add3A, %arg0 : i32
    %c0_i32 = arith.constant 0 : i32
    %c0_i32_1 = arith.constant 0 : i32
    return %add3A_0, %c0_i32 : i32, i32
  }
  func.func @transform_2(%arg0: i32) -> (i32, i32) {
    %c0_i32 = arith.constant 0 : i32
    %c0_i32_0 = arith.constant 0 : i32
    %c0_i32_1 = arith.constant 0 : i32
    return %c0_i32, %c0_i32_0 : i32, i32
  }
  func.func @transform_3(%arg0: i32) -> (i32, i32) {
    %c0_i32 = arith.constant 0 : i32
    %c0_i32_0 = arith.constant 0 : i32
    %c0_i32_1 = arith.constant 0 : i32
    return %c0_i32, %c0_i32_0 : i32, i32
  }
  func.func @transform_4(%arg0: i32) -> (i32, i32) {
    %c0_i32 = arith.constant 0 : i32
    %c0_i32_0 = arith.constant 0 : i32
    %c0_i32_1 = arith.constant 0 : i32
    return %c0_i32, %c0_i32_0 : i32, i32
  }
  func.func @transform_5(%arg0: i32) -> (i32, i32) {
    %c0_i32 = arith.constant 0 : i32
    %c0_i32_0 = arith.constant 0 : i32
    %c0_i32_1 = arith.constant 0 : i32
    return %c0_i32, %c0_i32_0 : i32, i32
  }
  func.func @transform_6(%arg0: i32) -> (i32, i32) {
    %c0_i32 = arith.constant 0 : i32
    %c0_i32_0 = arith.constant 0 : i32
    %c0_i32_1 = arith.constant 0 : i32
    return %c0_i32, %c0_i32_0 : i32, i32
  }
  func.func @transform_7(%arg0: i32) -> (i32, i32) {
    %c0_i32 = arith.constant 0 : i32
    %c0_i32_0 = arith.constant 0 : i32
    %c0_i32_1 = arith.constant 0 : i32
    return %c0_i32, %c0_i32_0 : i32, i32
  }
  func.func @transform_8(%arg0: i32) -> (i32, i32) {
    %c0_i32 = arith.constant 0 : i32
    %c0_i32_0 = arith.constant 0 : i32
    %c0_i32_1 = arith.constant 0 : i32
    return %c0_i32, %c0_i32_0 : i32, i32
  }
  func.func @transform_9(%arg0: i32) -> (i32, i32) {
    %c0_i32 = arith.constant 0 : i32
    %c0_i32_0 = arith.constant 0 : i32
    %c0_i32_1 = arith.constant 0 : i32
    return %c0_i32, %c0_i32_0 : i32, i32
  }
  func.func @transform_10(%arg0: i32) -> (i32, i32) {
    %c0_i32 = arith.constant 0 : i32
    %c0_i32_0 = arith.constant 0 : i32
    %c0_i32_1 = arith.constant 0 : i32
    return %c0_i32, %c0_i32_0 : i32, i32
  }
  func.func @transform_11(%arg0: i32) -> (i32, i32) {
    %c0_i32 = arith.constant 0 : i32
    %c0_i32_0 = arith.constant 0 : i32
    %c0_i32_1 = arith.constant 0 : i32
    return %c0_i32, %c0_i32_0 : i32, i32
  }
  func.func @transform_12(%arg0: i32) -> (i32, i32) {
    %c0_i32 = arith.constant 0 : i32
    %c0_i32_0 = arith.constant 0 : i32
    %c0_i32_1 = arith.constant 0 : i32
    return %c0_i32, %c0_i32_0 : i32, i32
  }
  func.func @transform_13(%arg0: i32) -> (i32, i32) {
    %c0_i32 = arith.constant 0 : i32
    %c0_i32_0 = arith.constant 0 : i32
    %c0_i32_1 = arith.constant 0 : i32
    return %c0_i32, %c0_i32_0 : i32, i32
  }
  func.func @transform_14(%arg0: i32) -> (i32, i32) {
    %c0_i32 = arith.constant 0 : i32
    %c0_i32_0 = arith.constant 0 : i32
    %c0_i32_1 = arith.constant 0 : i32
    return %c0_i32, %c0_i32_0 : i32, i32
  }
  func.func @transform_15(%arg0: i32) -> (i32, i32) {
    %c0_i32 = arith.constant 0 : i32
    %c0_i32_0 = arith.constant 0 : i32
    %c0_i32_1 = arith.constant 0 : i32
    return %c0_i32, %c0_i32_0 : i32, i32
  }
  func.func @transform_16(%arg0: i32) -> (i32, i32) {
    %c0_i32 = arith.constant 0 : i32
    %c0_i32_0 = arith.constant 0 : i32
    return %arg0, %c0_i32 : i32, i32
  }
}

module attributes {stable_mosaic.version = 14 : i64} {
  func.func @_attn_body(%arg0: i32, %arg1: memref<8192x256xi32, #tpu.memory_space<vmem>>, %arg2: memref<512x256xf32, #tpu.memory_space<vmem>>, %arg3: memref<256x256xf32, #tpu.memory_space<vmem>>, %arg4: memref<1x256xf32, #tpu.memory_space<vmem>>, %arg5: memref<256x8xf32, #tpu.memory_space<vmem>>, %arg6: memref<8x256xf32, #tpu.memory_space<vmem>>, %arg7: memref<256x256xf32, #tpu.memory_space<vmem>>, %arg8: memref<1x256xf32, #tpu.memory_space<vmem>>, %arg9: memref<1x256xf32, #tpu.memory_space<vmem>>, %arg10: memref<1x256xf32, #tpu.memory_space<vmem>>, %arg11: memref<256x512xf32, #tpu.memory_space<vmem>>, %arg12: memref<1x512xf32, #tpu.memory_space<vmem>>, %arg13: memref<512x256xf32, #tpu.memory_space<vmem>>, %arg14: memref<1x256xf32, #tpu.memory_space<vmem>>, %arg15: memref<1x256xf32, #tpu.memory_space<vmem>>, %arg16: memref<1x256xf32, #tpu.memory_space<vmem>>, %arg17: memref<512x256xf32, #tpu.memory_space<vmem>>) attributes {dimension_semantics = [#tpu.dimension_semantics<arbitrary>], iteration_bounds = array<i64: 4>, scalar_prefetch = 0 : i64, scratch_operands = 0 : i64, tpu.core_type = #tpu.core_type<tc>, window_params = [{transform_indices = @transform_0, window_bounds = array<i64: 8192, 256>}, {transform_indices = @transform_1, window_bounds = array<i64: 512, 256>}, {pipeline_mode = #tpu.pipeline_mode<synchronous>, transform_indices = @transform_2, window_bounds = array<i64: 256, 256>}, {pipeline_mode = #tpu.pipeline_mode<synchronous>, transform_indices = @transform_3, window_bounds = array<i64: 1, 256>}, {pipeline_mode = #tpu.pipeline_mode<synchronous>, transform_indices = @transform_4, window_bounds = array<i64: 256, 8>}, {pipeline_mode = #tpu.pipeline_mode<synchronous>, transform_indices = @transform_5, window_bounds = array<i64: 8, 256>}, {pipeline_mode = #tpu.pipeline_mode<synchronous>, transform_indices = @transform_6, window_bounds = array<i64: 256, 256>}, {pipeline_mode = #tpu.pipeline_mode<synchronous>, transform_indices = @transform_7, window_bounds = array<i64: 1, 256>}, {pipeline_mode = #tpu.pipeline_mode<synchronous>, transform_indices = @transform_8, window_bounds = array<i64: 1, 256>}, {pipeline_mode = #tpu.pipeline_mode<synchronous>, transform_indices = @transform_9, window_bounds = array<i64: 1, 256>}, {pipeline_mode = #tpu.pipeline_mode<synchronous>, transform_indices = @transform_10, window_bounds = array<i64: 256, 512>}, {pipeline_mode = #tpu.pipeline_mode<synchronous>, transform_indices = @transform_11, window_bounds = array<i64: 1, 512>}, {pipeline_mode = #tpu.pipeline_mode<synchronous>, transform_indices = @transform_12, window_bounds = array<i64: 512, 256>}, {pipeline_mode = #tpu.pipeline_mode<synchronous>, transform_indices = @transform_13, window_bounds = array<i64: 1, 256>}, {pipeline_mode = #tpu.pipeline_mode<synchronous>, transform_indices = @transform_14, window_bounds = array<i64: 1, 256>}, {pipeline_mode = #tpu.pipeline_mode<synchronous>, transform_indices = @transform_15, window_bounds = array<i64: 1, 256>}, {transform_indices = @transform_16, window_bounds = array<i64: 512, 256>}]} {
    %get3A = arith.constant 0 : index
    %get3A_0 = arith.constant 0 : index
    %get3A_1 = vector.load %arg2[%get3A, %get3A_0] : memref<512x256xf32, #tpu.memory_space<vmem>>, vector<512x256xf32>
    %get3A_2 = arith.constant 0 : index
    %get3A_3 = arith.constant 0 : index
    %get3A_4 = vector.load %arg3[%get3A_2, %get3A_3] : memref<256x256xf32, #tpu.memory_space<vmem>>, vector<256x256xf32>
    %dot_general3A = arith.constant dense<0.000000e+00> : vector<512x256xf32>
    %dot_general3A_5 = tpu.matmul %get3A_1, %get3A_4, %dot_general3A {dimension_numbers = #tpu.dot_dimension_numbers<[1], [0], [0], [1], [0, 0, 1, 1], [], []>, transpose_lhs_hint = false} : vector<512x256xf32>, vector<256x256xf32>, vector<512x256xf32> -> vector<512x256xf32>
    %get3A_6 = arith.constant 0 : index
    %get3A_7 = arith.constant 0 : index
    %get3A_8 = vector.load %arg4[%get3A_6, %get3A_7] : memref<1x256xf32, #tpu.memory_space<vmem>>, vector<1x256xf32>
    %add3A = vector.broadcast %get3A_8 : vector<1x256xf32> to vector<512x256xf32>
    %add3A_9 = arith.addf %dot_general3A_5, %add3A : vector<512x256xf32>
    %get3A_10 = arith.constant 0 : index
    %get3A_11 = arith.constant 0 : index
    %get3A_12 = vector.load %arg1[%get3A_10, %get3A_11] : memref<8192x256xi32, #tpu.memory_space<vmem>>, vector<8192x256xi32>
    %shift_left3A = arith.constant 16 : i32
    %shift_left3A_13 = vector.broadcast %shift_left3A : i32 to vector<8192x256xi32>
    %shift_left3A_14 = arith.shli %get3A_12, %shift_left3A_13 : vector<8192x256xi32>
    %bitcast_convert_type3A = tpu.bitcast %shift_left3A_14 : vector<8192x256xi32> -> vector<8192x256xf32>
    %and3A = arith.constant -65536 : i32
    %and3A_15 = vector.broadcast %and3A : i32 to vector<8192x256xi32>
    %and3A_16 = arith.andi %get3A_12, %and3A_15 : vector<8192x256xi32>
    %bitcast_convert_type3A_17 = tpu.bitcast %and3A_16 : vector<8192x256xi32> -> vector<8192x256xf32>
    %reshape3A = vector.shape_cast %add3A_9 : vector<512x256xf32> to vector<512x1x256xf32>
    %broadcast_in_dim3A = vector.shape_cast %reshape3A : vector<512x1x256xf32> to vector<512x1x256xf32>
    %broadcast_in_dim3A_18 = vector.broadcast %broadcast_in_dim3A : vector<512x1x256xf32> to vector<512x16x256xf32>
    %reshape3A_19 = vector.shape_cast %broadcast_in_dim3A_18 : vector<512x16x256xf32> to vector<8192x256xf32>
    %mul3A = arith.mulf %bitcast_convert_type3A, %reshape3A_19 : vector<8192x256xf32>
    %get3A_20 = arith.constant 0 : index
    %get3A_21 = arith.constant 0 : index
    %get3A_22 = vector.load %arg5[%get3A_20, %get3A_21] : memref<256x8xf32, #tpu.memory_space<vmem>>, vector<256x8xf32>
    %dot_general3A_23 = arith.constant dense<0.000000e+00> : vector<8192x8xf32>
    %dot_general3A_24 = tpu.matmul %mul3A, %get3A_22, %dot_general3A_23 {dimension_numbers = #tpu.dot_dimension_numbers<[1], [0], [0], [1], [0, 0, 1, 1], [], []>, transpose_lhs_hint = false} : vector<8192x256xf32>, vector<256x8xf32>, vector<8192x8xf32> -> vector<8192x8xf32>
    %mul3A_25 = arith.constant 0.176776692 : f32
    %mul3A_26 = vector.broadcast %mul3A_25 : f32 to vector<8192x8xf32>
    %mul3A_27 = arith.mulf %dot_general3A_24, %mul3A_26 : vector<8192x8xf32>
    %reshape3A_28 = vector.shape_cast %mul3A_27 : vector<8192x8xf32> to vector<512x16x8xf32>
    %reduce_max3A = arith.constant dense<0xFF800000> : vector<512x8xf32>
    %reduce_max3A_29 = vector.multi_reduction <maximumf>, %reshape3A_28, %reduce_max3A [1] : vector<512x16x8xf32> to vector<512x8xf32>
    %broadcast_in_dim3A_30 = vector.shape_cast %reduce_max3A_29 : vector<512x8xf32> to vector<512x1x8xf32>
    %sub3A = vector.broadcast %broadcast_in_dim3A_30 : vector<512x1x8xf32> to vector<512x16x8xf32>
    %sub3A_31 = arith.subf %reshape3A_28, %sub3A : vector<512x16x8xf32>
    %exp3A = math.exp %sub3A_31 : vector<512x16x8xf32>
    %reduce_sum3A = arith.constant dense<0.000000e+00> : vector<512x8xf32>
    %reduce_sum3A_32 = vector.multi_reduction <add>, %exp3A, %reduce_sum3A [1] : vector<512x16x8xf32> to vector<512x8xf32>
    %broadcast_in_dim3A_33 = vector.shape_cast %reduce_sum3A_32 : vector<512x8xf32> to vector<512x1x8xf32>
    %div3A = vector.broadcast %broadcast_in_dim3A_33 : vector<512x1x8xf32> to vector<512x16x8xf32>
    %div3A_34 = arith.divf %exp3A, %div3A : vector<512x16x8xf32>
    %reshape3A_35 = vector.shape_cast %div3A_34 : vector<512x16x8xf32> to vector<8192x8xf32>
    %get3A_36 = arith.constant 0 : index
    %get3A_37 = arith.constant 0 : index
    %get3A_38 = vector.load %arg6[%get3A_36, %get3A_37] : memref<8x256xf32, #tpu.memory_space<vmem>>, vector<8x256xf32>
    %dot_general3A_39 = arith.constant dense<0.000000e+00> : vector<8192x256xf32>
    %dot_general3A_40 = tpu.matmul %reshape3A_35, %get3A_38, %dot_general3A_39 {dimension_numbers = #tpu.dot_dimension_numbers<[1], [0], [0], [1], [0, 0, 1, 1], [], []>, transpose_lhs_hint = false} : vector<8192x8xf32>, vector<8x256xf32>, vector<8192x256xf32> -> vector<8192x256xf32>
    %mul3A_41 = arith.mulf %dot_general3A_40, %bitcast_convert_type3A_17 : vector<8192x256xf32>
    %reshape3A_42 = vector.shape_cast %mul3A_41 : vector<8192x256xf32> to vector<512x16x256xf32>
    %reduce_sum3A_43 = arith.constant dense<0.000000e+00> : vector<512x256xf32>
    %reduce_sum3A_44 = vector.multi_reduction <add>, %reshape3A_42, %reduce_sum3A_43 [1] : vector<512x16x256xf32> to vector<512x256xf32>
    %get3A_45 = arith.constant 0 : index
    %get3A_46 = arith.constant 0 : index
    %get3A_47 = vector.load %arg7[%get3A_45, %get3A_46] : memref<256x256xf32, #tpu.memory_space<vmem>>, vector<256x256xf32>
    %dot_general3A_48 = arith.constant dense<0.000000e+00> : vector<512x256xf32>
    %dot_general3A_49 = tpu.matmul %reduce_sum3A_44, %get3A_47, %dot_general3A_48 {dimension_numbers = #tpu.dot_dimension_numbers<[1], [0], [0], [1], [0, 0, 1, 1], [], []>, transpose_lhs_hint = false} : vector<512x256xf32>, vector<256x256xf32>, vector<512x256xf32> -> vector<512x256xf32>
    %get3A_50 = arith.constant 0 : index
    %get3A_51 = arith.constant 0 : index
    %get3A_52 = vector.load %arg8[%get3A_50, %get3A_51] : memref<1x256xf32, #tpu.memory_space<vmem>>, vector<1x256xf32>
    %add3A_53 = vector.broadcast %get3A_52 : vector<1x256xf32> to vector<512x256xf32>
    %add3A_54 = arith.addf %dot_general3A_49, %add3A_53 : vector<512x256xf32>
    %add3A_55 = arith.addf %add3A_54, %get3A_1 : vector<512x256xf32>
    %get3A_56 = arith.constant 0 : index
    %get3A_57 = arith.constant 0 : index
    %get3A_58 = vector.load %arg9[%get3A_56, %get3A_57] : memref<1x256xf32, #tpu.memory_space<vmem>>, vector<1x256xf32>
    %get3A_59 = arith.constant 0 : index
    %get3A_60 = arith.constant 0 : index
    %get3A_61 = vector.load %arg10[%get3A_59, %get3A_60] : memref<1x256xf32, #tpu.memory_space<vmem>>, vector<1x256xf32>
    %reduce_sum3A_62 = arith.constant dense<0.000000e+00> : vector<512xf32>
    %reduce_sum3A_63 = vector.multi_reduction <add>, %add3A_55, %reduce_sum3A_62 [1] : vector<512x256xf32> to vector<512xf32>
    %broadcast_in_dim3A_64 = vector.shape_cast %reduce_sum3A_63 : vector<512xf32> to vector<512x1xf32>
    %div3A_65 = arith.constant 2.560000e+02 : f32
    %div3A_66 = vector.broadcast %div3A_65 : f32 to vector<512x1xf32>
    %div3A_67 = arith.divf %broadcast_in_dim3A_64, %div3A_66 : vector<512x1xf32>
    %sub3A_68 = vector.broadcast %div3A_67 : vector<512x1xf32> to vector<512x256xf32>
    %sub3A_69 = arith.subf %add3A_55, %sub3A_68 : vector<512x256xf32>
    %integer_pow3A = arith.mulf %sub3A_69, %sub3A_69 : vector<512x256xf32>
    %reduce_sum3A_70 = arith.constant dense<0.000000e+00> : vector<512xf32>
    %reduce_sum3A_71 = vector.multi_reduction <add>, %integer_pow3A, %reduce_sum3A_70 [1] : vector<512x256xf32> to vector<512xf32>
    %broadcast_in_dim3A_72 = vector.shape_cast %reduce_sum3A_71 : vector<512xf32> to vector<512x1xf32>
    %div3A_73 = arith.constant 2.560000e+02 : f32
    %div3A_74 = vector.broadcast %div3A_73 : f32 to vector<512x1xf32>
    %div3A_75 = arith.divf %broadcast_in_dim3A_72, %div3A_74 : vector<512x1xf32>
    %sub3A_76 = vector.broadcast %div3A_67 : vector<512x1xf32> to vector<512x256xf32>
    %sub3A_77 = arith.subf %add3A_55, %sub3A_76 : vector<512x256xf32>
    %add3A_78 = arith.constant 9.99999974E-6 : f32
    %add3A_79 = vector.broadcast %add3A_78 : f32 to vector<512x1xf32>
    %add3A_80 = arith.addf %div3A_75, %add3A_79 : vector<512x1xf32>
    %rsqrt3A = math.rsqrt %add3A_80 : vector<512x1xf32>
    %mul3A_81 = vector.broadcast %rsqrt3A : vector<512x1xf32> to vector<512x256xf32>
    %mul3A_82 = arith.mulf %sub3A_77, %mul3A_81 : vector<512x256xf32>
    %mul3A_83 = vector.broadcast %get3A_58 : vector<1x256xf32> to vector<512x256xf32>
    %mul3A_84 = arith.mulf %mul3A_82, %mul3A_83 : vector<512x256xf32>
    %add3A_85 = vector.broadcast %get3A_61 : vector<1x256xf32> to vector<512x256xf32>
    %add3A_86 = arith.addf %mul3A_84, %add3A_85 : vector<512x256xf32>
    %get3A_87 = arith.constant 0 : index
    %get3A_88 = arith.constant 0 : index
    %get3A_89 = vector.load %arg11[%get3A_87, %get3A_88] : memref<256x512xf32, #tpu.memory_space<vmem>>, vector<256x512xf32>
    %dot_general3A_90 = arith.constant dense<0.000000e+00> : vector<512x512xf32>
    %dot_general3A_91 = tpu.matmul %add3A_86, %get3A_89, %dot_general3A_90 {dimension_numbers = #tpu.dot_dimension_numbers<[1], [0], [0], [1], [0, 0, 1, 1], [], []>, transpose_lhs_hint = false} : vector<512x256xf32>, vector<256x512xf32>, vector<512x512xf32> -> vector<512x512xf32>
    %get3A_92 = arith.constant 0 : index
    %get3A_93 = arith.constant 0 : index
    %get3A_94 = vector.load %arg12[%get3A_92, %get3A_93] : memref<1x512xf32, #tpu.memory_space<vmem>>, vector<1x512xf32>
    %add3A_95 = vector.broadcast %get3A_94 : vector<1x512xf32> to vector<512x512xf32>
    %add3A_96 = arith.addf %dot_general3A_91, %add3A_95 : vector<512x512xf32>
    %max3A = arith.constant 0.000000e+00 : f32
    %max3A_97 = vector.broadcast %max3A : f32 to vector<512x512xf32>
    %max3A_98 = arith.maximumf %add3A_96, %max3A_97 : vector<512x512xf32>
    %get3A_99 = arith.constant 0 : index
    %get3A_100 = arith.constant 0 : index
    %get3A_101 = vector.load %arg13[%get3A_99, %get3A_100] : memref<512x256xf32, #tpu.memory_space<vmem>>, vector<512x256xf32>
    %dot_general3A_102 = arith.constant dense<0.000000e+00> : vector<512x256xf32>
    %dot_general3A_103 = tpu.matmul %max3A_98, %get3A_101, %dot_general3A_102 {dimension_numbers = #tpu.dot_dimension_numbers<[1], [0], [0], [1], [0, 0, 1, 1], [], []>, transpose_lhs_hint = false} : vector<512x512xf32>, vector<512x256xf32>, vector<512x256xf32> -> vector<512x256xf32>
    %get3A_104 = arith.constant 0 : index
    %get3A_105 = arith.constant 0 : index
    %get3A_106 = vector.load %arg14[%get3A_104, %get3A_105] : memref<1x256xf32, #tpu.memory_space<vmem>>, vector<1x256xf32>
    %add3A_107 = vector.broadcast %get3A_106 : vector<1x256xf32> to vector<512x256xf32>
    %add3A_108 = arith.addf %dot_general3A_103, %add3A_107 : vector<512x256xf32>
    %add3A_109 = arith.addf %add3A_86, %add3A_108 : vector<512x256xf32>
    %get3A_110 = arith.constant 0 : index
    %get3A_111 = arith.constant 0 : index
    %get3A_112 = vector.load %arg15[%get3A_110, %get3A_111] : memref<1x256xf32, #tpu.memory_space<vmem>>, vector<1x256xf32>
    %get3A_113 = arith.constant 0 : index
    %get3A_114 = arith.constant 0 : index
    %get3A_115 = vector.load %arg16[%get3A_113, %get3A_114] : memref<1x256xf32, #tpu.memory_space<vmem>>, vector<1x256xf32>
    %reduce_sum3A_116 = arith.constant dense<0.000000e+00> : vector<512xf32>
    %reduce_sum3A_117 = vector.multi_reduction <add>, %add3A_109, %reduce_sum3A_116 [1] : vector<512x256xf32> to vector<512xf32>
    %broadcast_in_dim3A_118 = vector.shape_cast %reduce_sum3A_117 : vector<512xf32> to vector<512x1xf32>
    %div3A_119 = arith.constant 2.560000e+02 : f32
    %div3A_120 = vector.broadcast %div3A_119 : f32 to vector<512x1xf32>
    %div3A_121 = arith.divf %broadcast_in_dim3A_118, %div3A_120 : vector<512x1xf32>
    %sub3A_122 = vector.broadcast %div3A_121 : vector<512x1xf32> to vector<512x256xf32>
    %sub3A_123 = arith.subf %add3A_109, %sub3A_122 : vector<512x256xf32>
    %integer_pow3A_124 = arith.mulf %sub3A_123, %sub3A_123 : vector<512x256xf32>
    %reduce_sum3A_125 = arith.constant dense<0.000000e+00> : vector<512xf32>
    %reduce_sum3A_126 = vector.multi_reduction <add>, %integer_pow3A_124, %reduce_sum3A_125 [1] : vector<512x256xf32> to vector<512xf32>
    %broadcast_in_dim3A_127 = vector.shape_cast %reduce_sum3A_126 : vector<512xf32> to vector<512x1xf32>
    %div3A_128 = arith.constant 2.560000e+02 : f32
    %div3A_129 = vector.broadcast %div3A_128 : f32 to vector<512x1xf32>
    %div3A_130 = arith.divf %broadcast_in_dim3A_127, %div3A_129 : vector<512x1xf32>
    %sub3A_131 = vector.broadcast %div3A_121 : vector<512x1xf32> to vector<512x256xf32>
    %sub3A_132 = arith.subf %add3A_109, %sub3A_131 : vector<512x256xf32>
    %add3A_133 = arith.constant 9.99999974E-6 : f32
    %add3A_134 = vector.broadcast %add3A_133 : f32 to vector<512x1xf32>
    %add3A_135 = arith.addf %div3A_130, %add3A_134 : vector<512x1xf32>
    %rsqrt3A_136 = math.rsqrt %add3A_135 : vector<512x1xf32>
    %mul3A_137 = vector.broadcast %rsqrt3A_136 : vector<512x1xf32> to vector<512x256xf32>
    %mul3A_138 = arith.mulf %sub3A_132, %mul3A_137 : vector<512x256xf32>
    %mul3A_139 = vector.broadcast %get3A_112 : vector<1x256xf32> to vector<512x256xf32>
    %mul3A_140 = arith.mulf %mul3A_138, %mul3A_139 : vector<512x256xf32>
    %add3A_141 = vector.broadcast %get3A_115 : vector<1x256xf32> to vector<512x256xf32>
    %add3A_142 = arith.addf %mul3A_140, %add3A_141 : vector<512x256xf32>
    %swap3A = arith.constant 0 : index
    %swap3A_143 = arith.constant 0 : index
    %swap3A_144 = vector.load %arg17[%swap3A, %swap3A_143] : memref<512x256xf32, #tpu.memory_space<vmem>>, vector<512x256xf32>
    tpu.vector_store %arg17[%swap3A, %swap3A_143], %add3A_142 {strides = array<i32>} : memref<512x256xf32, #tpu.memory_space<vmem>>, vector<512x256xf32>,
    return
  }
  func.func @transform_0(%arg0: i32) -> (i32, i32) {
    %c0_i32 = arith.constant 0 : i32
    %c0_i32_0 = arith.constant 0 : i32
    return %arg0, %c0_i32 : i32, i32
  }
  func.func @transform_1(%arg0: i32) -> (i32, i32) {
    %add3A = arith.constant 8 : i32
    %add3A_0 = arith.addi %add3A, %arg0 : i32
    %c0_i32 = arith.constant 0 : i32
    %c0_i32_1 = arith.constant 0 : i32
    return %add3A_0, %c0_i32 : i32, i32
  }
  func.func @transform_2(%arg0: i32) -> (i32, i32) {
    %c0_i32 = arith.constant 0 : i32
    %c0_i32_0 = arith.constant 0 : i32
    %c0_i32_1 = arith.constant 0 : i32
    return %c0_i32, %c0_i32_0 : i32, i32
  }
  func.func @transform_3(%arg0: i32) -> (i32, i32) {
    %c0_i32 = arith.constant 0 : i32
    %c0_i32_0 = arith.constant 0 : i32
    %c0_i32_1 = arith.constant 0 : i32
    return %c0_i32, %c0_i32_0 : i32, i32
  }
  func.func @transform_4(%arg0: i32) -> (i32, i32) {
    %c0_i32 = arith.constant 0 : i32
    %c0_i32_0 = arith.constant 0 : i32
    %c0_i32_1 = arith.constant 0 : i32
    return %c0_i32, %c0_i32_0 : i32, i32
  }
  func.func @transform_5(%arg0: i32) -> (i32, i32) {
    %c0_i32 = arith.constant 0 : i32
    %c0_i32_0 = arith.constant 0 : i32
    %c0_i32_1 = arith.constant 0 : i32
    return %c0_i32, %c0_i32_0 : i32, i32
  }
  func.func @transform_6(%arg0: i32) -> (i32, i32) {
    %c0_i32 = arith.constant 0 : i32
    %c0_i32_0 = arith.constant 0 : i32
    %c0_i32_1 = arith.constant 0 : i32
    return %c0_i32, %c0_i32_0 : i32, i32
  }
  func.func @transform_7(%arg0: i32) -> (i32, i32) {
    %c0_i32 = arith.constant 0 : i32
    %c0_i32_0 = arith.constant 0 : i32
    %c0_i32_1 = arith.constant 0 : i32
    return %c0_i32, %c0_i32_0 : i32, i32
  }
  func.func @transform_8(%arg0: i32) -> (i32, i32) {
    %c0_i32 = arith.constant 0 : i32
    %c0_i32_0 = arith.constant 0 : i32
    %c0_i32_1 = arith.constant 0 : i32
    return %c0_i32, %c0_i32_0 : i32, i32
  }
  func.func @transform_9(%arg0: i32) -> (i32, i32) {
    %c0_i32 = arith.constant 0 : i32
    %c0_i32_0 = arith.constant 0 : i32
    %c0_i32_1 = arith.constant 0 : i32
    return %c0_i32, %c0_i32_0 : i32, i32
  }
  func.func @transform_10(%arg0: i32) -> (i32, i32) {
    %c0_i32 = arith.constant 0 : i32
    %c0_i32_0 = arith.constant 0 : i32
    %c0_i32_1 = arith.constant 0 : i32
    return %c0_i32, %c0_i32_0 : i32, i32
  }
  func.func @transform_11(%arg0: i32) -> (i32, i32) {
    %c0_i32 = arith.constant 0 : i32
    %c0_i32_0 = arith.constant 0 : i32
    %c0_i32_1 = arith.constant 0 : i32
    return %c0_i32, %c0_i32_0 : i32, i32
  }
  func.func @transform_12(%arg0: i32) -> (i32, i32) {
    %c0_i32 = arith.constant 0 : i32
    %c0_i32_0 = arith.constant 0 : i32
    %c0_i32_1 = arith.constant 0 : i32
    return %c0_i32, %c0_i32_0 : i32, i32
  }
  func.func @transform_13(%arg0: i32) -> (i32, i32) {
    %c0_i32 = arith.constant 0 : i32
    %c0_i32_0 = arith.constant 0 : i32
    %c0_i32_1 = arith.constant 0 : i32
    return %c0_i32, %c0_i32_0 : i32, i32
  }
  func.func @transform_14(%arg0: i32) -> (i32, i32) {
    %c0_i32 = arith.constant 0 : i32
    %c0_i32_0 = arith.constant 0 : i32
    %c0_i32_1 = arith.constant 0 : i32
    return %c0_i32, %c0_i32_0 : i32, i32
  }
  func.func @transform_15(%arg0: i32) -> (i32, i32) {
    %c0_i32 = arith.constant 0 : i32
    %c0_i32_0 = arith.constant 0 : i32
    %c0_i32_1 = arith.constant 0 : i32
    return %c0_i32, %c0_i32_0 : i32, i32
  }
  func.func @transform_16(%arg0: i32) -> (i32, i32) {
    %c0_i32 = arith.constant 0 : i32
    %c0_i32_0 = arith.constant 0 : i32
    return %arg0, %c0_i32 : i32, i32
  }
}

module attributes {stable_mosaic.version = 14 : i64} {
  func.func @_attn_body(%arg0: i32, %arg1: memref<8192x256xi32, #tpu.memory_space<vmem>>, %arg2: memref<512x256xf32, #tpu.memory_space<vmem>>, %arg3: memref<256x256xf32, #tpu.memory_space<vmem>>, %arg4: memref<1x256xf32, #tpu.memory_space<vmem>>, %arg5: memref<256x8xf32, #tpu.memory_space<vmem>>, %arg6: memref<8x256xf32, #tpu.memory_space<vmem>>, %arg7: memref<256x256xf32, #tpu.memory_space<vmem>>, %arg8: memref<1x256xf32, #tpu.memory_space<vmem>>, %arg9: memref<1x256xf32, #tpu.memory_space<vmem>>, %arg10: memref<1x256xf32, #tpu.memory_space<vmem>>, %arg11: memref<256x512xf32, #tpu.memory_space<vmem>>, %arg12: memref<1x512xf32, #tpu.memory_space<vmem>>, %arg13: memref<512x256xf32, #tpu.memory_space<vmem>>, %arg14: memref<1x256xf32, #tpu.memory_space<vmem>>, %arg15: memref<1x256xf32, #tpu.memory_space<vmem>>, %arg16: memref<1x256xf32, #tpu.memory_space<vmem>>, %arg17: memref<512x256xf32, #tpu.memory_space<vmem>>) attributes {dimension_semantics = [#tpu.dimension_semantics<arbitrary>], iteration_bounds = array<i64: 4>, scalar_prefetch = 0 : i64, scratch_operands = 0 : i64, tpu.core_type = #tpu.core_type<tc>, window_params = [{transform_indices = @transform_0, window_bounds = array<i64: 8192, 256>}, {transform_indices = @transform_1, window_bounds = array<i64: 512, 256>}, {pipeline_mode = #tpu.pipeline_mode<synchronous>, transform_indices = @transform_2, window_bounds = array<i64: 256, 256>}, {pipeline_mode = #tpu.pipeline_mode<synchronous>, transform_indices = @transform_3, window_bounds = array<i64: 1, 256>}, {pipeline_mode = #tpu.pipeline_mode<synchronous>, transform_indices = @transform_4, window_bounds = array<i64: 256, 8>}, {pipeline_mode = #tpu.pipeline_mode<synchronous>, transform_indices = @transform_5, window_bounds = array<i64: 8, 256>}, {pipeline_mode = #tpu.pipeline_mode<synchronous>, transform_indices = @transform_6, window_bounds = array<i64: 256, 256>}, {pipeline_mode = #tpu.pipeline_mode<synchronous>, transform_indices = @transform_7, window_bounds = array<i64: 1, 256>}, {pipeline_mode = #tpu.pipeline_mode<synchronous>, transform_indices = @transform_8, window_bounds = array<i64: 1, 256>}, {pipeline_mode = #tpu.pipeline_mode<synchronous>, transform_indices = @transform_9, window_bounds = array<i64: 1, 256>}, {pipeline_mode = #tpu.pipeline_mode<synchronous>, transform_indices = @transform_10, window_bounds = array<i64: 256, 512>}, {pipeline_mode = #tpu.pipeline_mode<synchronous>, transform_indices = @transform_11, window_bounds = array<i64: 1, 512>}, {pipeline_mode = #tpu.pipeline_mode<synchronous>, transform_indices = @transform_12, window_bounds = array<i64: 512, 256>}, {pipeline_mode = #tpu.pipeline_mode<synchronous>, transform_indices = @transform_13, window_bounds = array<i64: 1, 256>}, {pipeline_mode = #tpu.pipeline_mode<synchronous>, transform_indices = @transform_14, window_bounds = array<i64: 1, 256>}, {pipeline_mode = #tpu.pipeline_mode<synchronous>, transform_indices = @transform_15, window_bounds = array<i64: 1, 256>}, {transform_indices = @transform_16, window_bounds = array<i64: 512, 256>}]} {
    %get3A = arith.constant 0 : index
    %get3A_0 = arith.constant 0 : index
    %get3A_1 = vector.load %arg2[%get3A, %get3A_0] : memref<512x256xf32, #tpu.memory_space<vmem>>, vector<512x256xf32>
    %get3A_2 = arith.constant 0 : index
    %get3A_3 = arith.constant 0 : index
    %get3A_4 = vector.load %arg3[%get3A_2, %get3A_3] : memref<256x256xf32, #tpu.memory_space<vmem>>, vector<256x256xf32>
    %dot_general3A = arith.constant dense<0.000000e+00> : vector<512x256xf32>
    %dot_general3A_5 = tpu.matmul %get3A_1, %get3A_4, %dot_general3A {dimension_numbers = #tpu.dot_dimension_numbers<[1], [0], [0], [1], [0, 0, 1, 1], [], []>, transpose_lhs_hint = false} : vector<512x256xf32>, vector<256x256xf32>, vector<512x256xf32> -> vector<512x256xf32>
    %get3A_6 = arith.constant 0 : index
    %get3A_7 = arith.constant 0 : index
    %get3A_8 = vector.load %arg4[%get3A_6, %get3A_7] : memref<1x256xf32, #tpu.memory_space<vmem>>, vector<1x256xf32>
    %add3A = vector.broadcast %get3A_8 : vector<1x256xf32> to vector<512x256xf32>
    %add3A_9 = arith.addf %dot_general3A_5, %add3A : vector<512x256xf32>
    %get3A_10 = arith.constant 0 : index
    %get3A_11 = arith.constant 0 : index
    %get3A_12 = vector.load %arg1[%get3A_10, %get3A_11] : memref<8192x256xi32, #tpu.memory_space<vmem>>, vector<8192x256xi32>
    %shift_left3A = arith.constant 16 : i32
    %shift_left3A_13 = vector.broadcast %shift_left3A : i32 to vector<8192x256xi32>
    %shift_left3A_14 = arith.shli %get3A_12, %shift_left3A_13 : vector<8192x256xi32>
    %bitcast_convert_type3A = tpu.bitcast %shift_left3A_14 : vector<8192x256xi32> -> vector<8192x256xf32>
    %and3A = arith.constant -65536 : i32
    %and3A_15 = vector.broadcast %and3A : i32 to vector<8192x256xi32>
    %and3A_16 = arith.andi %get3A_12, %and3A_15 : vector<8192x256xi32>
    %bitcast_convert_type3A_17 = tpu.bitcast %and3A_16 : vector<8192x256xi32> -> vector<8192x256xf32>
    %reshape3A = vector.shape_cast %add3A_9 : vector<512x256xf32> to vector<512x1x256xf32>
    %broadcast_in_dim3A = vector.shape_cast %reshape3A : vector<512x1x256xf32> to vector<512x1x256xf32>
    %broadcast_in_dim3A_18 = vector.broadcast %broadcast_in_dim3A : vector<512x1x256xf32> to vector<512x16x256xf32>
    %reshape3A_19 = vector.shape_cast %broadcast_in_dim3A_18 : vector<512x16x256xf32> to vector<8192x256xf32>
    %mul3A = arith.mulf %bitcast_convert_type3A, %reshape3A_19 : vector<8192x256xf32>
    %get3A_20 = arith.constant 0 : index
    %get3A_21 = arith.constant 0 : index
    %get3A_22 = vector.load %arg5[%get3A_20, %get3A_21] : memref<256x8xf32, #tpu.memory_space<vmem>>, vector<256x8xf32>
    %dot_general3A_23 = arith.constant dense<0.000000e+00> : vector<8192x8xf32>
    %dot_general3A_24 = tpu.matmul %mul3A, %get3A_22, %dot_general3A_23 {dimension_numbers = #tpu.dot_dimension_numbers<[1], [0], [0], [1], [0, 0, 1, 1], [], []>, transpose_lhs_hint = false} : vector<8192x256xf32>, vector<256x8xf32>, vector<8192x8xf32> -> vector<8192x8xf32>
    %mul3A_25 = arith.constant 0.176776692 : f32
    %mul3A_26 = vector.broadcast %mul3A_25 : f32 to vector<8192x8xf32>
    %mul3A_27 = arith.mulf %dot_general3A_24, %mul3A_26 : vector<8192x8xf32>
    %reshape3A_28 = vector.shape_cast %mul3A_27 : vector<8192x8xf32> to vector<512x16x8xf32>
    %reduce_max3A = arith.constant dense<0xFF800000> : vector<512x8xf32>
    %reduce_max3A_29 = vector.multi_reduction <maximumf>, %reshape3A_28, %reduce_max3A [1] : vector<512x16x8xf32> to vector<512x8xf32>
    %broadcast_in_dim3A_30 = vector.shape_cast %reduce_max3A_29 : vector<512x8xf32> to vector<512x1x8xf32>
    %sub3A = vector.broadcast %broadcast_in_dim3A_30 : vector<512x1x8xf32> to vector<512x16x8xf32>
    %sub3A_31 = arith.subf %reshape3A_28, %sub3A : vector<512x16x8xf32>
    %exp3A = math.exp %sub3A_31 : vector<512x16x8xf32>
    %reduce_sum3A = arith.constant dense<0.000000e+00> : vector<512x8xf32>
    %reduce_sum3A_32 = vector.multi_reduction <add>, %exp3A, %reduce_sum3A [1] : vector<512x16x8xf32> to vector<512x8xf32>
    %broadcast_in_dim3A_33 = vector.shape_cast %reduce_sum3A_32 : vector<512x8xf32> to vector<512x1x8xf32>
    %div3A = vector.broadcast %broadcast_in_dim3A_33 : vector<512x1x8xf32> to vector<512x16x8xf32>
    %div3A_34 = arith.divf %exp3A, %div3A : vector<512x16x8xf32>
    %reshape3A_35 = vector.shape_cast %div3A_34 : vector<512x16x8xf32> to vector<8192x8xf32>
    %get3A_36 = arith.constant 0 : index
    %get3A_37 = arith.constant 0 : index
    %get3A_38 = vector.load %arg6[%get3A_36, %get3A_37] : memref<8x256xf32, #tpu.memory_space<vmem>>, vector<8x256xf32>
    %dot_general3A_39 = arith.constant dense<0.000000e+00> : vector<8192x256xf32>
    %dot_general3A_40 = tpu.matmul %reshape3A_35, %get3A_38, %dot_general3A_39 {dimension_numbers = #tpu.dot_dimension_numbers<[1], [0], [0], [1], [0, 0, 1, 1], [], []>, transpose_lhs_hint = false} : vector<8192x8xf32>, vector<8x256xf32>, vector<8192x256xf32> -> vector<8192x256xf32>
    %mul3A_41 = arith.mulf %dot_general3A_40, %bitcast_convert_type3A_17 : vector<8192x256xf32>
    %reshape3A_42 = vector.shape_cast %mul3A_41 : vector<8192x256xf32> to vector<512x16x256xf32>
    %reduce_sum3A_43 = arith.constant dense<0.000000e+00> : vector<512x256xf32>
    %reduce_sum3A_44 = vector.multi_reduction <add>, %reshape3A_42, %reduce_sum3A_43 [1] : vector<512x16x256xf32> to vector<512x256xf32>
    %get3A_45 = arith.constant 0 : index
    %get3A_46 = arith.constant 0 : index
    %get3A_47 = vector.load %arg7[%get3A_45, %get3A_46] : memref<256x256xf32, #tpu.memory_space<vmem>>, vector<256x256xf32>
    %dot_general3A_48 = arith.constant dense<0.000000e+00> : vector<512x256xf32>
    %dot_general3A_49 = tpu.matmul %reduce_sum3A_44, %get3A_47, %dot_general3A_48 {dimension_numbers = #tpu.dot_dimension_numbers<[1], [0], [0], [1], [0, 0, 1, 1], [], []>, transpose_lhs_hint = false} : vector<512x256xf32>, vector<256x256xf32>, vector<512x256xf32> -> vector<512x256xf32>
    %get3A_50 = arith.constant 0 : index
    %get3A_51 = arith.constant 0 : index
    %get3A_52 = vector.load %arg8[%get3A_50, %get3A_51] : memref<1x256xf32, #tpu.memory_space<vmem>>, vector<1x256xf32>
    %add3A_53 = vector.broadcast %get3A_52 : vector<1x256xf32> to vector<512x256xf32>
    %add3A_54 = arith.addf %dot_general3A_49, %add3A_53 : vector<512x256xf32>
    %add3A_55 = arith.addf %add3A_54, %get3A_1 : vector<512x256xf32>
    %get3A_56 = arith.constant 0 : index
    %get3A_57 = arith.constant 0 : index
    %get3A_58 = vector.load %arg9[%get3A_56, %get3A_57] : memref<1x256xf32, #tpu.memory_space<vmem>>, vector<1x256xf32>
    %get3A_59 = arith.constant 0 : index
    %get3A_60 = arith.constant 0 : index
    %get3A_61 = vector.load %arg10[%get3A_59, %get3A_60] : memref<1x256xf32, #tpu.memory_space<vmem>>, vector<1x256xf32>
    %reduce_sum3A_62 = arith.constant dense<0.000000e+00> : vector<512xf32>
    %reduce_sum3A_63 = vector.multi_reduction <add>, %add3A_55, %reduce_sum3A_62 [1] : vector<512x256xf32> to vector<512xf32>
    %broadcast_in_dim3A_64 = vector.shape_cast %reduce_sum3A_63 : vector<512xf32> to vector<512x1xf32>
    %div3A_65 = arith.constant 2.560000e+02 : f32
    %div3A_66 = vector.broadcast %div3A_65 : f32 to vector<512x1xf32>
    %div3A_67 = arith.divf %broadcast_in_dim3A_64, %div3A_66 : vector<512x1xf32>
    %sub3A_68 = vector.broadcast %div3A_67 : vector<512x1xf32> to vector<512x256xf32>
    %sub3A_69 = arith.subf %add3A_55, %sub3A_68 : vector<512x256xf32>
    %integer_pow3A = arith.mulf %sub3A_69, %sub3A_69 : vector<512x256xf32>
    %reduce_sum3A_70 = arith.constant dense<0.000000e+00> : vector<512xf32>
    %reduce_sum3A_71 = vector.multi_reduction <add>, %integer_pow3A, %reduce_sum3A_70 [1] : vector<512x256xf32> to vector<512xf32>
    %broadcast_in_dim3A_72 = vector.shape_cast %reduce_sum3A_71 : vector<512xf32> to vector<512x1xf32>
    %div3A_73 = arith.constant 2.560000e+02 : f32
    %div3A_74 = vector.broadcast %div3A_73 : f32 to vector<512x1xf32>
    %div3A_75 = arith.divf %broadcast_in_dim3A_72, %div3A_74 : vector<512x1xf32>
    %sub3A_76 = vector.broadcast %div3A_67 : vector<512x1xf32> to vector<512x256xf32>
    %sub3A_77 = arith.subf %add3A_55, %sub3A_76 : vector<512x256xf32>
    %add3A_78 = arith.constant 9.99999974E-6 : f32
    %add3A_79 = vector.broadcast %add3A_78 : f32 to vector<512x1xf32>
    %add3A_80 = arith.addf %div3A_75, %add3A_79 : vector<512x1xf32>
    %rsqrt3A = math.rsqrt %add3A_80 : vector<512x1xf32>
    %mul3A_81 = vector.broadcast %rsqrt3A : vector<512x1xf32> to vector<512x256xf32>
    %mul3A_82 = arith.mulf %sub3A_77, %mul3A_81 : vector<512x256xf32>
    %mul3A_83 = vector.broadcast %get3A_58 : vector<1x256xf32> to vector<512x256xf32>
    %mul3A_84 = arith.mulf %mul3A_82, %mul3A_83 : vector<512x256xf32>
    %add3A_85 = vector.broadcast %get3A_61 : vector<1x256xf32> to vector<512x256xf32>
    %add3A_86 = arith.addf %mul3A_84, %add3A_85 : vector<512x256xf32>
    %get3A_87 = arith.constant 0 : index
    %get3A_88 = arith.constant 0 : index
    %get3A_89 = vector.load %arg11[%get3A_87, %get3A_88] : memref<256x512xf32, #tpu.memory_space<vmem>>, vector<256x512xf32>
    %dot_general3A_90 = arith.constant dense<0.000000e+00> : vector<512x512xf32>
    %dot_general3A_91 = tpu.matmul %add3A_86, %get3A_89, %dot_general3A_90 {dimension_numbers = #tpu.dot_dimension_numbers<[1], [0], [0], [1], [0, 0, 1, 1], [], []>, transpose_lhs_hint = false} : vector<512x256xf32>, vector<256x512xf32>, vector<512x512xf32> -> vector<512x512xf32>
    %get3A_92 = arith.constant 0 : index
    %get3A_93 = arith.constant 0 : index
    %get3A_94 = vector.load %arg12[%get3A_92, %get3A_93] : memref<1x512xf32, #tpu.memory_space<vmem>>, vector<1x512xf32>
    %add3A_95 = vector.broadcast %get3A_94 : vector<1x512xf32> to vector<512x512xf32>
    %add3A_96 = arith.addf %dot_general3A_91, %add3A_95 : vector<512x512xf32>
    %max3A = arith.constant 0.000000e+00 : f32
    %max3A_97 = vector.broadcast %max3A : f32 to vector<512x512xf32>
    %max3A_98 = arith.maximumf %add3A_96, %max3A_97 : vector<512x512xf32>
    %get3A_99 = arith.constant 0 : index
    %get3A_100 = arith.constant 0 : index
    %get3A_101 = vector.load %arg13[%get3A_99, %get3A_100] : memref<512x256xf32, #tpu.memory_space<vmem>>, vector<512x256xf32>
    %dot_general3A_102 = arith.constant dense<0.000000e+00> : vector<512x256xf32>
    %dot_general3A_103 = tpu.matmul %max3A_98, %get3A_101, %dot_general3A_102 {dimension_numbers = #tpu.dot_dimension_numbers<[1], [0], [0], [1], [0, 0, 1, 1], [], []>, transpose_lhs_hint = false} : vector<512x512xf32>, vector<512x256xf32>, vector<512x256xf32> -> vector<512x256xf32>
    %get3A_104 = arith.constant 0 : index
    %get3A_105 = arith.constant 0 : index
    %get3A_106 = vector.load %arg14[%get3A_104, %get3A_105] : memref<1x256xf32, #tpu.memory_space<vmem>>, vector<1x256xf32>
    %add3A_107 = vector.broadcast %get3A_106 : vector<1x256xf32> to vector<512x256xf32>
    %add3A_108 = arith.addf %dot_general3A_103, %add3A_107 : vector<512x256xf32>
    %add3A_109 = arith.addf %add3A_86, %add3A_108 : vector<512x256xf32>
    %get3A_110 = arith.constant 0 : index
    %get3A_111 = arith.constant 0 : index
    %get3A_112 = vector.load %arg15[%get3A_110, %get3A_111] : memref<1x256xf32, #tpu.memory_space<vmem>>, vector<1x256xf32>
    %get3A_113 = arith.constant 0 : index
    %get3A_114 = arith.constant 0 : index
    %get3A_115 = vector.load %arg16[%get3A_113, %get3A_114] : memref<1x256xf32, #tpu.memory_space<vmem>>, vector<1x256xf32>
    %reduce_sum3A_116 = arith.constant dense<0.000000e+00> : vector<512xf32>
    %reduce_sum3A_117 = vector.multi_reduction <add>, %add3A_109, %reduce_sum3A_116 [1] : vector<512x256xf32> to vector<512xf32>
    %broadcast_in_dim3A_118 = vector.shape_cast %reduce_sum3A_117 : vector<512xf32> to vector<512x1xf32>
    %div3A_119 = arith.constant 2.560000e+02 : f32
    %div3A_120 = vector.broadcast %div3A_119 : f32 to vector<512x1xf32>
    %div3A_121 = arith.divf %broadcast_in_dim3A_118, %div3A_120 : vector<512x1xf32>
    %sub3A_122 = vector.broadcast %div3A_121 : vector<512x1xf32> to vector<512x256xf32>
    %sub3A_123 = arith.subf %add3A_109, %sub3A_122 : vector<512x256xf32>
    %integer_pow3A_124 = arith.mulf %sub3A_123, %sub3A_123 : vector<512x256xf32>
    %reduce_sum3A_125 = arith.constant dense<0.000000e+00> : vector<512xf32>
    %reduce_sum3A_126 = vector.multi_reduction <add>, %integer_pow3A_124, %reduce_sum3A_125 [1] : vector<512x256xf32> to vector<512xf32>
    %broadcast_in_dim3A_127 = vector.shape_cast %reduce_sum3A_126 : vector<512xf32> to vector<512x1xf32>
    %div3A_128 = arith.constant 2.560000e+02 : f32
    %div3A_129 = vector.broadcast %div3A_128 : f32 to vector<512x1xf32>
    %div3A_130 = arith.divf %broadcast_in_dim3A_127, %div3A_129 : vector<512x1xf32>
    %sub3A_131 = vector.broadcast %div3A_121 : vector<512x1xf32> to vector<512x256xf32>
    %sub3A_132 = arith.subf %add3A_109, %sub3A_131 : vector<512x256xf32>
    %add3A_133 = arith.constant 9.99999974E-6 : f32
    %add3A_134 = vector.broadcast %add3A_133 : f32 to vector<512x1xf32>
    %add3A_135 = arith.addf %div3A_130, %add3A_134 : vector<512x1xf32>
    %rsqrt3A_136 = math.rsqrt %add3A_135 : vector<512x1xf32>
    %mul3A_137 = vector.broadcast %rsqrt3A_136 : vector<512x1xf32> to vector<512x256xf32>
    %mul3A_138 = arith.mulf %sub3A_132, %mul3A_137 : vector<512x256xf32>
    %mul3A_139 = vector.broadcast %get3A_112 : vector<1x256xf32> to vector<512x256xf32>
    %mul3A_140 = arith.mulf %mul3A_138, %mul3A_139 : vector<512x256xf32>
    %add3A_141 = vector.broadcast %get3A_115 : vector<1x256xf32> to vector<512x256xf32>
    %add3A_142 = arith.addf %mul3A_140, %add3A_141 : vector<512x256xf32>
    %swap3A = arith.constant 0 : index
    %swap3A_143 = arith.constant 0 : index
    %swap3A_144 = vector.load %arg17[%swap3A, %swap3A_143] : memref<512x256xf32, #tpu.memory_space<vmem>>, vector<512x256xf32>
    tpu.vector_store %arg17[%swap3A, %swap3A_143], %add3A_142 {strides = array<i32>} : memref<512x256xf32, #tpu.memory_space<vmem>>, vector<512x256xf32>,
    return
  }
  func.func @transform_0(%arg0: i32) -> (i32, i32) {
    %c0_i32 = arith.constant 0 : i32
    %c0_i32_0 = arith.constant 0 : i32
    return %arg0, %c0_i32 : i32, i32
  }
  func.func @transform_1(%arg0: i32) -> (i32, i32) {
    %add3A = arith.constant 4 : i32
    %add3A_0 = arith.addi %add3A, %arg0 : i32
    %c0_i32 = arith.constant 0 : i32
    %c0_i32_1 = arith.constant 0 : i32
    return %add3A_0, %c0_i32 : i32, i32
  }
  func.func @transform_2(%arg0: i32) -> (i32, i32) {
    %c0_i32 = arith.constant 0 : i32
    %c0_i32_0 = arith.constant 0 : i32
    %c0_i32_1 = arith.constant 0 : i32
    return %c0_i32, %c0_i32_0 : i32, i32
  }
  func.func @transform_3(%arg0: i32) -> (i32, i32) {
    %c0_i32 = arith.constant 0 : i32
    %c0_i32_0 = arith.constant 0 : i32
    %c0_i32_1 = arith.constant 0 : i32
    return %c0_i32, %c0_i32_0 : i32, i32
  }
  func.func @transform_4(%arg0: i32) -> (i32, i32) {
    %c0_i32 = arith.constant 0 : i32
    %c0_i32_0 = arith.constant 0 : i32
    %c0_i32_1 = arith.constant 0 : i32
    return %c0_i32, %c0_i32_0 : i32, i32
  }
  func.func @transform_5(%arg0: i32) -> (i32, i32) {
    %c0_i32 = arith.constant 0 : i32
    %c0_i32_0 = arith.constant 0 : i32
    %c0_i32_1 = arith.constant 0 : i32
    return %c0_i32, %c0_i32_0 : i32, i32
  }
  func.func @transform_6(%arg0: i32) -> (i32, i32) {
    %c0_i32 = arith.constant 0 : i32
    %c0_i32_0 = arith.constant 0 : i32
    %c0_i32_1 = arith.constant 0 : i32
    return %c0_i32, %c0_i32_0 : i32, i32
  }
  func.func @transform_7(%arg0: i32) -> (i32, i32) {
    %c0_i32 = arith.constant 0 : i32
    %c0_i32_0 = arith.constant 0 : i32
    %c0_i32_1 = arith.constant 0 : i32
    return %c0_i32, %c0_i32_0 : i32, i32
  }
  func.func @transform_8(%arg0: i32) -> (i32, i32) {
    %c0_i32 = arith.constant 0 : i32
    %c0_i32_0 = arith.constant 0 : i32
    %c0_i32_1 = arith.constant 0 : i32
    return %c0_i32, %c0_i32_0 : i32, i32
  }
  func.func @transform_9(%arg0: i32) -> (i32, i32) {
    %c0_i32 = arith.constant 0 : i32
    %c0_i32_0 = arith.constant 0 : i32
    %c0_i32_1 = arith.constant 0 : i32
    return %c0_i32, %c0_i32_0 : i32, i32
  }
  func.func @transform_10(%arg0: i32) -> (i32, i32) {
    %c0_i32 = arith.constant 0 : i32
    %c0_i32_0 = arith.constant 0 : i32
    %c0_i32_1 = arith.constant 0 : i32
    return %c0_i32, %c0_i32_0 : i32, i32
  }
  func.func @transform_11(%arg0: i32) -> (i32, i32) {
    %c0_i32 = arith.constant 0 : i32
    %c0_i32_0 = arith.constant 0 : i32
    %c0_i32_1 = arith.constant 0 : i32
    return %c0_i32, %c0_i32_0 : i32, i32
  }
  func.func @transform_12(%arg0: i32) -> (i32, i32) {
    %c0_i32 = arith.constant 0 : i32
    %c0_i32_0 = arith.constant 0 : i32
    %c0_i32_1 = arith.constant 0 : i32
    return %c0_i32, %c0_i32_0 : i32, i32
  }
  func.func @transform_13(%arg0: i32) -> (i32, i32) {
    %c0_i32 = arith.constant 0 : i32
    %c0_i32_0 = arith.constant 0 : i32
    %c0_i32_1 = arith.constant 0 : i32
    return %c0_i32, %c0_i32_0 : i32, i32
  }
  func.func @transform_14(%arg0: i32) -> (i32, i32) {
    %c0_i32 = arith.constant 0 : i32
    %c0_i32_0 = arith.constant 0 : i32
    %c0_i32_1 = arith.constant 0 : i32
    return %c0_i32, %c0_i32_0 : i32, i32
  }
  func.func @transform_15(%arg0: i32) -> (i32, i32) {
    %c0_i32 = arith.constant 0 : i32
    %c0_i32_0 = arith.constant 0 : i32
    %c0_i32_1 = arith.constant 0 : i32
    return %c0_i32, %c0_i32_0 : i32, i32
  }
  func.func @transform_16(%arg0: i32) -> (i32, i32) {
    %c0_i32 = arith.constant 0 : i32
    %c0_i32_0 = arith.constant 0 : i32
    return %arg0, %c0_i32 : i32, i32
  }
}

module attributes {stable_mosaic.version = 14 : i64} {
  func.func @_attn_body(%arg0: i32, %arg1: memref<8192x256xi32, #tpu.memory_space<vmem>>, %arg2: memref<512x256xf32, #tpu.memory_space<vmem>>, %arg3: memref<256x256xf32, #tpu.memory_space<vmem>>, %arg4: memref<1x256xf32, #tpu.memory_space<vmem>>, %arg5: memref<256x8xf32, #tpu.memory_space<vmem>>, %arg6: memref<8x256xf32, #tpu.memory_space<vmem>>, %arg7: memref<256x256xf32, #tpu.memory_space<vmem>>, %arg8: memref<1x256xf32, #tpu.memory_space<vmem>>, %arg9: memref<1x256xf32, #tpu.memory_space<vmem>>, %arg10: memref<1x256xf32, #tpu.memory_space<vmem>>, %arg11: memref<256x512xf32, #tpu.memory_space<vmem>>, %arg12: memref<1x512xf32, #tpu.memory_space<vmem>>, %arg13: memref<512x256xf32, #tpu.memory_space<vmem>>, %arg14: memref<1x256xf32, #tpu.memory_space<vmem>>, %arg15: memref<1x256xf32, #tpu.memory_space<vmem>>, %arg16: memref<1x256xf32, #tpu.memory_space<vmem>>, %arg17: memref<512x256xf32, #tpu.memory_space<vmem>>) attributes {dimension_semantics = [#tpu.dimension_semantics<arbitrary>], iteration_bounds = array<i64: 4>, scalar_prefetch = 0 : i64, scratch_operands = 0 : i64, tpu.core_type = #tpu.core_type<tc>, window_params = [{transform_indices = @transform_0, window_bounds = array<i64: 8192, 256>}, {transform_indices = @transform_1, window_bounds = array<i64: 512, 256>}, {pipeline_mode = #tpu.pipeline_mode<synchronous>, transform_indices = @transform_2, window_bounds = array<i64: 256, 256>}, {pipeline_mode = #tpu.pipeline_mode<synchronous>, transform_indices = @transform_3, window_bounds = array<i64: 1, 256>}, {pipeline_mode = #tpu.pipeline_mode<synchronous>, transform_indices = @transform_4, window_bounds = array<i64: 256, 8>}, {pipeline_mode = #tpu.pipeline_mode<synchronous>, transform_indices = @transform_5, window_bounds = array<i64: 8, 256>}, {pipeline_mode = #tpu.pipeline_mode<synchronous>, transform_indices = @transform_6, window_bounds = array<i64: 256, 256>}, {pipeline_mode = #tpu.pipeline_mode<synchronous>, transform_indices = @transform_7, window_bounds = array<i64: 1, 256>}, {pipeline_mode = #tpu.pipeline_mode<synchronous>, transform_indices = @transform_8, window_bounds = array<i64: 1, 256>}, {pipeline_mode = #tpu.pipeline_mode<synchronous>, transform_indices = @transform_9, window_bounds = array<i64: 1, 256>}, {pipeline_mode = #tpu.pipeline_mode<synchronous>, transform_indices = @transform_10, window_bounds = array<i64: 256, 512>}, {pipeline_mode = #tpu.pipeline_mode<synchronous>, transform_indices = @transform_11, window_bounds = array<i64: 1, 512>}, {pipeline_mode = #tpu.pipeline_mode<synchronous>, transform_indices = @transform_12, window_bounds = array<i64: 512, 256>}, {pipeline_mode = #tpu.pipeline_mode<synchronous>, transform_indices = @transform_13, window_bounds = array<i64: 1, 256>}, {pipeline_mode = #tpu.pipeline_mode<synchronous>, transform_indices = @transform_14, window_bounds = array<i64: 1, 256>}, {pipeline_mode = #tpu.pipeline_mode<synchronous>, transform_indices = @transform_15, window_bounds = array<i64: 1, 256>}, {transform_indices = @transform_16, window_bounds = array<i64: 512, 256>}]} {
    %get3A = arith.constant 0 : index
    %get3A_0 = arith.constant 0 : index
    %get3A_1 = vector.load %arg2[%get3A, %get3A_0] : memref<512x256xf32, #tpu.memory_space<vmem>>, vector<512x256xf32>
    %get3A_2 = arith.constant 0 : index
    %get3A_3 = arith.constant 0 : index
    %get3A_4 = vector.load %arg3[%get3A_2, %get3A_3] : memref<256x256xf32, #tpu.memory_space<vmem>>, vector<256x256xf32>
    %dot_general3A = arith.constant dense<0.000000e+00> : vector<512x256xf32>
    %dot_general3A_5 = tpu.matmul %get3A_1, %get3A_4, %dot_general3A {dimension_numbers = #tpu.dot_dimension_numbers<[1], [0], [0], [1], [0, 0, 1, 1], [], []>, transpose_lhs_hint = false} : vector<512x256xf32>, vector<256x256xf32>, vector<512x256xf32> -> vector<512x256xf32>
    %get3A_6 = arith.constant 0 : index
    %get3A_7 = arith.constant 0 : index
    %get3A_8 = vector.load %arg4[%get3A_6, %get3A_7] : memref<1x256xf32, #tpu.memory_space<vmem>>, vector<1x256xf32>
    %add3A = vector.broadcast %get3A_8 : vector<1x256xf32> to vector<512x256xf32>
    %add3A_9 = arith.addf %dot_general3A_5, %add3A : vector<512x256xf32>
    %get3A_10 = arith.constant 0 : index
    %get3A_11 = arith.constant 0 : index
    %get3A_12 = vector.load %arg1[%get3A_10, %get3A_11] : memref<8192x256xi32, #tpu.memory_space<vmem>>, vector<8192x256xi32>
    %shift_left3A = arith.constant 16 : i32
    %shift_left3A_13 = vector.broadcast %shift_left3A : i32 to vector<8192x256xi32>
    %shift_left3A_14 = arith.shli %get3A_12, %shift_left3A_13 : vector<8192x256xi32>
    %bitcast_convert_type3A = tpu.bitcast %shift_left3A_14 : vector<8192x256xi32> -> vector<8192x256xf32>
    %and3A = arith.constant -65536 : i32
    %and3A_15 = vector.broadcast %and3A : i32 to vector<8192x256xi32>
    %and3A_16 = arith.andi %get3A_12, %and3A_15 : vector<8192x256xi32>
    %bitcast_convert_type3A_17 = tpu.bitcast %and3A_16 : vector<8192x256xi32> -> vector<8192x256xf32>
    %reshape3A = vector.shape_cast %add3A_9 : vector<512x256xf32> to vector<512x1x256xf32>
    %broadcast_in_dim3A = vector.shape_cast %reshape3A : vector<512x1x256xf32> to vector<512x1x256xf32>
    %broadcast_in_dim3A_18 = vector.broadcast %broadcast_in_dim3A : vector<512x1x256xf32> to vector<512x16x256xf32>
    %reshape3A_19 = vector.shape_cast %broadcast_in_dim3A_18 : vector<512x16x256xf32> to vector<8192x256xf32>
    %mul3A = arith.mulf %bitcast_convert_type3A, %reshape3A_19 : vector<8192x256xf32>
    %get3A_20 = arith.constant 0 : index
    %get3A_21 = arith.constant 0 : index
    %get3A_22 = vector.load %arg5[%get3A_20, %get3A_21] : memref<256x8xf32, #tpu.memory_space<vmem>>, vector<256x8xf32>
    %dot_general3A_23 = arith.constant dense<0.000000e+00> : vector<8192x8xf32>
    %dot_general3A_24 = tpu.matmul %mul3A, %get3A_22, %dot_general3A_23 {dimension_numbers = #tpu.dot_dimension_numbers<[1], [0], [0], [1], [0, 0, 1, 1], [], []>, transpose_lhs_hint = false} : vector<8192x256xf32>, vector<256x8xf32>, vector<8192x8xf32> -> vector<8192x8xf32>
    %mul3A_25 = arith.constant 0.176776692 : f32
    %mul3A_26 = vector.broadcast %mul3A_25 : f32 to vector<8192x8xf32>
    %mul3A_27 = arith.mulf %dot_general3A_24, %mul3A_26 : vector<8192x8xf32>
    %reshape3A_28 = vector.shape_cast %mul3A_27 : vector<8192x8xf32> to vector<512x16x8xf32>
    %reduce_max3A = arith.constant dense<0xFF800000> : vector<512x8xf32>
    %reduce_max3A_29 = vector.multi_reduction <maximumf>, %reshape3A_28, %reduce_max3A [1] : vector<512x16x8xf32> to vector<512x8xf32>
    %broadcast_in_dim3A_30 = vector.shape_cast %reduce_max3A_29 : vector<512x8xf32> to vector<512x1x8xf32>
    %sub3A = vector.broadcast %broadcast_in_dim3A_30 : vector<512x1x8xf32> to vector<512x16x8xf32>
    %sub3A_31 = arith.subf %reshape3A_28, %sub3A : vector<512x16x8xf32>
    %exp3A = math.exp %sub3A_31 : vector<512x16x8xf32>
    %reduce_sum3A = arith.constant dense<0.000000e+00> : vector<512x8xf32>
    %reduce_sum3A_32 = vector.multi_reduction <add>, %exp3A, %reduce_sum3A [1] : vector<512x16x8xf32> to vector<512x8xf32>
    %broadcast_in_dim3A_33 = vector.shape_cast %reduce_sum3A_32 : vector<512x8xf32> to vector<512x1x8xf32>
    %div3A = vector.broadcast %broadcast_in_dim3A_33 : vector<512x1x8xf32> to vector<512x16x8xf32>
    %div3A_34 = arith.divf %exp3A, %div3A : vector<512x16x8xf32>
    %reshape3A_35 = vector.shape_cast %div3A_34 : vector<512x16x8xf32> to vector<8192x8xf32>
    %get3A_36 = arith.constant 0 : index
    %get3A_37 = arith.constant 0 : index
    %get3A_38 = vector.load %arg6[%get3A_36, %get3A_37] : memref<8x256xf32, #tpu.memory_space<vmem>>, vector<8x256xf32>
    %dot_general3A_39 = arith.constant dense<0.000000e+00> : vector<8192x256xf32>
    %dot_general3A_40 = tpu.matmul %reshape3A_35, %get3A_38, %dot_general3A_39 {dimension_numbers = #tpu.dot_dimension_numbers<[1], [0], [0], [1], [0, 0, 1, 1], [], []>, transpose_lhs_hint = false} : vector<8192x8xf32>, vector<8x256xf32>, vector<8192x256xf32> -> vector<8192x256xf32>
    %mul3A_41 = arith.mulf %dot_general3A_40, %bitcast_convert_type3A_17 : vector<8192x256xf32>
    %reshape3A_42 = vector.shape_cast %mul3A_41 : vector<8192x256xf32> to vector<512x16x256xf32>
    %reduce_sum3A_43 = arith.constant dense<0.000000e+00> : vector<512x256xf32>
    %reduce_sum3A_44 = vector.multi_reduction <add>, %reshape3A_42, %reduce_sum3A_43 [1] : vector<512x16x256xf32> to vector<512x256xf32>
    %get3A_45 = arith.constant 0 : index
    %get3A_46 = arith.constant 0 : index
    %get3A_47 = vector.load %arg7[%get3A_45, %get3A_46] : memref<256x256xf32, #tpu.memory_space<vmem>>, vector<256x256xf32>
    %dot_general3A_48 = arith.constant dense<0.000000e+00> : vector<512x256xf32>
    %dot_general3A_49 = tpu.matmul %reduce_sum3A_44, %get3A_47, %dot_general3A_48 {dimension_numbers = #tpu.dot_dimension_numbers<[1], [0], [0], [1], [0, 0, 1, 1], [], []>, transpose_lhs_hint = false} : vector<512x256xf32>, vector<256x256xf32>, vector<512x256xf32> -> vector<512x256xf32>
    %get3A_50 = arith.constant 0 : index
    %get3A_51 = arith.constant 0 : index
    %get3A_52 = vector.load %arg8[%get3A_50, %get3A_51] : memref<1x256xf32, #tpu.memory_space<vmem>>, vector<1x256xf32>
    %add3A_53 = vector.broadcast %get3A_52 : vector<1x256xf32> to vector<512x256xf32>
    %add3A_54 = arith.addf %dot_general3A_49, %add3A_53 : vector<512x256xf32>
    %add3A_55 = arith.addf %add3A_54, %get3A_1 : vector<512x256xf32>
    %get3A_56 = arith.constant 0 : index
    %get3A_57 = arith.constant 0 : index
    %get3A_58 = vector.load %arg9[%get3A_56, %get3A_57] : memref<1x256xf32, #tpu.memory_space<vmem>>, vector<1x256xf32>
    %get3A_59 = arith.constant 0 : index
    %get3A_60 = arith.constant 0 : index
    %get3A_61 = vector.load %arg10[%get3A_59, %get3A_60] : memref<1x256xf32, #tpu.memory_space<vmem>>, vector<1x256xf32>
    %reduce_sum3A_62 = arith.constant dense<0.000000e+00> : vector<512xf32>
    %reduce_sum3A_63 = vector.multi_reduction <add>, %add3A_55, %reduce_sum3A_62 [1] : vector<512x256xf32> to vector<512xf32>
    %broadcast_in_dim3A_64 = vector.shape_cast %reduce_sum3A_63 : vector<512xf32> to vector<512x1xf32>
    %div3A_65 = arith.constant 2.560000e+02 : f32
    %div3A_66 = vector.broadcast %div3A_65 : f32 to vector<512x1xf32>
    %div3A_67 = arith.divf %broadcast_in_dim3A_64, %div3A_66 : vector<512x1xf32>
    %sub3A_68 = vector.broadcast %div3A_67 : vector<512x1xf32> to vector<512x256xf32>
    %sub3A_69 = arith.subf %add3A_55, %sub3A_68 : vector<512x256xf32>
    %integer_pow3A = arith.mulf %sub3A_69, %sub3A_69 : vector<512x256xf32>
    %reduce_sum3A_70 = arith.constant dense<0.000000e+00> : vector<512xf32>
    %reduce_sum3A_71 = vector.multi_reduction <add>, %integer_pow3A, %reduce_sum3A_70 [1] : vector<512x256xf32> to vector<512xf32>
    %broadcast_in_dim3A_72 = vector.shape_cast %reduce_sum3A_71 : vector<512xf32> to vector<512x1xf32>
    %div3A_73 = arith.constant 2.560000e+02 : f32
    %div3A_74 = vector.broadcast %div3A_73 : f32 to vector<512x1xf32>
    %div3A_75 = arith.divf %broadcast_in_dim3A_72, %div3A_74 : vector<512x1xf32>
    %sub3A_76 = vector.broadcast %div3A_67 : vector<512x1xf32> to vector<512x256xf32>
    %sub3A_77 = arith.subf %add3A_55, %sub3A_76 : vector<512x256xf32>
    %add3A_78 = arith.constant 9.99999974E-6 : f32
    %add3A_79 = vector.broadcast %add3A_78 : f32 to vector<512x1xf32>
    %add3A_80 = arith.addf %div3A_75, %add3A_79 : vector<512x1xf32>
    %rsqrt3A = math.rsqrt %add3A_80 : vector<512x1xf32>
    %mul3A_81 = vector.broadcast %rsqrt3A : vector<512x1xf32> to vector<512x256xf32>
    %mul3A_82 = arith.mulf %sub3A_77, %mul3A_81 : vector<512x256xf32>
    %mul3A_83 = vector.broadcast %get3A_58 : vector<1x256xf32> to vector<512x256xf32>
    %mul3A_84 = arith.mulf %mul3A_82, %mul3A_83 : vector<512x256xf32>
    %add3A_85 = vector.broadcast %get3A_61 : vector<1x256xf32> to vector<512x256xf32>
    %add3A_86 = arith.addf %mul3A_84, %add3A_85 : vector<512x256xf32>
    %get3A_87 = arith.constant 0 : index
    %get3A_88 = arith.constant 0 : index
    %get3A_89 = vector.load %arg11[%get3A_87, %get3A_88] : memref<256x512xf32, #tpu.memory_space<vmem>>, vector<256x512xf32>
    %dot_general3A_90 = arith.constant dense<0.000000e+00> : vector<512x512xf32>
    %dot_general3A_91 = tpu.matmul %add3A_86, %get3A_89, %dot_general3A_90 {dimension_numbers = #tpu.dot_dimension_numbers<[1], [0], [0], [1], [0, 0, 1, 1], [], []>, transpose_lhs_hint = false} : vector<512x256xf32>, vector<256x512xf32>, vector<512x512xf32> -> vector<512x512xf32>
    %get3A_92 = arith.constant 0 : index
    %get3A_93 = arith.constant 0 : index
    %get3A_94 = vector.load %arg12[%get3A_92, %get3A_93] : memref<1x512xf32, #tpu.memory_space<vmem>>, vector<1x512xf32>
    %add3A_95 = vector.broadcast %get3A_94 : vector<1x512xf32> to vector<512x512xf32>
    %add3A_96 = arith.addf %dot_general3A_91, %add3A_95 : vector<512x512xf32>
    %max3A = arith.constant 0.000000e+00 : f32
    %max3A_97 = vector.broadcast %max3A : f32 to vector<512x512xf32>
    %max3A_98 = arith.maximumf %add3A_96, %max3A_97 : vector<512x512xf32>
    %get3A_99 = arith.constant 0 : index
    %get3A_100 = arith.constant 0 : index
    %get3A_101 = vector.load %arg13[%get3A_99, %get3A_100] : memref<512x256xf32, #tpu.memory_space<vmem>>, vector<512x256xf32>
    %dot_general3A_102 = arith.constant dense<0.000000e+00> : vector<512x256xf32>
    %dot_general3A_103 = tpu.matmul %max3A_98, %get3A_101, %dot_general3A_102 {dimension_numbers = #tpu.dot_dimension_numbers<[1], [0], [0], [1], [0, 0, 1, 1], [], []>, transpose_lhs_hint = false} : vector<512x512xf32>, vector<512x256xf32>, vector<512x256xf32> -> vector<512x256xf32>
    %get3A_104 = arith.constant 0 : index
    %get3A_105 = arith.constant 0 : index
    %get3A_106 = vector.load %arg14[%get3A_104, %get3A_105] : memref<1x256xf32, #tpu.memory_space<vmem>>, vector<1x256xf32>
    %add3A_107 = vector.broadcast %get3A_106 : vector<1x256xf32> to vector<512x256xf32>
    %add3A_108 = arith.addf %dot_general3A_103, %add3A_107 : vector<512x256xf32>
    %add3A_109 = arith.addf %add3A_86, %add3A_108 : vector<512x256xf32>
    %get3A_110 = arith.constant 0 : index
    %get3A_111 = arith.constant 0 : index
    %get3A_112 = vector.load %arg15[%get3A_110, %get3A_111] : memref<1x256xf32, #tpu.memory_space<vmem>>, vector<1x256xf32>
    %get3A_113 = arith.constant 0 : index
    %get3A_114 = arith.constant 0 : index
    %get3A_115 = vector.load %arg16[%get3A_113, %get3A_114] : memref<1x256xf32, #tpu.memory_space<vmem>>, vector<1x256xf32>
    %reduce_sum3A_116 = arith.constant dense<0.000000e+00> : vector<512xf32>
    %reduce_sum3A_117 = vector.multi_reduction <add>, %add3A_109, %reduce_sum3A_116 [1] : vector<512x256xf32> to vector<512xf32>
    %broadcast_in_dim3A_118 = vector.shape_cast %reduce_sum3A_117 : vector<512xf32> to vector<512x1xf32>
    %div3A_119 = arith.constant 2.560000e+02 : f32
    %div3A_120 = vector.broadcast %div3A_119 : f32 to vector<512x1xf32>
    %div3A_121 = arith.divf %broadcast_in_dim3A_118, %div3A_120 : vector<512x1xf32>
    %sub3A_122 = vector.broadcast %div3A_121 : vector<512x1xf32> to vector<512x256xf32>
    %sub3A_123 = arith.subf %add3A_109, %sub3A_122 : vector<512x256xf32>
    %integer_pow3A_124 = arith.mulf %sub3A_123, %sub3A_123 : vector<512x256xf32>
    %reduce_sum3A_125 = arith.constant dense<0.000000e+00> : vector<512xf32>
    %reduce_sum3A_126 = vector.multi_reduction <add>, %integer_pow3A_124, %reduce_sum3A_125 [1] : vector<512x256xf32> to vector<512xf32>
    %broadcast_in_dim3A_127 = vector.shape_cast %reduce_sum3A_126 : vector<512xf32> to vector<512x1xf32>
    %div3A_128 = arith.constant 2.560000e+02 : f32
    %div3A_129 = vector.broadcast %div3A_128 : f32 to vector<512x1xf32>
    %div3A_130 = arith.divf %broadcast_in_dim3A_127, %div3A_129 : vector<512x1xf32>
    %sub3A_131 = vector.broadcast %div3A_121 : vector<512x1xf32> to vector<512x256xf32>
    %sub3A_132 = arith.subf %add3A_109, %sub3A_131 : vector<512x256xf32>
    %add3A_133 = arith.constant 9.99999974E-6 : f32
    %add3A_134 = vector.broadcast %add3A_133 : f32 to vector<512x1xf32>
    %add3A_135 = arith.addf %div3A_130, %add3A_134 : vector<512x1xf32>
    %rsqrt3A_136 = math.rsqrt %add3A_135 : vector<512x1xf32>
    %mul3A_137 = vector.broadcast %rsqrt3A_136 : vector<512x1xf32> to vector<512x256xf32>
    %mul3A_138 = arith.mulf %sub3A_132, %mul3A_137 : vector<512x256xf32>
    %mul3A_139 = vector.broadcast %get3A_112 : vector<1x256xf32> to vector<512x256xf32>
    %mul3A_140 = arith.mulf %mul3A_138, %mul3A_139 : vector<512x256xf32>
    %add3A_141 = vector.broadcast %get3A_115 : vector<1x256xf32> to vector<512x256xf32>
    %add3A_142 = arith.addf %mul3A_140, %add3A_141 : vector<512x256xf32>
    %swap3A = arith.constant 0 : index
    %swap3A_143 = arith.constant 0 : index
    %swap3A_144 = vector.load %arg17[%swap3A, %swap3A_143] : memref<512x256xf32, #tpu.memory_space<vmem>>, vector<512x256xf32>
    tpu.vector_store %arg17[%swap3A, %swap3A_143], %add3A_142 {strides = array<i32>} : memref<512x256xf32, #tpu.memory_space<vmem>>, vector<512x256xf32>,
    return
  }
  func.func @transform_0(%arg0: i32) -> (i32, i32) {
    %c0_i32 = arith.constant 0 : i32
    %c0_i32_0 = arith.constant 0 : i32
    return %arg0, %c0_i32 : i32, i32
  }
  func.func @transform_1(%arg0: i32) -> (i32, i32) {
    %add3A = arith.constant 0 : i32
    %add3A_0 = arith.addi %add3A, %arg0 : i32
    %c0_i32 = arith.constant 0 : i32
    %c0_i32_1 = arith.constant 0 : i32
    return %add3A_0, %c0_i32 : i32, i32
  }
  func.func @transform_2(%arg0: i32) -> (i32, i32) {
    %c0_i32 = arith.constant 0 : i32
    %c0_i32_0 = arith.constant 0 : i32
    %c0_i32_1 = arith.constant 0 : i32
    return %c0_i32, %c0_i32_0 : i32, i32
  }
  func.func @transform_3(%arg0: i32) -> (i32, i32) {
    %c0_i32 = arith.constant 0 : i32
    %c0_i32_0 = arith.constant 0 : i32
    %c0_i32_1 = arith.constant 0 : i32
    return %c0_i32, %c0_i32_0 : i32, i32
  }
  func.func @transform_4(%arg0: i32) -> (i32, i32) {
    %c0_i32 = arith.constant 0 : i32
    %c0_i32_0 = arith.constant 0 : i32
    %c0_i32_1 = arith.constant 0 : i32
    return %c0_i32, %c0_i32_0 : i32, i32
  }
  func.func @transform_5(%arg0: i32) -> (i32, i32) {
    %c0_i32 = arith.constant 0 : i32
    %c0_i32_0 = arith.constant 0 : i32
    %c0_i32_1 = arith.constant 0 : i32
    return %c0_i32, %c0_i32_0 : i32, i32
  }
  func.func @transform_6(%arg0: i32) -> (i32, i32) {
    %c0_i32 = arith.constant 0 : i32
    %c0_i32_0 = arith.constant 0 : i32
    %c0_i32_1 = arith.constant 0 : i32
    return %c0_i32, %c0_i32_0 : i32, i32
  }
  func.func @transform_7(%arg0: i32) -> (i32, i32) {
    %c0_i32 = arith.constant 0 : i32
    %c0_i32_0 = arith.constant 0 : i32
    %c0_i32_1 = arith.constant 0 : i32
    return %c0_i32, %c0_i32_0 : i32, i32
  }
  func.func @transform_8(%arg0: i32) -> (i32, i32) {
    %c0_i32 = arith.constant 0 : i32
    %c0_i32_0 = arith.constant 0 : i32
    %c0_i32_1 = arith.constant 0 : i32
    return %c0_i32, %c0_i32_0 : i32, i32
  }
  func.func @transform_9(%arg0: i32) -> (i32, i32) {
    %c0_i32 = arith.constant 0 : i32
    %c0_i32_0 = arith.constant 0 : i32
    %c0_i32_1 = arith.constant 0 : i32
    return %c0_i32, %c0_i32_0 : i32, i32
  }
  func.func @transform_10(%arg0: i32) -> (i32, i32) {
    %c0_i32 = arith.constant 0 : i32
    %c0_i32_0 = arith.constant 0 : i32
    %c0_i32_1 = arith.constant 0 : i32
    return %c0_i32, %c0_i32_0 : i32, i32
  }
  func.func @transform_11(%arg0: i32) -> (i32, i32) {
    %c0_i32 = arith.constant 0 : i32
    %c0_i32_0 = arith.constant 0 : i32
    %c0_i32_1 = arith.constant 0 : i32
    return %c0_i32, %c0_i32_0 : i32, i32
  }
  func.func @transform_12(%arg0: i32) -> (i32, i32) {
    %c0_i32 = arith.constant 0 : i32
    %c0_i32_0 = arith.constant 0 : i32
    %c0_i32_1 = arith.constant 0 : i32
    return %c0_i32, %c0_i32_0 : i32, i32
  }
  func.func @transform_13(%arg0: i32) -> (i32, i32) {
    %c0_i32 = arith.constant 0 : i32
    %c0_i32_0 = arith.constant 0 : i32
    %c0_i32_1 = arith.constant 0 : i32
    return %c0_i32, %c0_i32_0 : i32, i32
  }
  func.func @transform_14(%arg0: i32) -> (i32, i32) {
    %c0_i32 = arith.constant 0 : i32
    %c0_i32_0 = arith.constant 0 : i32
    %c0_i32_1 = arith.constant 0 : i32
    return %c0_i32, %c0_i32_0 : i32, i32
  }
  func.func @transform_15(%arg0: i32) -> (i32, i32) {
    %c0_i32 = arith.constant 0 : i32
    %c0_i32_0 = arith.constant 0 : i32
    %c0_i32_1 = arith.constant 0 : i32
    return %c0_i32, %c0_i32_0 : i32, i32
  }
  func.func @transform_16(%arg0: i32) -> (i32, i32) {
    %c0_i32 = arith.constant 0 : i32
    %c0_i32_0 = arith.constant 0 : i32
    return %arg0, %c0_i32 : i32, i32
  }
}

</mosaic_0001>

<sc_bundles>
// kernel: kernel.12.cloned.1.call-start
scs
__scs_entry_jumppad:
0x0: {  	(pc) =	sbr.rel $0x88, $3  }
0x1: {  	(tag) =	ssettag $0x0;
	lr =	simm.s32 $0x1  }
0x2: {  	[smem:$0x3F8E] =	sst lr;
	_ =	strace $0xD0000000  }
0x3: {  	_ = 	snop  }
0x4: {  	_ = 	snop  }
0x5: {  	_ = 	snop  }
0x6: {  	_ = 	snop  }
0x7: {  	_ = 	snop  }
__scs_overlays_trampoline_lowered:
0x8: {  	[smem:$0x3F9D] =	sst s0  }
0x9: {  	[smem:$0x3F9E] =	sst s1  }
0xa: {  	[smem:$0x3F9F] =	sst s2  }
0xb: {  	[smem:$0x3FA0] =	sst s3  }
0xc: {  	[smem:$0x3FA1] =	sst s4  }
0xd: {  	[smem:$0x3FA2] =	sst s5  }
0xe: {  	[smem:$0x3FA3] =	sst s6  }
0xf: {  	[smem:$0x3FA4] =	sst s7  }
0x10: {  	[smem:$0x3FA5] =	sst s8  }
0x11: {  	[smem:$0x3FA6] =	sst s9;
	s0 =	simm.s32 @!p0 $0x0  }
0x12: {  	s1 =	sld [smem:$0x3F8C];
	s0 =	simm.s32 @p0 $0x1  }
0x13: {  	[smem:$0x3FA7] =	sst s0;
	s0 =	simm.s32 @!p1 $0x0  }
0x14: {  	s2 =	sld [smem:$0x3F8B];
	s0 =	simm.s32 @p1 $0x1  }
0x15: {  	[smem:$0x3FA8] =	sst s0;
	s0 =	simm.s32 @!p2 $0x0  }
0x16: {  	s3 =	sld [smem:$0x3FDB];
	s0 =	simm.s32 @p2 $0x1  }
0x17: {  	s4 =	simm.s32 $0x1BF5;
	[smem:$0x3FAA] =	sst s0  }
0x18: {  	s0 =	sld [smem:$0x3F8D];
	_ =	swait.ge [sflag:s4], $0x0  }
0x19: {  	s7 =	sld [smem:$0x3F8E]  }
0x1a: {  	s8 =	sadd.s32 $0xFFFFE003, lr  }
0x1b: {  	s9 =	sadd.s32 $0xFFFFFEF7, lr;
	s5 =	simm.s32 $0xFFFFFFFF;
	p2 =	slt.u32 s8, $0xFFFFF086  }
0x1c: {  	p1 =	slt.u32 s9, $0xF7A;
	s5 =	simm.s32 @!p2 $0x0  }
0x1d: {  	s5 =	simm.s32 @p1 $0x1;
	p0 =	seq.s32 s7, s2  }
0x1e: {  	s7 =	smul.u32 @!p0 $0xF7A, s2;
	p2 =	seq.s32 @!p0 s5, $0x0  }
0x1f: {  	s9 =	smul.u32 $0xF7A, s1;
	s8 =	simm.s32 @!p0 $0x1BF5;
	p2 =	por !p2, p0  }
0x20: {  	[sflag:s8] =	ssyncset.s32 @!p0 $0xFFFFF086;
	s6 =	sadd.s32 @!p0 s3, s7;
	s7 =	simm.s32 @!p0 $0x108  }
0x21: {  	s3 =	sadd.s32 s3, s9;
	s6 =	sadd.s32 @!p0 $0x88, s6;
	s7 =	simm.s32 @p2 $0x1082  }
0x22: {  	[simem:s7], [sflag:s8] =	dma.local @!p0 [hbm:s6], $0xF7A  }
0x23: {  	s9 =	sor.u32 $0xD0000000, s2;
	s6 =	simm.s32 $0x108;
	_ =	swait.ge @!p0 [sflag:s8], $0x0  }
0x24: {  	s3 =	sadd.s32 $0x88, s3;
	s6 =	simm.s32 @!p1 $0x1082;
	[sflag:s4] =	ssyncset.s32 $0xFFFFF086  }
0x25: {  	[simem:s6], [sflag:s4] =	dma.local [hbm:s3], $0xF7A  }
0x26: {  	[smem:$0x3F8E] =	sst s1;
	(tag) =	ssettag s2;
	_ =	strace s9  }
0x27: {  	s1 =	sld [smem:$0x3F9E]  }
0x28: {  	s2 =	sld [smem:$0x3F9F]  }
0x29: {  	s4 =	sld [smem:$0x3FA1]  }
0x2a: {  	p0 =	seq.s32 s5, $0x0;
	s5 =	sld [smem:$0x3FA2]  }
0x2b: {  	s6 =	sld [smem:$0x3FA3]  }
0x2c: {  	s7 =	sld [smem:$0x3FA4]  }
0x2d: {  	s3 =	simm.s32 $0x108;
	s8 =	sld [smem:$0x3FA5]  }
0x2e: {  	s3 =	simm.s32 @!p0 $0x1082;
	s9 =	sld [smem:$0x3FA6]  }
0x2f: {  	lr =	sadd.s32 s0, s3;
	s0 =	sld [smem:$0x3F9D]  }
0x30: {  	s3 =	sld [smem:$0x3FA0]  }
0x31: {  	[smem:$0x3FA9] =	sst s10  }
0x32: {  	s10 =	sld [smem:$0x3FA7];
	_ =	sdelay $0x3  }
0x33: {  	p0 =	seq.s32 s10, $0x1;
	s10 =	sld [smem:$0x3FA9];
	_ =	sdelay $0x3  }
0x34: {  	[smem:$0x3FA9] =	sst s10  }
0x35: {  	s10 =	sld [smem:$0x3FA8];
	_ =	sdelay $0x3  }
0x36: {  	p1 =	seq.s32 s10, $0x1;
	s10 =	sld [smem:$0x3FA9];
	_ =	sdelay $0x3  }
0x37: {  	[smem:$0x3FA9] =	sst s10  }
0x38: {  	s10 =	sld [smem:$0x3FAA]  }
0x39: {  	_ = 	snop;
	(pc) =	sbr.ind lr, $3  }
0x3a: {  	_ = 	snop  }
0x3b: {  	_ = 	snop  }
0x3c: {  	p2 =	seq.s32 s10, $0x1;
	s10 =	sld [smem:$0x3FA9]  }
0x3d: {  	_ =	shalt  }
0x3e: {  	_ =	shalt  }
0x3f: {  	_ =	shalt  }
0x40: {  	_ =	shalt  }
0x41: {  	_ =	shalt  }
0x42: {  	_ =	shalt  }
0x43: {  	_ =	shalt  }
0x44: {  	_ =	shalt  }
0x45: {  	_ =	shalt  }
0x46: {  	_ =	shalt  }
0x47: {  	_ =	shalt  }
0x48: {  	_ =	shalt  }
0x49: {  	_ =	shalt  }
0x4a: {  	_ =	shalt  }
0x4b: {  	_ =	shalt  }
0x4c: {  	_ =	shalt  }
0x4d: {  	_ =	shalt  }
0x4e: {  	_ =	shalt  }
0x4f: {  	_ =	shalt  }
0x50: {  	_ =	shalt  }
0x51: {  	_ =	shalt  }
0x52: {  	_ =	shalt  }
0x53: {  	_ =	shalt  }
0x54: {  	_ =	shalt  }
0x55: {  	_ =	shalt  }
0x56: {  	_ =	shalt  }
0x57: {  	_ =	shalt  }
0x58: {  	_ =	shalt  }
0x59: {  	_ =	shalt  }
0x5a: {  	_ =	shalt  }
0x5b: {  	_ =	shalt  }
0x5c: {  	_ =	shalt  }
0x5d: {  	_ =	shalt  }
0x5e: {  	_ =	shalt  }
0x5f: {  	_ =	shalt  }
0x60: {  	_ =	shalt  }
0x61: {  	_ =	shalt  }
0x62: {  	_ =	shalt  }
0x63: {  	_ =	shalt  }
0x64: {  	_ =	shalt  }
0x65: {  	_ =	shalt  }
0x66: {  	_ =	shalt  }
0x67: {  	_ =	shalt  }
0x68: {  	_ =	shalt  }
0x69: {  	_ =	shalt  }
0x6a: {  	_ =	shalt  }
0x6b: {  	_ =	shalt  }
0x6c: {  	_ =	shalt  }
0x6d: {  	_ =	shalt  }
0x6e: {  	_ =	shalt  }
0x6f: {  	_ =	shalt  }
0x70: {  	_ =	shalt  }
0x71: {  	_ =	shalt  }
0x72: {  	_ =	shalt  }
0x73: {  	_ =	shalt  }
0x74: {  	_ =	shalt  }
0x75: {  	_ =	shalt  }
0x76: {  	_ =	shalt  }
0x77: {  	_ =	shalt  }
0x78: {  	_ =	shalt  }
0x79: {  	_ =	shalt  }
0x7a: {  	_ =	shalt  }
0x7b: {  	_ =	shalt  }
0x7c: {  	_ =	shalt  }
0x7d: {  	_ =	shalt  }
0x7e: {  	_ =	shalt  }
0x7f: {  	_ =	shalt  }
0x80: {  	_ =	shalt  }
0x81: {  	_ =	shalt  }
0x82: {  	_ =	shalt  }
0x83: {  	_ =	shalt  }
0x84: {  	_ =	shalt  }
0x85: {  	_ =	shalt  }
0x86: {  	_ =	shalt  }
0x87: {  	_ =	shalt  }
.Lfunc_end0:
.L_simem_size_0:
called_computation_lowered:
.L_overlay_start_0:
0x88: {  	s2 =	sld [smem:$0x3FD9]  }
0x89: {  	s3 =	sld [smem:$0x3FFE];
	_ =	sdelay $0x1  }
0x8a: {  	s1 =	srdreg.scid  }
0x8b: {  	s0 =	sand.u32 $0x1, s1  }
0x8c: {  	s17 =	sshll.u32 s0, $0xA;
	s2 =	sadd.s32 s3, s2  }
0x8d: {  	s2 =	sadd.s32 s2, s17  }
0x8e: {  	[smem:$0x3FB5] =	sst s2  }
0x8f: {  	_ = 	snop  }
0x90: {  	(tm) =	ssettm $0x1  }
0x91: {  	s18 =	sld [smem:$0x3FFB];
	_ =	sdelay $0x3  }
0x92: {  	_ =	strace s18  }
0x93: {  	s2 =	sld [smem:$0x3FFC];
	_ =	sdelay $0x3  }
0x94: {  	_ =	strace s2  }
0x95: {  	s2 =	sld [smem:$0x3FFD];
	_ =	sdelay $0x3  }
0x96: {  	_ =	strace s2  }
0x97: {  	_ =	strace $0x8FFFFFFF  }
0x98: {  	s19 =	sld [smem:$0x3FDB];
	_ =	sdelay $0x1  }
0x99: {  	s20 =	simm.s32 $_scs_section_size  }
0x9a: {  	s4 =	simm.s32 $_size__tile_overlayer_lowered;
	s5 =	simm.s32 $_tile_overlayer_lowered  }
0x9b: {  	s6 =	simm.s32 $0x1BFF;
	s21 =	sshll.u32 s5, $0x1;
	s3 =	sadd.s32 s20, s19  }
0x9c: {  	s22 =	simm.s32 $0x0;
	s4 =	sshll.u32 s4, $0x1;
	s5 =	sadd.s32 s21, s3  }
0x9d: {  	[timem:s22], [sflag:s6] =	dma.local [hbm:s5], s4  }
0x9e: {  	_ =	swait.ge [sflag:s6], s4  }
0x9f: {  	s4 =	ssub.s32 $0x0, s4;
	[sflag:s6] =	ssyncset.done $0x0  }
0xa0: {  	[sflag:s6] =	ssyncadd.s32 s4;
	_ =	sdelay $0x1  }
0xa1: {  	s23 =	simm.s32 $0x1B8B  }
0xa2: {  	_ =	swait.ge [sflag:s23], $0x1  }
0xa3: {  	[sflag:s23] =	ssyncset.done $0x0  }
0xa4: {  	[sflag:s23] =	ssyncadd.s32 $0xFFFFFFFF  }
0xa5: {  	s4 =	sld [smem:$0x0]  }
0xa6: {  	s5 =	sand.u32 $0xFFFFFFFE, s1  }
0xa7: {  	p0 =	sne.s32 s1, s5  }
0xa8: {  	s5 =	sshll.u32 @p0 s5, $0xE  }
0xa9: {  	s5 =	sadd.s32 @p0 $0x11B8D, s5;
	s6 =	sshll.u32 @p0 s4, $0x11  }
0xaa: {  	s5 =	sor.u32 @p0 s6, s5  }
0xab: {  	[sflag:s5] =	ssyncadd.remote.s32 @p0 $0x1;
	_ =	sdelay $0x1  }
0xac: {  	s5 =	simm.s32 @p0 $0x1B8D  }
0xad: {  	_ =	swait.eq @p0 [sflag:s5], $0x1  }
0xae: {  	[sflag:s5] =	ssyncadd.s32 @p0 $0xFFFFFFFF  }
0xaf: {  	s6 =	sshll.u32 @!p0 s1, $0xE  }
0xb0: {  	s6 =	sor.u32 @!p0 $0x4000, s6;
	s5 =	simm.s32 @!p0 $0x1B8D  }
0xb1: {  	s4 =	sshll.u32 @!p0 s4, $0x11;
	s6 =	sadd.s32 @!p0 $0x11B8D, s6;
	_ =	swait.eq @!p0 [sflag:s5], $0x1  }
0xb2: {  	s4 =	sor.u32 @!p0 s4, s6;
	[sflag:s5] =	ssyncadd.s32 @!p0 $0xFFFFFFFF  }
0xb3: {  	s25 =	simm.s32 $0x1B8E;
	s24 =	sld [smem:$0x3FFE];
	[sflag:s4] =	ssyncadd.remote.s32 @!p0 $0x1  }
0xb4: {  	s26 =	simm.s32 $execute0_lowered;
	[smem:$0x3FD2] =	sst s25  }
0xb5: {  	s5 =	sshll.u32 s26, $0x1;
	_ =	strace $0x8000004F;
	[dreg:$0x1] =	wrdreg $0xFFFFFFFF  }
0xb6: {  	s28 =	simm.s32 $_size_execute0_lowered;
	s3 =	sadd.s32 s3, s5;
	[dreg:$0x0] =	wrdreg $0x0  }
0xb7: {  	s5 =	sshll.u32 s28, $0x1;
	[dreg:$0x2] =	wrdreg s3  }
0xb8: {  	[dreg:$0x3] =	wrdreg s5  }
0xb9: {  	[dreg:$0x4] =	wrdreg $0xC0  }
0xba: {  	_ =	task [dreg:s22], $0x5FFFF  }
0xbb: {  	[dreg:$0x1] =	wrdreg $0xFFFFFFFF  }
0xbc: {  	[dreg:$0x0] =	wrdreg $0x60  }
0xbd: {  	[dreg:$0x2] =	wrdreg s24  }
0xbe: {  	[dreg:$0x3] =	wrdreg $0x9  }
0xbf: {  	_ =	task.clear_ibuf [dreg:s22], $0x4FFFF;
	_ =	strace $0x9000004F  }
0xc0: {  	s29 =	simm.s32 $0x9;
	_ =	strace $0x80000051  }
0xc1: {  	_ =	swait.ge [sflag:s29], $0x1  }
0xc2: {  	[sflag:s29] =	ssyncadd.s32 $0xFFFFFFFF  }
0xc3: {  	_ =	strace $0x90000051  }
0xc4: {  	_ =	sfence  }
0xc5: {  	s30 =	sld [smem:$0x0];
	_ =	sdelay $0x2  }
0xc6: {  	s31 =	sshll.u32 s1, $0xD;
	s1 =	sshrl.u32 s1, $0x2  }
0xc7: {  	s4 =	sand.u32 $0x4000, s31;
	s1 =	sadd.s32 s1, s30  }
0xc8: {  	s0 =	sor.u32 s4, s0;
	s1 =	sshll.u32 s1, $0x11  }
0xc9: {  	s0 =	sor.u32 s1, s0  }
0xca: {  	s0 =	sadd.s32 $0x8F2B, s0  }
0xcb: {  	[sflag:s0] =	ssyncadd.remote.s32 $0x1  }
0xcc: {  	_ =	sfence.sel $0xFFFF  }
0xcd: {  	[dreg:$0x0] =	wrdreg $0xFFFFFFFF;
	(pc) =	sbr.abs _section_cstart, $3  }
0xce: {  	[dreg:$0x1] =	wrdreg $0xFFFFFFFF  }
0xcf: {  	_ =	task.clear_ibuf [dreg:s22], $0x2FFFF;
	_ =	strace $0x9FFFFFFF  }
0xd0: {  	(tm) =	ssettm $0x7FFFFFFF  }
0xd1: {  	_ =	shalt  }
tec
execute0_lowered:
.L_overlay_start_1:
0x0: {  	(tag) =	ssettag $0x1  }
0x1: {  	s0 =	rddreg [dreg:$0x0]  }
0x2: {  	s1 =	srdreg.scid;
	s5 =	stileid.u32  }
0x3: {  	s2 =	simm.s32 $0x0;
	s8 =	simm.s32 $0x400;
	s20 =	simm.s32 $0x6400  }
0x4: {  	s21 =	simm.s32 $0x6C00;
	s22 =	simm.s32 $0x7400;
	s28 =	simm.s32 $0x9C00  }
0x5: {  	s29 =	simm.s32 $0xA400;
	s30 =	simm.s32 $0xAC00;
	s31 =	simm.s32 $0xB400  }
0x6: {  	s9 =	simm.s32 $0xDC00;
	s10 =	simm.s32 $0xE400;
	s11 =	simm.s32 $0xEC00  }
0x7: {  	s12 =	simm.s32 $0xF400;
	s13 =	simm.s32 $0xFC00;
	s14 =	simm.s32 $0x1  }
0x8: {  	s15 =	simm.s32 $0x2;
	s17 =	simm.s32 $0x0;
	s1 =	sand.u32 $0x1, s1  }
0x9: {  	s3 =	sshll.u32 s5, $0xB;
	[smem:$0x7FF] =	sst s2;
	s24 =	sshll.u32 s5, $0x10  }
0xa: {  	s5 =	simm.s32 $0xD400;
	s4 =	sshll.u32 s1, $0xA;
	_ =	strace $0x80000050  }
0xb: {  	s25 =	ssub.s32 $0x2, s1;
	s6 =	sadd.s32 s24, s0;
	s1 =	sshll.u32 s1, $0xF  }
0xc: {  	s24 =	simm.s32 $0x8400;
	s3 =	sor.u32 s4, s3;
	s7 =	sshrl.u32 s25, $0x1  }
0xd: {  	s1 =	sadd.s32 s1, s6;
	s3 =	sshrl.u32 s3, $0x3;
	s26 =	ssub.s32 s25, s7  }
.Ltmp0:
0xe: {  	s6 =	sadd.s32 $0x328000, s1;
	s7 =	simm.s32 $0x3;
	(pc) =	sbr.rel .LBB2_1-.Ltmp0, $4  }
0xf: {  	s25 =	simm.s32 $0x8C00;
	s1 =	simm.s32 $0xC400;
	s23 =	sadd.s32 s3, s0  }
0x10: {  	v2 =	vlaneseq.u32;
	s3 =	sadd.s32 $0x207000, s0;
	s0 =	smax.u32 s26, $0x1;
	s26 =	simm.s32 $0x9400  }
0x11: {  	vm0 =	vmmov $0xffff;
	v1 =	vshrl.u32 v2, $0x3;
	s4 =	sadd.s32 $0x327000, s23;
	[dreg:$0x3] =	wrdreg s0;
	s23 =	simm.s32 $0x7C00  }
0x12: {  	v0 =	vand.u32 $0x7, v2;
	v2 =	vor.u32 $0x8, v2;
	v1 =	vmul.u32 $0x8, v1;
	s0 =	simm.s32 $0xBC00;
	[dreg:$0x2] =	wrdreg s4;
	s4 =	simm.s32 $0xCC00  }
.LBB2_5:
0x13: {  	s17 =	rddreg [dreg:$0x4]  }
0x14: {  	s16 =	rddreg [dreg:$0x3];
	s17 =	sadd.s32 $0x1, s17  }
0x15: {  	p0 =	sne.s32 s17, s16  }
.Ltmp1:
0x16: {  	_ = 	snop;
	(pc) =	sbr.rel @!p0 .LBB2_6-.Ltmp1, $1  }
0x17: {  	_ =	sdelay $0x3  }
.LBB2_1:
0x18: {  	[dreg:$0x4] =	wrdreg s17  }
0x19: {  	s16 =	rddreg [dreg:$0x2]  }
0x1a: {  	[tilespmem:s2], [sflag:$0x3] =	stream.linear.gather [hbm4b:s16+s2], $0x400, $0x38;
	[tilespmem:$0x10400] =	vst v63  }
0x1b: {  	_ =	swait.ge [sflag:s7], $0x400  }
0x1c: {  	[sflag:s7] =	ssyncset.done $0x0  }
0x1d: {  	[sflag:s7] =	ssyncadd.s32 $0xFFFFFC00  }
0x1e: {  	v3 =	vld [tilespmem:$0x0];
	_ =	sdelay $0x4  }
0x1f: {  	v4 =	vshll.u32 v3, $0x1  }
0x20: {  	v3 =	vand.u32 $0x7, v3;
	v4 =	vand.u32 $0xFFFFFFF0, v4  }
0x21: {  	v3 =	vor.u32 v3, v4  }
0x22: {  	v4 =	vperm.xlane v3, v0;
	_ =	sdelay $0x1  }
0x23: {  	v3 =	vperm.xlane v3, v2;
	v4 =	vadd.s32 v1, v4;
	_ =	sdelay $0x1  }
0x24: {  	v3 =	vadd.s32 v1, v3;
	_ =	sdelay $0x2  }
0x25: {  	[tilespmem:s8], [sflag:$0x1] =	stream.indirect_vreg.gather [hbm4b:s3+s2], $0x80, v4, vm0, $0xb8;
	[tilespmem:$0x10400] =	vst v63  }
0x26: {  	s18 =	simm.s32 $0xC00  }
0x27: {  	[tilespmem:s18], [sflag:$0x1] =	stream.indirect_vreg.gather [hbm4b:s3+s2], $0x80, v3, vm0, $0xb8;
	[tilespmem:$0x10400] =	vst v63  }
0x28: {  	v3 =	vld [tilespmem:$0x10];
	_ =	sdelay $0x4  }
0x29: {  	v57 =	vshll.u32 v3, $0x1  }
0x2a: {  	v3 =	vand.u32 $0x7, v3;
	v4 =	vand.u32 $0xFFFFFFF0, v57  }
0x2b: {  	v3 =	vor.u32 v3, v4  }
0x2c: {  	v4 =	vperm.xlane v3, v0;
	_ =	sdelay $0x1  }
0x2d: {  	v3 =	vperm.xlane v3, v2;
	v4 =	vadd.s32 v1, v4;
	_ =	sdelay $0x1  }
0x2e: {  	v3 =	vadd.s32 v1, v3;
	_ =	sdelay $0x1  }
0x2f: {  	s19 =	simm.s32 $0x1400  }
0x30: {  	[tilespmem:s19], [sflag:$0x1] =	stream.indirect_vreg.gather [hbm4b:s3+s2], $0x80, v4, vm0, $0xb8;
	[tilespmem:$0x10400] =	vst v63  }
0x31: {  	s17 =	simm.s32 $0x1C00  }
0x32: {  	[tilespmem:s17], [sflag:$0x1] =	stream.indirect_vreg.gather [hbm4b:s3+s2], $0x80, v3, vm0, $0xb8;
	[tilespmem:$0x10400] =	vst v63  }
0x33: {  	v3 =	vld [tilespmem:$0x20];
	_ =	sdelay $0x4  }
0x34: {  	v58 =	vshll.u32 v3, $0x1  }
0x35: {  	v3 =	vand.u32 $0x7, v3;
	v4 =	vand.u32 $0xFFFFFFF0, v58  }
0x36: {  	v3 =	vor.u32 v3, v4  }
0x37: {  	v4 =	vperm.xlane v3, v0;
	_ =	sdelay $0x1  }
0x38: {  	v3 =	vperm.xlane v3, v2;
	v4 =	vadd.s32 v1, v4;
	_ =	sdelay $0x1  }
0x39: {  	v3 =	vadd.s32 v1, v3;
	_ =	sdelay $0x1  }
0x3a: {  	s18 =	simm.s32 $0x2400  }
0x3b: {  	[tilespmem:s18], [sflag:$0x1] =	stream.indirect_vreg.gather [hbm4b:s3+s2], $0x80, v4, vm0, $0xb8;
	[tilespmem:$0x10400] =	vst v63  }
0x3c: {  	s19 =	simm.s32 $0x2C00  }
0x3d: {  	[tilespmem:s19], [sflag:$0x1] =	stream.indirect_vreg.gather [hbm4b:s3+s2], $0x80, v3, vm0, $0xb8;
	[tilespmem:$0x10400] =	vst v63  }
0x3e: {  	v3 =	vld [tilespmem:$0x30];
	_ =	sdelay $0x4  }
0x3f: {  	v59 =	vshll.u32 v3, $0x1  }
0x40: {  	v3 =	vand.u32 $0x7, v3;
	v4 =	vand.u32 $0xFFFFFFF0, v59  }
0x41: {  	v3 =	vor.u32 v3, v4  }
0x42: {  	v4 =	vperm.xlane v3, v0;
	_ =	sdelay $0x1  }
0x43: {  	v3 =	vperm.xlane v3, v2;
	v4 =	vadd.s32 v1, v4;
	_ =	sdelay $0x1  }
0x44: {  	v3 =	vadd.s32 v1, v3;
	_ =	sdelay $0x1  }
0x45: {  	s17 =	simm.s32 $0x3400  }
0x46: {  	[tilespmem:s17], [sflag:$0x1] =	stream.indirect_vreg.gather [hbm4b:s3+s2], $0x80, v4, vm0, $0xb8;
	[tilespmem:$0x10400] =	vst v63  }
0x47: {  	s18 =	simm.s32 $0x3C00  }
0x48: {  	[tilespmem:s18], [sflag:$0x1] =	stream.indirect_vreg.gather [hbm4b:s3+s2], $0x80, v3, vm0, $0xb8;
	[tilespmem:$0x10400] =	vst v63  }
0x49: {  	v3 =	vld [tilespmem:$0x40];
	_ =	sdelay $0x4  }
0x4a: {  	v60 =	vshll.u32 v3, $0x1  }
0x4b: {  	v3 =	vand.u32 $0x7, v3;
	v4 =	vand.u32 $0xFFFFFFF0, v60  }
0x4c: {  	v3 =	vor.u32 v3, v4  }
0x4d: {  	v4 =	vperm.xlane v3, v0;
	_ =	sdelay $0x1  }
0x4e: {  	v3 =	vperm.xlane v3, v2;
	v4 =	vadd.s32 v1, v4;
	_ =	sdelay $0x1  }
0x4f: {  	v3 =	vadd.s32 v1, v3;
	_ =	sdelay $0x1  }
0x50: {  	s19 =	simm.s32 $0x4400  }
0x51: {  	[tilespmem:s19], [sflag:$0x1] =	stream.indirect_vreg.gather [hbm4b:s3+s2], $0x80, v4, vm0, $0xb8;
	[tilespmem:$0x10400] =	vst v63  }
0x52: {  	s17 =	simm.s32 $0x4C00  }
0x53: {  	[tilespmem:s17], [sflag:$0x1] =	stream.indirect_vreg.gather [hbm4b:s3+s2], $0x80, v3, vm0, $0xb8;
	[tilespmem:$0x10400] =	vst v63  }
0x54: {  	v3 =	vld [tilespmem:$0x50];
	_ =	sdelay $0x4  }
0x55: {  	v61 =	vshll.u32 v3, $0x1  }
0x56: {  	v3 =	vand.u32 $0x7, v3;
	v4 =	vand.u32 $0xFFFFFFF0, v61  }
0x57: {  	v3 =	vor.u32 v3, v4  }
0x58: {  	v4 =	vperm.xlane v3, v0;
	_ =	sdelay $0x1  }
0x59: {  	v3 =	vperm.xlane v3, v2;
	v4 =	vadd.s32 v1, v4;
	_ =	sdelay $0x1  }
0x5a: {  	v3 =	vadd.s32 v1, v3;
	_ =	sdelay $0x1  }
0x5b: {  	s18 =	simm.s32 $0x5400  }
0x5c: {  	[tilespmem:s18], [sflag:$0x1] =	stream.indirect_vreg.gather [hbm4b:s3+s2], $0x80, v4, vm0, $0xb8;
	[tilespmem:$0x10400] =	vst v63  }
0x5d: {  	s19 =	simm.s32 $0x5C00  }
0x5e: {  	[tilespmem:s19], [sflag:$0x1] =	stream.indirect_vreg.gather [hbm4b:s3+s2], $0x80, v3, vm0, $0xb8;
	[tilespmem:$0x10400] =	vst v63  }
0x5f: {  	v3 =	vld [tilespmem:$0x60];
	_ =	sdelay $0x4  }
0x60: {  	v62 =	vshll.u32 v3, $0x1  }
0x61: {  	v3 =	vand.u32 $0x7, v3;
	v4 =	vand.u32 $0xFFFFFFF0, v62  }
0x62: {  	v3 =	vor.u32 v3, v4  }
0x63: {  	v4 =	vperm.xlane v3, v0;
	_ =	sdelay $0x1  }
0x64: {  	v3 =	vperm.xlane v3, v2;
	v4 =	vadd.s32 v1, v4;
	_ =	sdelay $0x1  }
0x65: {  	v3 =	vadd.s32 v1, v3;
	_ =	sdelay $0x2  }
0x66: {  	[tilespmem:s20], [sflag:$0x1] =	stream.indirect_vreg.gather [hbm4b:s3+s2], $0x80, v4, vm0, $0xb8;
	[tilespmem:$0x10400] =	vst v63  }
0x67: {  	_ = 	snop  }
0x68: {  	[tilespmem:s21], [sflag:$0x1] =	stream.indirect_vreg.gather [hbm4b:s3+s2], $0x80, v3, vm0, $0xb8;
	[tilespmem:$0x10400] =	vst v63  }
0x69: {  	v3 =	vld [tilespmem:$0x70];
	_ =	sdelay $0x4  }
0x6a: {  	v63 =	vshll.u32 v3, $0x1  }
0x6b: {  	v3 =	vand.u32 $0x7, v3;
	v4 =	vand.u32 $0xFFFFFFF0, v63  }
0x6c: {  	v3 =	vor.u32 v3, v4  }
0x6d: {  	v4 =	vperm.xlane v3, v0;
	_ =	sdelay $0x1  }
0x6e: {  	v3 =	vperm.xlane v3, v2;
	v4 =	vadd.s32 v1, v4;
	_ =	sdelay $0x1  }
0x6f: {  	v3 =	vadd.s32 v1, v3  }
.Ltmp2:
0x70: {  	_ = 	snop;
	(pc) =	sbr.rel .LBB2_2-.Ltmp2, $4  }
0x71: {  	_ = 	snop  }
0x72: {  	[tilespmem:s22], [sflag:$0x1] =	stream.indirect_vreg.gather [hbm4b:s3+s2], $0x80, v4, vm0, $0xb8;
	[tilespmem:$0x10400] =	vst v63  }
0x73: {  	s16 =	simm.s32 $0xC0;
	s17 =	simm.s32 $0x0  }
0x74: {  	[tilespmem:s23], [sflag:$0x1] =	stream.indirect_vreg.gather [hbm4b:s3+s2], $0x80, v3, vm0, $0xb8;
	[tilespmem:$0x10400] =	vst v63  }
.LBB2_4:
0x75: {  	_ =	swait.ge [sflag:s15], $0x8000;
	s17 =	sadd.s32 $0x2000, s17  }
0x76: {  	[sflag:s15] =	ssyncset.done $0x0;
	p0 =	sne.s32 s17, $0x8000  }
.Ltmp3:
0x77: {  	s18 =	sadd.s32 $0x1000, s18;
	[sflag:s15] =	ssyncadd.s32 $0xFFFF8000;
	(pc) =	sbr.rel @!p0 .LBB2_5-.Ltmp3, $4  }
0x78: {  	[hbm4b:s18+s2] =	stream.linear.scatter [tilespmem:s24], [sflag:$0x3], $0x8000, $0x38;
	[tilespmem:$0x10400] =	vst v63  }
0x79: {  	_ =	swait.ge [sflag:s7], $0x8000  }
0x7a: {  	[sflag:s7] =	ssyncset.done $0x0  }
0x7b: {  	s16 =	sadd.s32 $0x100, s16;
	[sflag:s7] =	ssyncadd.s32 $0xFFFF8000  }
.LBB2_2:
0x7c: {  	v3 =	vld [tilespmem:s16+$0xFFFFFFC0];
	_ =	sdelay $0x4  }
0x7d: {  	v4 =	vshll.u32 v3, $0x1  }
0x7e: {  	v3 =	vand.u32 $0x7, v3;
	v4 =	vand.u32 $0xFFFFFFF0, v4  }
0x7f: {  	v3 =	vor.u32 v3, v4  }
0x80: {  	v4 =	vperm.xlane v3, v0;
	_ =	sdelay $0x1  }
0x81: {  	v3 =	vperm.xlane v3, v2;
	v4 =	vadd.s32 v1, v4;
	_ =	sdelay $0x1  }
0x82: {  	v3 =	vadd.s32 v1, v3;
	_ =	sdelay $0x2  }
0x83: {  	[tilespmem:s24], [sflag:$0x2] =	stream.indirect_vreg.gather [hbm4b:s3+s2], $0x80, v4, vm0, $0xb8;
	[tilespmem:$0x10400] =	vst v63  }
0x84: {  	_ = 	snop  }
0x85: {  	[tilespmem:s25], [sflag:$0x2] =	stream.indirect_vreg.gather [hbm4b:s3+s2], $0x80, v3, vm0, $0xb8;
	[tilespmem:$0x10400] =	vst v63  }
0x86: {  	v3 =	vld [tilespmem:s16+$0xFFFFFFD0];
	_ =	sdelay $0x4  }
0x87: {  	v57 =	vshll.u32 v3, $0x1  }
0x88: {  	v3 =	vand.u32 $0x7, v3;
	v4 =	vand.u32 $0xFFFFFFF0, v57  }
0x89: {  	v3 =	vor.u32 v3, v4  }
0x8a: {  	v4 =	vperm.xlane v3, v0;
	_ =	sdelay $0x1  }
0x8b: {  	v3 =	vperm.xlane v3, v2;
	v4 =	vadd.s32 v1, v4;
	_ =	sdelay $0x1  }
0x8c: {  	v3 =	vadd.s32 v1, v3;
	_ =	sdelay $0x2  }
0x8d: {  	[tilespmem:s26], [sflag:$0x2] =	stream.indirect_vreg.gather [hbm4b:s3+s2], $0x80, v4, vm0, $0xb8;
	[tilespmem:$0x10400] =	vst v63  }
0x8e: {  	_ = 	snop  }
0x8f: {  	[tilespmem:s28], [sflag:$0x2] =	stream.indirect_vreg.gather [hbm4b:s3+s2], $0x80, v3, vm0, $0xb8;
	[tilespmem:$0x10400] =	vst v63  }
0x90: {  	v3 =	vld [tilespmem:s16+$0xFFFFFFE0];
	_ =	sdelay $0x4  }
0x91: {  	v58 =	vshll.u32 v3, $0x1  }
0x92: {  	v3 =	vand.u32 $0x7, v3;
	v4 =	vand.u32 $0xFFFFFFF0, v58  }
0x93: {  	v3 =	vor.u32 v3, v4  }
0x94: {  	v4 =	vperm.xlane v3, v0;
	_ =	sdelay $0x1  }
0x95: {  	v3 =	vperm.xlane v3, v2;
	v4 =	vadd.s32 v1, v4;
	_ =	sdelay $0x1  }
0x96: {  	v3 =	vadd.s32 v1, v3;
	_ =	sdelay $0x2  }
0x97: {  	[tilespmem:s29], [sflag:$0x2] =	stream.indirect_vreg.gather [hbm4b:s3+s2], $0x80, v4, vm0, $0xb8;
	[tilespmem:$0x10400] =	vst v63  }
0x98: {  	_ = 	snop  }
0x99: {  	[tilespmem:s30], [sflag:$0x2] =	stream.indirect_vreg.gather [hbm4b:s3+s2], $0x80, v3, vm0, $0xb8;
	[tilespmem:$0x10400] =	vst v63  }
0x9a: {  	v3 =	vld [tilespmem:s16+$0xFFFFFFF0];
	_ =	sdelay $0x4  }
0x9b: {  	v59 =	vshll.u32 v3, $0x1  }
0x9c: {  	v3 =	vand.u32 $0x7, v3;
	v4 =	vand.u32 $0xFFFFFFF0, v59  }
0x9d: {  	v3 =	vor.u32 v3, v4  }
0x9e: {  	v4 =	vperm.xlane v3, v0;
	_ =	sdelay $0x1  }
0x9f: {  	v3 =	vperm.xlane v3, v2;
	v4 =	vadd.s32 v1, v4;
	_ =	sdelay $0x1  }
0xa0: {  	v3 =	vadd.s32 v1, v3;
	_ =	sdelay $0x2  }
0xa1: {  	[tilespmem:s31], [sflag:$0x2] =	stream.indirect_vreg.gather [hbm4b:s3+s2], $0x80, v4, vm0, $0xb8;
	[tilespmem:$0x10400] =	vst v63  }
0xa2: {  	_ = 	snop  }
0xa3: {  	[tilespmem:s0], [sflag:$0x2] =	stream.indirect_vreg.gather [hbm4b:s3+s2], $0x80, v3, vm0, $0xb8;
	[tilespmem:$0x10400] =	vst v63  }
0xa4: {  	v3 =	vld [tilespmem:s16+$0x0];
	_ =	sdelay $0x4  }
0xa5: {  	v60 =	vshll.u32 v3, $0x1  }
0xa6: {  	v3 =	vand.u32 $0x7, v3;
	v4 =	vand.u32 $0xFFFFFFF0, v60  }
0xa7: {  	v3 =	vor.u32 v3, v4  }
0xa8: {  	v4 =	vperm.xlane v3, v0;
	_ =	sdelay $0x1  }
0xa9: {  	v3 =	vperm.xlane v3, v2;
	v4 =	vadd.s32 v1, v4;
	_ =	sdelay $0x1  }
0xaa: {  	v3 =	vadd.s32 v1, v3;
	_ =	sdelay $0x2  }
0xab: {  	[tilespmem:s1], [sflag:$0x2] =	stream.indirect_vreg.gather [hbm4b:s3+s2], $0x80, v4, vm0, $0xb8;
	[tilespmem:$0x10400] =	vst v63  }
0xac: {  	_ = 	snop  }
0xad: {  	[tilespmem:s4], [sflag:$0x2] =	stream.indirect_vreg.gather [hbm4b:s3+s2], $0x80, v3, vm0, $0xb8;
	[tilespmem:$0x10400] =	vst v63  }
0xae: {  	v3 =	vld [tilespmem:s16+$0x10];
	_ =	sdelay $0x4  }
0xaf: {  	v61 =	vshll.u32 v3, $0x1  }
0xb0: {  	v3 =	vand.u32 $0x7, v3;
	v4 =	vand.u32 $0xFFFFFFF0, v61  }
0xb1: {  	v3 =	vor.u32 v3, v4  }
0xb2: {  	v4 =	vperm.xlane v3, v0;
	_ =	sdelay $0x1  }
0xb3: {  	v3 =	vperm.xlane v3, v2;
	v4 =	vadd.s32 v1, v4;
	_ =	sdelay $0x1  }
0xb4: {  	v3 =	vadd.s32 v1, v3;
	_ =	sdelay $0x2  }
0xb5: {  	[tilespmem:s5], [sflag:$0x2] =	stream.indirect_vreg.gather [hbm4b:s3+s2], $0x80, v4, vm0, $0xb8;
	[tilespmem:$0x10400] =	vst v63  }
0xb6: {  	_ = 	snop  }
0xb7: {  	[tilespmem:s9], [sflag:$0x2] =	stream.indirect_vreg.gather [hbm4b:s3+s2], $0x80, v3, vm0, $0xb8;
	[tilespmem:$0x10400] =	vst v63  }
0xb8: {  	v3 =	vld [tilespmem:s16+$0x20];
	_ =	sdelay $0x4  }
0xb9: {  	v62 =	vshll.u32 v3, $0x1  }
0xba: {  	v3 =	vand.u32 $0x7, v3;
	v4 =	vand.u32 $0xFFFFFFF0, v62  }
0xbb: {  	v3 =	vor.u32 v3, v4  }
0xbc: {  	v4 =	vperm.xlane v3, v0;
	_ =	sdelay $0x1  }
0xbd: {  	v3 =	vperm.xlane v3, v2;
	v4 =	vadd.s32 v1, v4;
	_ =	sdelay $0x1  }
0xbe: {  	v3 =	vadd.s32 v1, v3;
	_ =	sdelay $0x2  }
0xbf: {  	[tilespmem:s10], [sflag:$0x2] =	stream.indirect_vreg.gather [hbm4b:s3+s2], $0x80, v4, vm0, $0xb8;
	[tilespmem:$0x10400] =	vst v63  }
0xc0: {  	_ = 	snop  }
0xc1: {  	[tilespmem:s11], [sflag:$0x2] =	stream.indirect_vreg.gather [hbm4b:s3+s2], $0x80, v3, vm0, $0xb8;
	[tilespmem:$0x10400] =	vst v63  }
0xc2: {  	v3 =	vld [tilespmem:s16+$0x30];
	_ =	sdelay $0x4  }
0xc3: {  	v63 =	vshll.u32 v3, $0x1  }
0xc4: {  	v3 =	vand.u32 $0x7, v3;
	v4 =	vand.u32 $0xFFFFFFF0, v63  }
0xc5: {  	v3 =	vor.u32 v3, v4  }
0xc6: {  	v4 =	vperm.xlane v3, v0;
	_ =	sdelay $0x1  }
0xc7: {  	v3 =	vperm.xlane v3, v2;
	v4 =	vadd.s32 v1, v4;
	_ =	sdelay $0x1  }
0xc8: {  	v3 =	vadd.s32 v1, v3;
	_ =	sdelay $0x2  }
0xc9: {  	[tilespmem:s12], [sflag:$0x2] =	stream.indirect_vreg.gather [hbm4b:s3+s2], $0x80, v4, vm0, $0xb8;
	[tilespmem:$0x10400] =	vst v63  }
0xca: {  	_ = 	snop  }
0xcb: {  	[tilespmem:s13], [sflag:$0x2] =	stream.indirect_vreg.gather [hbm4b:s3+s2], $0x80, v3, vm0, $0xb8;
	[tilespmem:$0x10400] =	vst v63  }
0xcc: {  	_ =	swait.ge [sflag:s14], $0x8000  }
0xcd: {  	p0 =	seq.s32 s17, $0x6000;
	[sflag:s14] =	ssyncset.done $0x0  }
.Ltmp4:
0xce: {  	s18 =	sadd.s32 s17, s6;
	[sflag:s14] =	ssyncadd.s32 $0xFFFF8000;
	(pc) =	sbr.rel @p0 .LBB2_4-.Ltmp4, $4  }
0xcf: {  	[hbm4b:s18+s2] =	stream.linear.scatter [tilespmem:s8], [sflag:$0x3], $0x8000, $0x38;
	[tilespmem:$0x10400] =	vst v63  }
0xd0: {  	_ =	swait.ge [sflag:s7], $0x8000  }
0xd1: {  	[sflag:s7] =	ssyncset.done $0x0  }
0xd2: {  	[sflag:s7] =	ssyncadd.s32 $0xFFFF8000  }
0xd3: {  	v3 =	vld [tilespmem:s16+$0x40];
	_ =	sdelay $0x4  }
0xd4: {  	v4 =	vshll.u32 v3, $0x1  }
0xd5: {  	v3 =	vand.u32 $0x7, v3;
	v4 =	vand.u32 $0xFFFFFFF0, v4  }
0xd6: {  	v3 =	vor.u32 v3, v4  }
0xd7: {  	v4 =	vperm.xlane v3, v0;
	_ =	sdelay $0x1  }
0xd8: {  	v3 =	vperm.xlane v3, v2;
	v4 =	vadd.s32 v1, v4;
	_ =	sdelay $0x1  }
0xd9: {  	v3 =	vadd.s32 v1, v3;
	_ =	sdelay $0x2  }
0xda: {  	[tilespmem:s8], [sflag:$0x1] =	stream.indirect_vreg.gather [hbm4b:s3+s2], $0x80, v4, vm0, $0xb8;
	[tilespmem:$0x10400] =	vst v63  }
0xdb: {  	s19 =	simm.s32 $0xC00  }
0xdc: {  	[tilespmem:s19], [sflag:$0x1] =	stream.indirect_vreg.gather [hbm4b:s3+s2], $0x80, v3, vm0, $0xb8;
	[tilespmem:$0x10400] =	vst v63  }
0xdd: {  	v3 =	vld [tilespmem:s16+$0x50];
	_ =	sdelay $0x4  }
0xde: {  	v57 =	vshll.u32 v3, $0x1  }
0xdf: {  	v3 =	vand.u32 $0x7, v3;
	v4 =	vand.u32 $0xFFFFFFF0, v57  }
0xe0: {  	v3 =	vor.u32 v3, v4  }
0xe1: {  	v4 =	vperm.xlane v3, v0;
	_ =	sdelay $0x1  }
0xe2: {  	v3 =	vperm.xlane v3, v2;
	v4 =	vadd.s32 v1, v4;
	_ =	sdelay $0x1  }
0xe3: {  	v3 =	vadd.s32 v1, v3;
	_ =	sdelay $0x1  }
0xe4: {  	s19 =	simm.s32 $0x1400  }
0xe5: {  	[tilespmem:s19], [sflag:$0x1] =	stream.indirect_vreg.gather [hbm4b:s3+s2], $0x80, v4, vm0, $0xb8;
	[tilespmem:$0x10400] =	vst v63  }
0xe6: {  	s19 =	simm.s32 $0x1C00  }
0xe7: {  	[tilespmem:s19], [sflag:$0x1] =	stream.indirect_vreg.gather [hbm4b:s3+s2], $0x80, v3, vm0, $0xb8;
	[tilespmem:$0x10400] =	vst v63  }
0xe8: {  	v3 =	vld [tilespmem:s16+$0x60];
	_ =	sdelay $0x4  }
0xe9: {  	v58 =	vshll.u32 v3, $0x1  }
0xea: {  	v3 =	vand.u32 $0x7, v3;
	v4 =	vand.u32 $0xFFFFFFF0, v58  }
0xeb: {  	v3 =	vor.u32 v3, v4  }
0xec: {  	v4 =	vperm.xlane v3, v0;
	_ =	sdelay $0x1  }
0xed: {  	v3 =	vperm.xlane v3, v2;
	v4 =	vadd.s32 v1, v4;
	_ =	sdelay $0x1  }
0xee: {  	v3 =	vadd.s32 v1, v3;
	_ =	sdelay $0x1  }
0xef: {  	s19 =	simm.s32 $0x2400  }
0xf0: {  	[tilespmem:s19], [sflag:$0x1] =	stream.indirect_vreg.gather [hbm4b:s3+s2], $0x80, v4, vm0, $0xb8;
	[tilespmem:$0x10400] =	vst v63  }
0xf1: {  	s19 =	simm.s32 $0x2C00  }
0xf2: {  	[tilespmem:s19], [sflag:$0x1] =	stream.indirect_vreg.gather [hbm4b:s3+s2], $0x80, v3, vm0, $0xb8;
	[tilespmem:$0x10400] =	vst v63  }
0xf3: {  	v3 =	vld [tilespmem:s16+$0x70];
	_ =	sdelay $0x4  }
0xf4: {  	v59 =	vshll.u32 v3, $0x1  }
0xf5: {  	v3 =	vand.u32 $0x7, v3;
	v4 =	vand.u32 $0xFFFFFFF0, v59  }
0xf6: {  	v3 =	vor.u32 v3, v4  }
0xf7: {  	v4 =	vperm.xlane v3, v0;
	_ =	sdelay $0x1  }
0xf8: {  	v3 =	vperm.xlane v3, v2;
	v4 =	vadd.s32 v1, v4;
	_ =	sdelay $0x1  }
0xf9: {  	v3 =	vadd.s32 v1, v3;
	_ =	sdelay $0x1  }
0xfa: {  	s19 =	simm.s32 $0x3400  }
0xfb: {  	[tilespmem:s19], [sflag:$0x1] =	stream.indirect_vreg.gather [hbm4b:s3+s2], $0x80, v4, vm0, $0xb8;
	[tilespmem:$0x10400] =	vst v63  }
0xfc: {  	s19 =	simm.s32 $0x3C00  }
0xfd: {  	[tilespmem:s19], [sflag:$0x1] =	stream.indirect_vreg.gather [hbm4b:s3+s2], $0x80, v3, vm0, $0xb8;
	[tilespmem:$0x10400] =	vst v63  }
0xfe: {  	v3 =	vld [tilespmem:s16+$0x80];
	_ =	sdelay $0x4  }
0xff: {  	v60 =	vshll.u32 v3, $0x1  }
0x100: {  	v3 =	vand.u32 $0x7, v3;
	v4 =	vand.u32 $0xFFFFFFF0, v60  }
0x101: {  	v3 =	vor.u32 v3, v4  }
0x102: {  	v4 =	vperm.xlane v3, v0;
	_ =	sdelay $0x1  }
0x103: {  	v3 =	vperm.xlane v3, v2;
	v4 =	vadd.s32 v1, v4;
	_ =	sdelay $0x1  }
0x104: {  	v3 =	vadd.s32 v1, v3;
	_ =	sdelay $0x1  }
0x105: {  	s19 =	simm.s32 $0x4400  }
0x106: {  	[tilespmem:s19], [sflag:$0x1] =	stream.indirect_vreg.gather [hbm4b:s3+s2], $0x80, v4, vm0, $0xb8;
	[tilespmem:$0x10400] =	vst v63  }
0x107: {  	s19 =	simm.s32 $0x4C00  }
0x108: {  	[tilespmem:s19], [sflag:$0x1] =	stream.indirect_vreg.gather [hbm4b:s3+s2], $0x80, v3, vm0, $0xb8;
	[tilespmem:$0x10400] =	vst v63  }
0x109: {  	v3 =	vld [tilespmem:s16+$0x90];
	_ =	sdelay $0x4  }
0x10a: {  	v61 =	vshll.u32 v3, $0x1  }
0x10b: {  	v3 =	vand.u32 $0x7, v3;
	v4 =	vand.u32 $0xFFFFFFF0, v61  }
0x10c: {  	v3 =	vor.u32 v3, v4  }
0x10d: {  	v4 =	vperm.xlane v3, v0;
	_ =	sdelay $0x1  }
0x10e: {  	v3 =	vperm.xlane v3, v2;
	v4 =	vadd.s32 v1, v4;
	_ =	sdelay $0x1  }
0x10f: {  	v3 =	vadd.s32 v1, v3;
	_ =	sdelay $0x1  }
0x110: {  	s19 =	simm.s32 $0x5400  }
0x111: {  	[tilespmem:s19], [sflag:$0x1] =	stream.indirect_vreg.gather [hbm4b:s3+s2], $0x80, v4, vm0, $0xb8;
	[tilespmem:$0x10400] =	vst v63  }
0x112: {  	s19 =	simm.s32 $0x5C00  }
0x113: {  	[tilespmem:s19], [sflag:$0x1] =	stream.indirect_vreg.gather [hbm4b:s3+s2], $0x80, v3, vm0, $0xb8;
	[tilespmem:$0x10400] =	vst v63  }
0x114: {  	v3 =	vld [tilespmem:s16+$0xA0];
	_ =	sdelay $0x4  }
0x115: {  	v62 =	vshll.u32 v3, $0x1  }
0x116: {  	v3 =	vand.u32 $0x7, v3;
	v4 =	vand.u32 $0xFFFFFFF0, v62  }
0x117: {  	v3 =	vor.u32 v3, v4  }
0x118: {  	v4 =	vperm.xlane v3, v0;
	_ =	sdelay $0x1  }
0x119: {  	v3 =	vperm.xlane v3, v2;
	v4 =	vadd.s32 v1, v4;
	_ =	sdelay $0x1  }
0x11a: {  	v3 =	vadd.s32 v1, v3;
	_ =	sdelay $0x2  }
0x11b: {  	[tilespmem:s20], [sflag:$0x1] =	stream.indirect_vreg.gather [hbm4b:s3+s2], $0x80, v4, vm0, $0xb8;
	[tilespmem:$0x10400] =	vst v63  }
0x11c: {  	_ = 	snop  }
0x11d: {  	[tilespmem:s21], [sflag:$0x1] =	stream.indirect_vreg.gather [hbm4b:s3+s2], $0x80, v3, vm0, $0xb8;
	[tilespmem:$0x10400] =	vst v63  }
0x11e: {  	v3 =	vld [tilespmem:s16+$0xB0];
	_ =	sdelay $0x4  }
0x11f: {  	v63 =	vshll.u32 v3, $0x1  }
0x120: {  	v3 =	vand.u32 $0x7, v3;
	v4 =	vand.u32 $0xFFFFFFF0, v63  }
0x121: {  	v3 =	vor.u32 v3, v4  }
0x122: {  	v4 =	vperm.xlane v3, v0;
	_ =	sdelay $0x1  }
0x123: {  	v3 =	vperm.xlane v3, v2;
	v4 =	vadd.s32 v1, v4;
	_ =	sdelay $0x1  }
0x124: {  	v3 =	vadd.s32 v1, v3  }
.Ltmp5:
0x125: {  	_ = 	snop;
	(pc) =	sbr.rel .LBB2_4-.Ltmp5, $4  }
0x126: {  	_ = 	snop  }
0x127: {  	[tilespmem:s22], [sflag:$0x1] =	stream.indirect_vreg.gather [hbm4b:s3+s2], $0x80, v4, vm0, $0xb8;
	[tilespmem:$0x10400] =	vst v63  }
0x128: {  	_ = 	snop  }
0x129: {  	[tilespmem:s23], [sflag:$0x1] =	stream.indirect_vreg.gather [hbm4b:s3+s2], $0x80, v3, vm0, $0xb8;
	[tilespmem:$0x10400] =	vst v63  }
.LBB2_6:
0x12a: {  	_ =	sfence.sel $0x180000  }
0x12b: {  	[bflag:$0x0] =	sbarrier.arrive $0xFFFF  }
0x12c: {  	_ =	strace $0x90000050  }
0x12d: {  	s0 =	stileid.u32;
	[bflag:$0x2] =	sbarrier.arrive $0xFFFF  }
0x12e: {  	p0 =	sne.s32 s0, $0x0;
	s0 =	rddreg [dreg:$0x1]  }
0x12f: {  	s0 =	sadd.s32 @!p0 $0x100000, s0  }
0x130: {  	[sflag:s0] =	ssyncadd.tile.s32 @!p0 $0x1;
	_ =	shalt  }
.Lfunc_end2:
_tile_overlayer_lowered:
.L_overlay_start_2:
0x131: {  	(tag) =	ssettag $0x2  }
0x132: {  	s0 =	rddreg [dreg:$0x0];
	s2 =	stileid.u32  }
0x133: {  	s1 =	rddreg [dreg:$0x1];
	p0 =	sne.s32 s2, $0x0  }
0x134: {  	s3 =	rddreg [dreg:$0x2];
	[bflag:$0x3] =	sbarrier.arrive $0xFFFF;
	s2 =	simm.s32 @!p0 $0x1C03  }
0x135: {  	[timem:s3], [sflag:s2] =	dma.local @!p0 [hbm:s0], s1  }
0x136: {  	s0 =	simm.s32 @!p0 $0x3  }
0x137: {  	_ =	swait.ge @!p0 [sflag:s0], s1  }
0x138: {  	s1 =	ssub.s32 @!p0 $0x0, s1;
	[sflag:s0] =	ssyncset.done @!p0 $0x0  }
0x139: {  	[sflag:s0] =	ssyncadd.s32 @!p0 s1  }
0x13a: {  	[bflag:$0x3] =	sbarrier.arrive $0xFFFF  }
0x13b: {  	_ =	shalt  }

// kernel: kernel.15.cloned.1.call-start
scs
__scs_entry_jumppad:
0x0: {  	(pc) =	sbr.rel $0x88, $3  }
0x1: {  	(tag) =	ssettag $0x0;
	lr =	simm.s32 $0x1  }
0x2: {  	[smem:$0x3F8E] =	sst lr;
	_ =	strace $0xD0000000  }
0x3: {  	_ = 	snop  }
0x4: {  	_ = 	snop  }
0x5: {  	_ = 	snop  }
0x6: {  	_ = 	snop  }
0x7: {  	_ = 	snop  }
__scs_overlays_trampoline_lowered:
0x8: {  	[smem:$0x3F9D] =	sst s0  }
0x9: {  	[smem:$0x3F9E] =	sst s1  }
0xa: {  	[smem:$0x3F9F] =	sst s2  }
0xb: {  	[smem:$0x3FA0] =	sst s3  }
0xc: {  	[smem:$0x3FA1] =	sst s4  }
0xd: {  	[smem:$0x3FA2] =	sst s5  }
0xe: {  	[smem:$0x3FA3] =	sst s6  }
0xf: {  	[smem:$0x3FA4] =	sst s7  }
0x10: {  	[smem:$0x3FA5] =	sst s8  }
0x11: {  	[smem:$0x3FA6] =	sst s9;
	s0 =	simm.s32 @!p0 $0x0  }
0x12: {  	s1 =	sld [smem:$0x3F8C];
	s0 =	simm.s32 @p0 $0x1  }
0x13: {  	[smem:$0x3FA7] =	sst s0;
	s0 =	simm.s32 @!p1 $0x0  }
0x14: {  	s2 =	sld [smem:$0x3F8B];
	s0 =	simm.s32 @p1 $0x1  }
0x15: {  	[smem:$0x3FA8] =	sst s0;
	s0 =	simm.s32 @!p2 $0x0  }
0x16: {  	s3 =	sld [smem:$0x3FDB];
	s0 =	simm.s32 @p2 $0x1  }
0x17: {  	s4 =	simm.s32 $0x1BF5;
	[smem:$0x3FAA] =	sst s0  }
0x18: {  	s0 =	sld [smem:$0x3F8D];
	_ =	swait.ge [sflag:s4], $0x0  }
0x19: {  	s7 =	sld [smem:$0x3F8E]  }
0x1a: {  	s8 =	sadd.s32 $0xFFFFE003, lr  }
0x1b: {  	s9 =	sadd.s32 $0xFFFFFEF7, lr;
	s5 =	simm.s32 $0xFFFFFFFF;
	p2 =	slt.u32 s8, $0xFFFFF086  }
0x1c: {  	p1 =	slt.u32 s9, $0xF7A;
	s5 =	simm.s32 @!p2 $0x0  }
0x1d: {  	s5 =	simm.s32 @p1 $0x1;
	p0 =	seq.s32 s7, s2  }
0x1e: {  	s7 =	smul.u32 @!p0 $0xF7A, s2;
	p2 =	seq.s32 @!p0 s5, $0x0  }
0x1f: {  	s9 =	smul.u32 $0xF7A, s1;
	s8 =	simm.s32 @!p0 $0x1BF5;
	p2 =	por !p2, p0  }
0x20: {  	[sflag:s8] =	ssyncset.s32 @!p0 $0xFFFFF086;
	s6 =	sadd.s32 @!p0 s3, s7;
	s7 =	simm.s32 @!p0 $0x108  }
0x21: {  	s3 =	sadd.s32 s3, s9;
	s6 =	sadd.s32 @!p0 $0x88, s6;
	s7 =	simm.s32 @p2 $0x1082  }
0x22: {  	[simem:s7], [sflag:s8] =	dma.local @!p0 [hbm:s6], $0xF7A  }
0x23: {  	s9 =	sor.u32 $0xD0000000, s2;
	s6 =	simm.s32 $0x108;
	_ =	swait.ge @!p0 [sflag:s8], $0x0  }
0x24: {  	s3 =	sadd.s32 $0x88, s3;
	s6 =	simm.s32 @!p1 $0x1082;
	[sflag:s4] =	ssyncset.s32 $0xFFFFF086  }
0x25: {  	[simem:s6], [sflag:s4] =	dma.local [hbm:s3], $0xF7A  }
0x26: {  	[smem:$0x3F8E] =	sst s1;
	(tag) =	ssettag s2;
	_ =	strace s9  }
0x27: {  	s1 =	sld [smem:$0x3F9E]  }
0x28: {  	s2 =	sld [smem:$0x3F9F]  }
0x29: {  	s4 =	sld [smem:$0x3FA1]  }
0x2a: {  	p0 =	seq.s32 s5, $0x0;
	s5 =	sld [smem:$0x3FA2]  }
0x2b: {  	s6 =	sld [smem:$0x3FA3]  }
0x2c: {  	s7 =	sld [smem:$0x3FA4]  }
0x2d: {  	s3 =	simm.s32 $0x108;
	s8 =	sld [smem:$0x3FA5]  }
0x2e: {  	s3 =	simm.s32 @!p0 $0x1082;
	s9 =	sld [smem:$0x3FA6]  }
0x2f: {  	lr =	sadd.s32 s0, s3;
	s0 =	sld [smem:$0x3F9D]  }
0x30: {  	s3 =	sld [smem:$0x3FA0]  }
0x31: {  	[smem:$0x3FA9] =	sst s10  }
0x32: {  	s10 =	sld [smem:$0x3FA7];
	_ =	sdelay $0x3  }
0x33: {  	p0 =	seq.s32 s10, $0x1;
	s10 =	sld [smem:$0x3FA9];
	_ =	sdelay $0x3  }
0x34: {  	[smem:$0x3FA9] =	sst s10  }
0x35: {  	s10 =	sld [smem:$0x3FA8];
	_ =	sdelay $0x3  }
0x36: {  	p1 =	seq.s32 s10, $0x1;
	s10 =	sld [smem:$0x3FA9];
	_ =	sdelay $0x3  }
0x37: {  	[smem:$0x3FA9] =	sst s10  }
0x38: {  	s10 =	sld [smem:$0x3FAA]  }
0x39: {  	_ = 	snop;
	(pc) =	sbr.ind lr, $3  }
0x3a: {  	_ = 	snop  }
0x3b: {  	_ = 	snop  }
0x3c: {  	p2 =	seq.s32 s10, $0x1;
	s10 =	sld [smem:$0x3FA9]  }
0x3d: {  	_ =	shalt  }
0x3e: {  	_ =	shalt  }
0x3f: {  	_ =	shalt  }
0x40: {  	_ =	shalt  }
0x41: {  	_ =	shalt  }
0x42: {  	_ =	shalt  }
0x43: {  	_ =	shalt  }
0x44: {  	_ =	shalt  }
0x45: {  	_ =	shalt  }
0x46: {  	_ =	shalt  }
0x47: {  	_ =	shalt  }
0x48: {  	_ =	shalt  }
0x49: {  	_ =	shalt  }
0x4a: {  	_ =	shalt  }
0x4b: {  	_ =	shalt  }
0x4c: {  	_ =	shalt  }
0x4d: {  	_ =	shalt  }
0x4e: {  	_ =	shalt  }
0x4f: {  	_ =	shalt  }
0x50: {  	_ =	shalt  }
0x51: {  	_ =	shalt  }
0x52: {  	_ =	shalt  }
0x53: {  	_ =	shalt  }
0x54: {  	_ =	shalt  }
0x55: {  	_ =	shalt  }
0x56: {  	_ =	shalt  }
0x57: {  	_ =	shalt  }
0x58: {  	_ =	shalt  }
0x59: {  	_ =	shalt  }
0x5a: {  	_ =	shalt  }
0x5b: {  	_ =	shalt  }
0x5c: {  	_ =	shalt  }
0x5d: {  	_ =	shalt  }
0x5e: {  	_ =	shalt  }
0x5f: {  	_ =	shalt  }
0x60: {  	_ =	shalt  }
0x61: {  	_ =	shalt  }
0x62: {  	_ =	shalt  }
0x63: {  	_ =	shalt  }
0x64: {  	_ =	shalt  }
0x65: {  	_ =	shalt  }
0x66: {  	_ =	shalt  }
0x67: {  	_ =	shalt  }
0x68: {  	_ =	shalt  }
0x69: {  	_ =	shalt  }
0x6a: {  	_ =	shalt  }
0x6b: {  	_ =	shalt  }
0x6c: {  	_ =	shalt  }
0x6d: {  	_ =	shalt  }
0x6e: {  	_ =	shalt  }
0x6f: {  	_ =	shalt  }
0x70: {  	_ =	shalt  }
0x71: {  	_ =	shalt  }
0x72: {  	_ =	shalt  }
0x73: {  	_ =	shalt  }
0x74: {  	_ =	shalt  }
0x75: {  	_ =	shalt  }
0x76: {  	_ =	shalt  }
0x77: {  	_ =	shalt  }
0x78: {  	_ =	shalt  }
0x79: {  	_ =	shalt  }
0x7a: {  	_ =	shalt  }
0x7b: {  	_ =	shalt  }
0x7c: {  	_ =	shalt  }
0x7d: {  	_ =	shalt  }
0x7e: {  	_ =	shalt  }
0x7f: {  	_ =	shalt  }
0x80: {  	_ =	shalt  }
0x81: {  	_ =	shalt  }
0x82: {  	_ =	shalt  }
0x83: {  	_ =	shalt  }
0x84: {  	_ =	shalt  }
0x85: {  	_ =	shalt  }
0x86: {  	_ =	shalt  }
0x87: {  	_ =	shalt  }
.Lfunc_end0:
.L_simem_size_0:
called_computation.1_lowered:
.L_overlay_start_0:
0x88: {  	s2 =	sld [smem:$0x3FD9]  }
0x89: {  	s3 =	sld [smem:$0x3FFE];
	_ =	sdelay $0x1  }
0x8a: {  	s1 =	srdreg.scid  }
0x8b: {  	s0 =	sand.u32 $0x1, s1  }
0x8c: {  	s17 =	sshll.u32 s0, $0xA;
	s2 =	sadd.s32 s3, s2  }
0x8d: {  	s2 =	sadd.s32 s2, s17  }
0x8e: {  	[smem:$0x3FB5] =	sst s2  }
0x8f: {  	_ = 	snop  }
0x90: {  	(tm) =	ssettm $0x1  }
0x91: {  	s18 =	sld [smem:$0x3FFB];
	_ =	sdelay $0x3  }
0x92: {  	_ =	strace s18  }
0x93: {  	s2 =	sld [smem:$0x3FFC];
	_ =	sdelay $0x3  }
0x94: {  	_ =	strace s2  }
0x95: {  	s2 =	sld [smem:$0x3FFD];
	_ =	sdelay $0x3  }
0x96: {  	_ =	strace s2  }
0x97: {  	_ =	strace $0x8FFFFFFF  }
0x98: {  	s19 =	sld [smem:$0x3FDB];
	_ =	sdelay $0x1  }
0x99: {  	s20 =	simm.s32 $_scs_section_size  }
0x9a: {  	s4 =	simm.s32 $_size__tile_overlayer_lowered;
	s5 =	simm.s32 $_tile_overlayer_lowered  }
0x9b: {  	s6 =	simm.s32 $0x1BFF;
	s21 =	sshll.u32 s5, $0x1;
	s3 =	sadd.s32 s20, s19  }
0x9c: {  	s22 =	simm.s32 $0x0;
	s4 =	sshll.u32 s4, $0x1;
	s5 =	sadd.s32 s21, s3  }
0x9d: {  	[timem:s22], [sflag:s6] =	dma.local [hbm:s5], s4  }
0x9e: {  	_ =	swait.ge [sflag:s6], s4  }
0x9f: {  	s4 =	ssub.s32 $0x0, s4;
	[sflag:s6] =	ssyncset.done $0x0  }
0xa0: {  	[sflag:s6] =	ssyncadd.s32 s4;
	_ =	sdelay $0x1  }
0xa1: {  	s23 =	simm.s32 $0x1B8B  }
0xa2: {  	_ =	swait.ge [sflag:s23], $0x1  }
0xa3: {  	[sflag:s23] =	ssyncset.done $0x0  }
0xa4: {  	[sflag:s23] =	ssyncadd.s32 $0xFFFFFFFF  }
0xa5: {  	s4 =	sld [smem:$0x0]  }
0xa6: {  	s5 =	sand.u32 $0xFFFFFFFE, s1  }
0xa7: {  	p0 =	sne.s32 s1, s5  }
0xa8: {  	s5 =	sshll.u32 @p0 s5, $0xE  }
0xa9: {  	s5 =	sadd.s32 @p0 $0x11B8D, s5;
	s6 =	sshll.u32 @p0 s4, $0x11  }
0xaa: {  	s5 =	sor.u32 @p0 s6, s5  }
0xab: {  	[sflag:s5] =	ssyncadd.remote.s32 @p0 $0x1;
	_ =	sdelay $0x1  }
0xac: {  	s5 =	simm.s32 @p0 $0x1B8D  }
0xad: {  	_ =	swait.eq @p0 [sflag:s5], $0x1  }
0xae: {  	[sflag:s5] =	ssyncadd.s32 @p0 $0xFFFFFFFF  }
0xaf: {  	s6 =	sshll.u32 @!p0 s1, $0xE  }
0xb0: {  	s6 =	sor.u32 @!p0 $0x4000, s6;
	s5 =	simm.s32 @!p0 $0x1B8D  }
0xb1: {  	s4 =	sshll.u32 @!p0 s4, $0x11;
	s6 =	sadd.s32 @!p0 $0x11B8D, s6;
	_ =	swait.eq @!p0 [sflag:s5], $0x1  }
0xb2: {  	s4 =	sor.u32 @!p0 s4, s6;
	[sflag:s5] =	ssyncadd.s32 @!p0 $0xFFFFFFFF  }
0xb3: {  	s25 =	simm.s32 $0x1B8E;
	s24 =	sld [smem:$0x3FFE];
	[sflag:s4] =	ssyncadd.remote.s32 @!p0 $0x1  }
0xb4: {  	s26 =	simm.s32 $execute0_lowered;
	[smem:$0x3FD2] =	sst s25  }
0xb5: {  	s5 =	sshll.u32 s26, $0x1;
	_ =	strace $0x8000004C;
	[dreg:$0x1] =	wrdreg $0xFFFFFFFF  }
0xb6: {  	s28 =	simm.s32 $_size_execute0_lowered;
	s3 =	sadd.s32 s3, s5;
	[dreg:$0x0] =	wrdreg $0x0  }
0xb7: {  	s5 =	sshll.u32 s28, $0x1;
	[dreg:$0x2] =	wrdreg s3  }
0xb8: {  	[dreg:$0x3] =	wrdreg s5  }
0xb9: {  	[dreg:$0x4] =	wrdreg $0xC0  }
0xba: {  	_ =	task [dreg:s22], $0x5FFFF  }
0xbb: {  	[dreg:$0x1] =	wrdreg $0xFFFFFFFF  }
0xbc: {  	[dreg:$0x0] =	wrdreg $0x60  }
0xbd: {  	[dreg:$0x2] =	wrdreg s24  }
0xbe: {  	[dreg:$0x3] =	wrdreg $0xA  }
0xbf: {  	_ =	task.clear_ibuf [dreg:s22], $0x4FFFF;
	_ =	strace $0x9000004C  }
0xc0: {  	s29 =	simm.s32 $0xA;
	_ =	strace $0x8000004E  }
0xc1: {  	_ =	swait.ge [sflag:s29], $0x1  }
0xc2: {  	[sflag:s29] =	ssyncadd.s32 $0xFFFFFFFF  }
0xc3: {  	_ =	strace $0x9000004E  }
0xc4: {  	_ =	sfence  }
0xc5: {  	s30 =	sld [smem:$0x0];
	_ =	sdelay $0x2  }
0xc6: {  	s31 =	sshll.u32 s1, $0xD;
	s1 =	sshrl.u32 s1, $0x2  }
0xc7: {  	s4 =	sand.u32 $0x4000, s31;
	s1 =	sadd.s32 s1, s30  }
0xc8: {  	s0 =	sor.u32 s4, s0;
	s1 =	sshll.u32 s1, $0x11  }
0xc9: {  	s0 =	sor.u32 s1, s0  }
0xca: {  	s0 =	sadd.s32 $0x8F2B, s0  }
0xcb: {  	[sflag:s0] =	ssyncadd.remote.s32 $0x1  }
0xcc: {  	_ =	sfence.sel $0xFFFF  }
0xcd: {  	[dreg:$0x0] =	wrdreg $0xFFFFFFFF;
	(pc) =	sbr.abs _section_cstart, $3  }
0xce: {  	[dreg:$0x1] =	wrdreg $0xFFFFFFFF  }
0xcf: {  	_ =	task.clear_ibuf [dreg:s22], $0x2FFFF;
	_ =	strace $0x9FFFFFFF  }
0xd0: {  	(tm) =	ssettm $0x7FFFFFFF  }
0xd1: {  	_ =	shalt  }
tec
execute0_lowered:
.L_overlay_start_1:
0x0: {  	(tag) =	ssettag $0x1  }
0x1: {  	s0 =	rddreg [dreg:$0x0]  }
0x2: {  	s1 =	srdreg.scid;
	s5 =	stileid.u32  }
0x3: {  	s2 =	simm.s32 $0x0;
	s8 =	simm.s32 $0x400;
	s20 =	simm.s32 $0x6400  }
0x4: {  	s21 =	simm.s32 $0x6C00;
	s22 =	simm.s32 $0x7400;
	s28 =	simm.s32 $0x9C00  }
0x5: {  	s29 =	simm.s32 $0xA400;
	s30 =	simm.s32 $0xAC00;
	s31 =	simm.s32 $0xB400  }
0x6: {  	s9 =	simm.s32 $0xDC00;
	s10 =	simm.s32 $0xE400;
	s11 =	simm.s32 $0xEC00  }
0x7: {  	s12 =	simm.s32 $0xF400;
	s13 =	simm.s32 $0xFC00;
	s14 =	simm.s32 $0x1  }
0x8: {  	s15 =	simm.s32 $0x2;
	s17 =	simm.s32 $0x0;
	s1 =	sand.u32 $0x1, s1  }
0x9: {  	s3 =	sshll.u32 s5, $0xB;
	[smem:$0x7FF] =	sst s2;
	s24 =	sshll.u32 s5, $0x10  }
0xa: {  	s5 =	simm.s32 $0xD400;
	s4 =	sshll.u32 s1, $0xA;
	_ =	strace $0x8000004D  }
0xb: {  	s25 =	ssub.s32 $0x2, s1;
	s6 =	sadd.s32 s24, s0;
	s1 =	sshll.u32 s1, $0xF  }
0xc: {  	s24 =	simm.s32 $0x8400;
	s3 =	sor.u32 s4, s3;
	s7 =	sshrl.u32 s25, $0x1  }
0xd: {  	s1 =	sadd.s32 s1, s6;
	s3 =	sshrl.u32 s3, $0x3;
	s26 =	ssub.s32 s25, s7  }
.Ltmp0:
0xe: {  	s6 =	sadd.s32 $0x227000, s1;
	s7 =	simm.s32 $0x3;
	(pc) =	sbr.rel .LBB2_1-.Ltmp0, $4  }
0xf: {  	s25 =	simm.s32 $0x8C00;
	s1 =	simm.s32 $0xC400;
	s23 =	sadd.s32 s3, s0  }
0x10: {  	v2 =	vlaneseq.u32;
	s3 =	sadd.s32 $0x207000, s0;
	s0 =	smax.u32 s26, $0x1;
	s26 =	simm.s32 $0x9400  }
0x11: {  	vm0 =	vmmov $0xffff;
	v1 =	vshrl.u32 v2, $0x3;
	s4 =	sadd.s32 $0x6000, s23;
	[dreg:$0x3] =	wrdreg s0;
	s23 =	simm.s32 $0x7C00  }
0x12: {  	v0 =	vand.u32 $0x7, v2;
	v2 =	vor.u32 $0x8, v2;
	v1 =	vmul.u32 $0x8, v1;
	s0 =	simm.s32 $0xBC00;
	[dreg:$0x2] =	wrdreg s4;
	s4 =	simm.s32 $0xCC00  }
.LBB2_5:
0x13: {  	s17 =	rddreg [dreg:$0x4]  }
0x14: {  	s16 =	rddreg [dreg:$0x3];
	s17 =	sadd.s32 $0x1, s17  }
0x15: {  	p0 =	sne.s32 s17, s16  }
.Ltmp1:
0x16: {  	_ = 	snop;
	(pc) =	sbr.rel @!p0 .LBB2_6-.Ltmp1, $1  }
0x17: {  	_ =	sdelay $0x3  }
.LBB2_1:
0x18: {  	[dreg:$0x4] =	wrdreg s17  }
0x19: {  	s16 =	rddreg [dreg:$0x2]  }
0x1a: {  	[tilespmem:s2], [sflag:$0x3] =	stream.linear.gather [hbm4b:s16+s2], $0x400, $0x38;
	[tilespmem:$0x10400] =	vst v63  }
0x1b: {  	_ =	swait.ge [sflag:s7], $0x400  }
0x1c: {  	[sflag:s7] =	ssyncset.done $0x0  }
0x1d: {  	[sflag:s7] =	ssyncadd.s32 $0xFFFFFC00  }
0x1e: {  	v3 =	vld [tilespmem:$0x0];
	_ =	sdelay $0x4  }
0x1f: {  	v4 =	vshll.u32 v3, $0x1  }
0x20: {  	v3 =	vand.u32 $0x7, v3;
	v4 =	vand.u32 $0xFFFFFFF0, v4  }
0x21: {  	v3 =	vor.u32 v3, v4  }
0x22: {  	v4 =	vperm.xlane v3, v0;
	_ =	sdelay $0x1  }
0x23: {  	v3 =	vperm.xlane v3, v2;
	v4 =	vadd.s32 v1, v4;
	_ =	sdelay $0x1  }
0x24: {  	v3 =	vadd.s32 v1, v3;
	_ =	sdelay $0x2  }
0x25: {  	[tilespmem:s8], [sflag:$0x1] =	stream.indirect_vreg.gather [hbm4b:s3+s2], $0x80, v4, vm0, $0xb8;
	[tilespmem:$0x10400] =	vst v63  }
0x26: {  	s18 =	simm.s32 $0xC00  }
0x27: {  	[tilespmem:s18], [sflag:$0x1] =	stream.indirect_vreg.gather [hbm4b:s3+s2], $0x80, v3, vm0, $0xb8;
	[tilespmem:$0x10400] =	vst v63  }
0x28: {  	v3 =	vld [tilespmem:$0x10];
	_ =	sdelay $0x4  }
0x29: {  	v57 =	vshll.u32 v3, $0x1  }
0x2a: {  	v3 =	vand.u32 $0x7, v3;
	v4 =	vand.u32 $0xFFFFFFF0, v57  }
0x2b: {  	v3 =	vor.u32 v3, v4  }
0x2c: {  	v4 =	vperm.xlane v3, v0;
	_ =	sdelay $0x1  }
0x2d: {  	v3 =	vperm.xlane v3, v2;
	v4 =	vadd.s32 v1, v4;
	_ =	sdelay $0x1  }
0x2e: {  	v3 =	vadd.s32 v1, v3;
	_ =	sdelay $0x1  }
0x2f: {  	s19 =	simm.s32 $0x1400  }
0x30: {  	[tilespmem:s19], [sflag:$0x1] =	stream.indirect_vreg.gather [hbm4b:s3+s2], $0x80, v4, vm0, $0xb8;
	[tilespmem:$0x10400] =	vst v63  }
0x31: {  	s17 =	simm.s32 $0x1C00  }
0x32: {  	[tilespmem:s17], [sflag:$0x1] =	stream.indirect_vreg.gather [hbm4b:s3+s2], $0x80, v3, vm0, $0xb8;
	[tilespmem:$0x10400] =	vst v63  }
0x33: {  	v3 =	vld [tilespmem:$0x20];
	_ =	sdelay $0x4  }
0x34: {  	v58 =	vshll.u32 v3, $0x1  }
0x35: {  	v3 =	vand.u32 $0x7, v3;
	v4 =	vand.u32 $0xFFFFFFF0, v58  }
0x36: {  	v3 =	vor.u32 v3, v4  }
0x37: {  	v4 =	vperm.xlane v3, v0;
	_ =	sdelay $0x1  }
0x38: {  	v3 =	vperm.xlane v3, v2;
	v4 =	vadd.s32 v1, v4;
	_ =	sdelay $0x1  }
0x39: {  	v3 =	vadd.s32 v1, v3;
	_ =	sdelay $0x1  }
0x3a: {  	s18 =	simm.s32 $0x2400  }
0x3b: {  	[tilespmem:s18], [sflag:$0x1] =	stream.indirect_vreg.gather [hbm4b:s3+s2], $0x80, v4, vm0, $0xb8;
	[tilespmem:$0x10400] =	vst v63  }
0x3c: {  	s19 =	simm.s32 $0x2C00  }
0x3d: {  	[tilespmem:s19], [sflag:$0x1] =	stream.indirect_vreg.gather [hbm4b:s3+s2], $0x80, v3, vm0, $0xb8;
	[tilespmem:$0x10400] =	vst v63  }
0x3e: {  	v3 =	vld [tilespmem:$0x30];
	_ =	sdelay $0x4  }
0x3f: {  	v59 =	vshll.u32 v3, $0x1  }
0x40: {  	v3 =	vand.u32 $0x7, v3;
	v4 =	vand.u32 $0xFFFFFFF0, v59  }
0x41: {  	v3 =	vor.u32 v3, v4  }
0x42: {  	v4 =	vperm.xlane v3, v0;
	_ =	sdelay $0x1  }
0x43: {  	v3 =	vperm.xlane v3, v2;
	v4 =	vadd.s32 v1, v4;
	_ =	sdelay $0x1  }
0x44: {  	v3 =	vadd.s32 v1, v3;
	_ =	sdelay $0x1  }
0x45: {  	s17 =	simm.s32 $0x3400  }
0x46: {  	[tilespmem:s17], [sflag:$0x1] =	stream.indirect_vreg.gather [hbm4b:s3+s2], $0x80, v4, vm0, $0xb8;
	[tilespmem:$0x10400] =	vst v63  }
0x47: {  	s18 =	simm.s32 $0x3C00  }
0x48: {  	[tilespmem:s18], [sflag:$0x1] =	stream.indirect_vreg.gather [hbm4b:s3+s2], $0x80, v3, vm0, $0xb8;
	[tilespmem:$0x10400] =	vst v63  }
0x49: {  	v3 =	vld [tilespmem:$0x40];
	_ =	sdelay $0x4  }
0x4a: {  	v60 =	vshll.u32 v3, $0x1  }
0x4b: {  	v3 =	vand.u32 $0x7, v3;
	v4 =	vand.u32 $0xFFFFFFF0, v60  }
0x4c: {  	v3 =	vor.u32 v3, v4  }
0x4d: {  	v4 =	vperm.xlane v3, v0;
	_ =	sdelay $0x1  }
0x4e: {  	v3 =	vperm.xlane v3, v2;
	v4 =	vadd.s32 v1, v4;
	_ =	sdelay $0x1  }
0x4f: {  	v3 =	vadd.s32 v1, v3;
	_ =	sdelay $0x1  }
0x50: {  	s19 =	simm.s32 $0x4400  }
0x51: {  	[tilespmem:s19], [sflag:$0x1] =	stream.indirect_vreg.gather [hbm4b:s3+s2], $0x80, v4, vm0, $0xb8;
	[tilespmem:$0x10400] =	vst v63  }
0x52: {  	s17 =	simm.s32 $0x4C00  }
0x53: {  	[tilespmem:s17], [sflag:$0x1] =	stream.indirect_vreg.gather [hbm4b:s3+s2], $0x80, v3, vm0, $0xb8;
	[tilespmem:$0x10400] =	vst v63  }
0x54: {  	v3 =	vld [tilespmem:$0x50];
	_ =	sdelay $0x4  }
0x55: {  	v61 =	vshll.u32 v3, $0x1  }
0x56: {  	v3 =	vand.u32 $0x7, v3;
	v4 =	vand.u32 $0xFFFFFFF0, v61  }
0x57: {  	v3 =	vor.u32 v3, v4  }
0x58: {  	v4 =	vperm.xlane v3, v0;
	_ =	sdelay $0x1  }
0x59: {  	v3 =	vperm.xlane v3, v2;
	v4 =	vadd.s32 v1, v4;
	_ =	sdelay $0x1  }
0x5a: {  	v3 =	vadd.s32 v1, v3;
	_ =	sdelay $0x1  }
0x5b: {  	s18 =	simm.s32 $0x5400  }
0x5c: {  	[tilespmem:s18], [sflag:$0x1] =	stream.indirect_vreg.gather [hbm4b:s3+s2], $0x80, v4, vm0, $0xb8;
	[tilespmem:$0x10400] =	vst v63  }
0x5d: {  	s19 =	simm.s32 $0x5C00  }
0x5e: {  	[tilespmem:s19], [sflag:$0x1] =	stream.indirect_vreg.gather [hbm4b:s3+s2], $0x80, v3, vm0, $0xb8;
	[tilespmem:$0x10400] =	vst v63  }
0x5f: {  	v3 =	vld [tilespmem:$0x60];
	_ =	sdelay $0x4  }
0x60: {  	v62 =	vshll.u32 v3, $0x1  }
0x61: {  	v3 =	vand.u32 $0x7, v3;
	v4 =	vand.u32 $0xFFFFFFF0, v62  }
0x62: {  	v3 =	vor.u32 v3, v4  }
0x63: {  	v4 =	vperm.xlane v3, v0;
	_ =	sdelay $0x1  }
0x64: {  	v3 =	vperm.xlane v3, v2;
	v4 =	vadd.s32 v1, v4;
	_ =	sdelay $0x1  }
0x65: {  	v3 =	vadd.s32 v1, v3;
	_ =	sdelay $0x2  }
0x66: {  	[tilespmem:s20], [sflag:$0x1] =	stream.indirect_vreg.gather [hbm4b:s3+s2], $0x80, v4, vm0, $0xb8;
	[tilespmem:$0x10400] =	vst v63  }
0x67: {  	_ = 	snop  }
0x68: {  	[tilespmem:s21], [sflag:$0x1] =	stream.indirect_vreg.gather [hbm4b:s3+s2], $0x80, v3, vm0, $0xb8;
	[tilespmem:$0x10400] =	vst v63  }
0x69: {  	v3 =	vld [tilespmem:$0x70];
	_ =	sdelay $0x4  }
0x6a: {  	v63 =	vshll.u32 v3, $0x1  }
0x6b: {  	v3 =	vand.u32 $0x7, v3;
	v4 =	vand.u32 $0xFFFFFFF0, v63  }
0x6c: {  	v3 =	vor.u32 v3, v4  }
0x6d: {  	v4 =	vperm.xlane v3, v0;
	_ =	sdelay $0x1  }
0x6e: {  	v3 =	vperm.xlane v3, v2;
	v4 =	vadd.s32 v1, v4;
	_ =	sdelay $0x1  }
0x6f: {  	v3 =	vadd.s32 v1, v3  }
.Ltmp2:
0x70: {  	_ = 	snop;
	(pc) =	sbr.rel .LBB2_2-.Ltmp2, $4  }
0x71: {  	_ = 	snop  }
0x72: {  	[tilespmem:s22], [sflag:$0x1] =	stream.indirect_vreg.gather [hbm4b:s3+s2], $0x80, v4, vm0, $0xb8;
	[tilespmem:$0x10400] =	vst v63  }
0x73: {  	s16 =	simm.s32 $0xC0;
	s17 =	simm.s32 $0x0  }
0x74: {  	[tilespmem:s23], [sflag:$0x1] =	stream.indirect_vreg.gather [hbm4b:s3+s2], $0x80, v3, vm0, $0xb8;
	[tilespmem:$0x10400] =	vst v63  }
.LBB2_4:
0x75: {  	_ =	swait.ge [sflag:s15], $0x8000;
	s17 =	sadd.s32 $0x2000, s17  }
0x76: {  	[sflag:s15] =	ssyncset.done $0x0;
	p0 =	sne.s32 s17, $0x8000  }
.Ltmp3:
0x77: {  	s18 =	sadd.s32 $0x1000, s18;
	[sflag:s15] =	ssyncadd.s32 $0xFFFF8000;
	(pc) =	sbr.rel @!p0 .LBB2_5-.Ltmp3, $4  }
0x78: {  	[hbm4b:s18+s2] =	stream.linear.scatter [tilespmem:s24], [sflag:$0x3], $0x8000, $0x38;
	[tilespmem:$0x10400] =	vst v63  }
0x79: {  	_ =	swait.ge [sflag:s7], $0x8000  }
0x7a: {  	[sflag:s7] =	ssyncset.done $0x0  }
0x7b: {  	s16 =	sadd.s32 $0x100, s16;
	[sflag:s7] =	ssyncadd.s32 $0xFFFF8000  }
.LBB2_2:
0x7c: {  	v3 =	vld [tilespmem:s16+$0xFFFFFFC0];
	_ =	sdelay $0x4  }
0x7d: {  	v4 =	vshll.u32 v3, $0x1  }
0x7e: {  	v3 =	vand.u32 $0x7, v3;
	v4 =	vand.u32 $0xFFFFFFF0, v4  }
0x7f: {  	v3 =	vor.u32 v3, v4  }
0x80: {  	v4 =	vperm.xlane v3, v0;
	_ =	sdelay $0x1  }
0x81: {  	v3 =	vperm.xlane v3, v2;
	v4 =	vadd.s32 v1, v4;
	_ =	sdelay $0x1  }
0x82: {  	v3 =	vadd.s32 v1, v3;
	_ =	sdelay $0x2  }
0x83: {  	[tilespmem:s24], [sflag:$0x2] =	stream.indirect_vreg.gather [hbm4b:s3+s2], $0x80, v4, vm0, $0xb8;
	[tilespmem:$0x10400] =	vst v63  }
0x84: {  	_ = 	snop  }
0x85: {  	[tilespmem:s25], [sflag:$0x2] =	stream.indirect_vreg.gather [hbm4b:s3+s2], $0x80, v3, vm0, $0xb8;
	[tilespmem:$0x10400] =	vst v63  }
0x86: {  	v3 =	vld [tilespmem:s16+$0xFFFFFFD0];
	_ =	sdelay $0x4  }
0x87: {  	v57 =	vshll.u32 v3, $0x1  }
0x88: {  	v3 =	vand.u32 $0x7, v3;
	v4 =	vand.u32 $0xFFFFFFF0, v57  }
0x89: {  	v3 =	vor.u32 v3, v4  }
0x8a: {  	v4 =	vperm.xlane v3, v0;
	_ =	sdelay $0x1  }
0x8b: {  	v3 =	vperm.xlane v3, v2;
	v4 =	vadd.s32 v1, v4;
	_ =	sdelay $0x1  }
0x8c: {  	v3 =	vadd.s32 v1, v3;
	_ =	sdelay $0x2  }
0x8d: {  	[tilespmem:s26], [sflag:$0x2] =	stream.indirect_vreg.gather [hbm4b:s3+s2], $0x80, v4, vm0, $0xb8;
	[tilespmem:$0x10400] =	vst v63  }
0x8e: {  	_ = 	snop  }
0x8f: {  	[tilespmem:s28], [sflag:$0x2] =	stream.indirect_vreg.gather [hbm4b:s3+s2], $0x80, v3, vm0, $0xb8;
	[tilespmem:$0x10400] =	vst v63  }
0x90: {  	v3 =	vld [tilespmem:s16+$0xFFFFFFE0];
	_ =	sdelay $0x4  }
0x91: {  	v58 =	vshll.u32 v3, $0x1  }
0x92: {  	v3 =	vand.u32 $0x7, v3;
	v4 =	vand.u32 $0xFFFFFFF0, v58  }
0x93: {  	v3 =	vor.u32 v3, v4  }
0x94: {  	v4 =	vperm.xlane v3, v0;
	_ =	sdelay $0x1  }
0x95: {  	v3 =	vperm.xlane v3, v2;
	v4 =	vadd.s32 v1, v4;
	_ =	sdelay $0x1  }
0x96: {  	v3 =	vadd.s32 v1, v3;
	_ =	sdelay $0x2  }
0x97: {  	[tilespmem:s29], [sflag:$0x2] =	stream.indirect_vreg.gather [hbm4b:s3+s2], $0x80, v4, vm0, $0xb8;
	[tilespmem:$0x10400] =	vst v63  }
0x98: {  	_ = 	snop  }
0x99: {  	[tilespmem:s30], [sflag:$0x2] =	stream.indirect_vreg.gather [hbm4b:s3+s2], $0x80, v3, vm0, $0xb8;
	[tilespmem:$0x10400] =	vst v63  }
0x9a: {  	v3 =	vld [tilespmem:s16+$0xFFFFFFF0];
	_ =	sdelay $0x4  }
0x9b: {  	v59 =	vshll.u32 v3, $0x1  }
0x9c: {  	v3 =	vand.u32 $0x7, v3;
	v4 =	vand.u32 $0xFFFFFFF0, v59  }
0x9d: {  	v3 =	vor.u32 v3, v4  }
0x9e: {  	v4 =	vperm.xlane v3, v0;
	_ =	sdelay $0x1  }
0x9f: {  	v3 =	vperm.xlane v3, v2;
	v4 =	vadd.s32 v1, v4;
	_ =	sdelay $0x1  }
0xa0: {  	v3 =	vadd.s32 v1, v3;
	_ =	sdelay $0x2  }
0xa1: {  	[tilespmem:s31], [sflag:$0x2] =	stream.indirect_vreg.gather [hbm4b:s3+s2], $0x80, v4, vm0, $0xb8;
	[tilespmem:$0x10400] =	vst v63  }
0xa2: {  	_ = 	snop  }
0xa3: {  	[tilespmem:s0], [sflag:$0x2] =	stream.indirect_vreg.gather [hbm4b:s3+s2], $0x80, v3, vm0, $0xb8;
	[tilespmem:$0x10400] =	vst v63  }
0xa4: {  	v3 =	vld [tilespmem:s16+$0x0];
	_ =	sdelay $0x4  }
0xa5: {  	v60 =	vshll.u32 v3, $0x1  }
0xa6: {  	v3 =	vand.u32 $0x7, v3;
	v4 =	vand.u32 $0xFFFFFFF0, v60  }
0xa7: {  	v3 =	vor.u32 v3, v4  }
0xa8: {  	v4 =	vperm.xlane v3, v0;
	_ =	sdelay $0x1  }
0xa9: {  	v3 =	vperm.xlane v3, v2;
	v4 =	vadd.s32 v1, v4;
	_ =	sdelay $0x1  }
0xaa: {  	v3 =	vadd.s32 v1, v3;
	_ =	sdelay $0x2  }
0xab: {  	[tilespmem:s1], [sflag:$0x2] =	stream.indirect_vreg.gather [hbm4b:s3+s2], $0x80, v4, vm0, $0xb8;
	[tilespmem:$0x10400] =	vst v63  }
0xac: {  	_ = 	snop  }
0xad: {  	[tilespmem:s4], [sflag:$0x2] =	stream.indirect_vreg.gather [hbm4b:s3+s2], $0x80, v3, vm0, $0xb8;
	[tilespmem:$0x10400] =	vst v63  }
0xae: {  	v3 =	vld [tilespmem:s16+$0x10];
	_ =	sdelay $0x4  }
0xaf: {  	v61 =	vshll.u32 v3, $0x1  }
0xb0: {  	v3 =	vand.u32 $0x7, v3;
	v4 =	vand.u32 $0xFFFFFFF0, v61  }
0xb1: {  	v3 =	vor.u32 v3, v4  }
0xb2: {  	v4 =	vperm.xlane v3, v0;
	_ =	sdelay $0x1  }
0xb3: {  	v3 =	vperm.xlane v3, v2;
	v4 =	vadd.s32 v1, v4;
	_ =	sdelay $0x1  }
0xb4: {  	v3 =	vadd.s32 v1, v3;
	_ =	sdelay $0x2  }
0xb5: {  	[tilespmem:s5], [sflag:$0x2] =	stream.indirect_vreg.gather [hbm4b:s3+s2], $0x80, v4, vm0, $0xb8;
	[tilespmem:$0x10400] =	vst v63  }
0xb6: {  	_ = 	snop  }
0xb7: {  	[tilespmem:s9], [sflag:$0x2] =	stream.indirect_vreg.gather [hbm4b:s3+s2], $0x80, v3, vm0, $0xb8;
	[tilespmem:$0x10400] =	vst v63  }
0xb8: {  	v3 =	vld [tilespmem:s16+$0x20];
	_ =	sdelay $0x4  }
0xb9: {  	v62 =	vshll.u32 v3, $0x1  }
0xba: {  	v3 =	vand.u32 $0x7, v3;
	v4 =	vand.u32 $0xFFFFFFF0, v62  }
0xbb: {  	v3 =	vor.u32 v3, v4  }
0xbc: {  	v4 =	vperm.xlane v3, v0;
	_ =	sdelay $0x1  }
0xbd: {  	v3 =	vperm.xlane v3, v2;
	v4 =	vadd.s32 v1, v4;
	_ =	sdelay $0x1  }
0xbe: {  	v3 =	vadd.s32 v1, v3;
	_ =	sdelay $0x2  }
0xbf: {  	[tilespmem:s10], [sflag:$0x2] =	stream.indirect_vreg.gather [hbm4b:s3+s2], $0x80, v4, vm0, $0xb8;
	[tilespmem:$0x10400] =	vst v63  }
0xc0: {  	_ = 	snop  }
0xc1: {  	[tilespmem:s11], [sflag:$0x2] =	stream.indirect_vreg.gather [hbm4b:s3+s2], $0x80, v3, vm0, $0xb8;
	[tilespmem:$0x10400] =	vst v63  }
0xc2: {  	v3 =	vld [tilespmem:s16+$0x30];
	_ =	sdelay $0x4  }
0xc3: {  	v63 =	vshll.u32 v3, $0x1  }
0xc4: {  	v3 =	vand.u32 $0x7, v3;
	v4 =	vand.u32 $0xFFFFFFF0, v63  }
0xc5: {  	v3 =	vor.u32 v3, v4  }
0xc6: {  	v4 =	vperm.xlane v3, v0;
	_ =	sdelay $0x1  }
0xc7: {  	v3 =	vperm.xlane v3, v2;
	v4 =	vadd.s32 v1, v4;
	_ =	sdelay $0x1  }
0xc8: {  	v3 =	vadd.s32 v1, v3;
	_ =	sdelay $0x2  }
0xc9: {  	[tilespmem:s12], [sflag:$0x2] =	stream.indirect_vreg.gather [hbm4b:s3+s2], $0x80, v4, vm0, $0xb8;
	[tilespmem:$0x10400] =	vst v63  }
0xca: {  	_ = 	snop  }
0xcb: {  	[tilespmem:s13], [sflag:$0x2] =	stream.indirect_vreg.gather [hbm4b:s3+s2], $0x80, v3, vm0, $0xb8;
	[tilespmem:$0x10400] =	vst v63  }
0xcc: {  	_ =	swait.ge [sflag:s14], $0x8000  }
0xcd: {  	p0 =	seq.s32 s17, $0x6000;
	[sflag:s14] =	ssyncset.done $0x0  }
.Ltmp4:
0xce: {  	s18 =	sadd.s32 s17, s6;
	[sflag:s14] =	ssyncadd.s32 $0xFFFF8000;
	(pc) =	sbr.rel @p0 .LBB2_4-.Ltmp4, $4  }
0xcf: {  	[hbm4b:s18+s2] =	stream.linear.scatter [tilespmem:s8], [sflag:$0x3], $0x8000, $0x38;
	[tilespmem:$0x10400] =	vst v63  }
0xd0: {  	_ =	swait.ge [sflag:s7], $0x8000  }
0xd1: {  	[sflag:s7] =	ssyncset.done $0x0  }
0xd2: {  	[sflag:s7] =	ssyncadd.s32 $0xFFFF8000  }
0xd3: {  	v3 =	vld [tilespmem:s16+$0x40];
	_ =	sdelay $0x4  }
0xd4: {  	v4 =	vshll.u32 v3, $0x1  }
0xd5: {  	v3 =	vand.u32 $0x7, v3;
	v4 =	vand.u32 $0xFFFFFFF0, v4  }
0xd6: {  	v3 =	vor.u32 v3, v4  }
0xd7: {  	v4 =	vperm.xlane v3, v0;
	_ =	sdelay $0x1  }
0xd8: {  	v3 =	vperm.xlane v3, v2;
	v4 =	vadd.s32 v1, v4;
	_ =	sdelay $0x1  }
0xd9: {  	v3 =	vadd.s32 v1, v3;
	_ =	sdelay $0x2  }
0xda: {  	[tilespmem:s8], [sflag:$0x1] =	stream.indirect_vreg.gather [hbm4b:s3+s2], $0x80, v4, vm0, $0xb8;
	[tilespmem:$0x10400] =	vst v63  }
0xdb: {  	s19 =	simm.s32 $0xC00  }
0xdc: {  	[tilespmem:s19], [sflag:$0x1] =	stream.indirect_vreg.gather [hbm4b:s3+s2], $0x80, v3, vm0, $0xb8;
	[tilespmem:$0x10400] =	vst v63  }
0xdd: {  	v3 =	vld [tilespmem:s16+$0x50];
	_ =	sdelay $0x4  }
0xde: {  	v57 =	vshll.u32 v3, $0x1  }
0xdf: {  	v3 =	vand.u32 $0x7, v3;
	v4 =	vand.u32 $0xFFFFFFF0, v57  }
0xe0: {  	v3 =	vor.u32 v3, v4  }
0xe1: {  	v4 =	vperm.xlane v3, v0;
	_ =	sdelay $0x1  }
0xe2: {  	v3 =	vperm.xlane v3, v2;
	v4 =	vadd.s32 v1, v4;
	_ =	sdelay $0x1  }
0xe3: {  	v3 =	vadd.s32 v1, v3;
	_ =	sdelay $0x1  }
0xe4: {  	s19 =	simm.s32 $0x1400  }
0xe5: {  	[tilespmem:s19], [sflag:$0x1] =	stream.indirect_vreg.gather [hbm4b:s3+s2], $0x80, v4, vm0, $0xb8;
	[tilespmem:$0x10400] =	vst v63  }
0xe6: {  	s19 =	simm.s32 $0x1C00  }
0xe7: {  	[tilespmem:s19], [sflag:$0x1] =	stream.indirect_vreg.gather [hbm4b:s3+s2], $0x80, v3, vm0, $0xb8;
	[tilespmem:$0x10400] =	vst v63  }
0xe8: {  	v3 =	vld [tilespmem:s16+$0x60];
	_ =	sdelay $0x4  }
0xe9: {  	v58 =	vshll.u32 v3, $0x1  }
0xea: {  	v3 =	vand.u32 $0x7, v3;
	v4 =	vand.u32 $0xFFFFFFF0, v58  }
0xeb: {  	v3 =	vor.u32 v3, v4  }
0xec: {  	v4 =	vperm.xlane v3, v0;
	_ =	sdelay $0x1  }
0xed: {  	v3 =	vperm.xlane v3, v2;
	v4 =	vadd.s32 v1, v4;
	_ =	sdelay $0x1  }
0xee: {  	v3 =	vadd.s32 v1, v3;
	_ =	sdelay $0x1  }
0xef: {  	s19 =	simm.s32 $0x2400  }
0xf0: {  	[tilespmem:s19], [sflag:$0x1] =	stream.indirect_vreg.gather [hbm4b:s3+s2], $0x80, v4, vm0, $0xb8;
	[tilespmem:$0x10400] =	vst v63  }
0xf1: {  	s19 =	simm.s32 $0x2C00  }
0xf2: {  	[tilespmem:s19], [sflag:$0x1] =	stream.indirect_vreg.gather [hbm4b:s3+s2], $0x80, v3, vm0, $0xb8;
	[tilespmem:$0x10400] =	vst v63  }
0xf3: {  	v3 =	vld [tilespmem:s16+$0x70];
	_ =	sdelay $0x4  }
0xf4: {  	v59 =	vshll.u32 v3, $0x1  }
0xf5: {  	v3 =	vand.u32 $0x7, v3;
	v4 =	vand.u32 $0xFFFFFFF0, v59  }
0xf6: {  	v3 =	vor.u32 v3, v4  }
0xf7: {  	v4 =	vperm.xlane v3, v0;
	_ =	sdelay $0x1  }
0xf8: {  	v3 =	vperm.xlane v3, v2;
	v4 =	vadd.s32 v1, v4;
	_ =	sdelay $0x1  }
0xf9: {  	v3 =	vadd.s32 v1, v3;
	_ =	sdelay $0x1  }
0xfa: {  	s19 =	simm.s32 $0x3400  }
0xfb: {  	[tilespmem:s19], [sflag:$0x1] =	stream.indirect_vreg.gather [hbm4b:s3+s2], $0x80, v4, vm0, $0xb8;
	[tilespmem:$0x10400] =	vst v63  }
0xfc: {  	s19 =	simm.s32 $0x3C00  }
0xfd: {  	[tilespmem:s19], [sflag:$0x1] =	stream.indirect_vreg.gather [hbm4b:s3+s2], $0x80, v3, vm0, $0xb8;
	[tilespmem:$0x10400] =	vst v63  }
0xfe: {  	v3 =	vld [tilespmem:s16+$0x80];
	_ =	sdelay $0x4  }
0xff: {  	v60 =	vshll.u32 v3, $0x1  }
0x100: {  	v3 =	vand.u32 $0x7, v3;
	v4 =	vand.u32 $0xFFFFFFF0, v60  }
0x101: {  	v3 =	vor.u32 v3, v4  }
0x102: {  	v4 =	vperm.xlane v3, v0;
	_ =	sdelay $0x1  }
0x103: {  	v3 =	vperm.xlane v3, v2;
	v4 =	vadd.s32 v1, v4;
	_ =	sdelay $0x1  }
0x104: {  	v3 =	vadd.s32 v1, v3;
	_ =	sdelay $0x1  }
0x105: {  	s19 =	simm.s32 $0x4400  }
0x106: {  	[tilespmem:s19], [sflag:$0x1] =	stream.indirect_vreg.gather [hbm4b:s3+s2], $0x80, v4, vm0, $0xb8;
	[tilespmem:$0x10400] =	vst v63  }
0x107: {  	s19 =	simm.s32 $0x4C00  }
0x108: {  	[tilespmem:s19], [sflag:$0x1] =	stream.indirect_vreg.gather [hbm4b:s3+s2], $0x80, v3, vm0, $0xb8;
	[tilespmem:$0x10400] =	vst v63  }
0x109: {  	v3 =	vld [tilespmem:s16+$0x90];
	_ =	sdelay $0x4  }
0x10a: {  	v61 =	vshll.u32 v3, $0x1  }
0x10b: {  	v3 =	vand.u32 $0x7, v3;
	v4 =	vand.u32 $0xFFFFFFF0, v61  }
0x10c: {  	v3 =	vor.u32 v3, v4  }
0x10d: {  	v4 =	vperm.xlane v3, v0;
	_ =	sdelay $0x1  }
0x10e: {  	v3 =	vperm.xlane v3, v2;
	v4 =	vadd.s32 v1, v4;
	_ =	sdelay $0x1  }
0x10f: {  	v3 =	vadd.s32 v1, v3;
	_ =	sdelay $0x1  }
0x110: {  	s19 =	simm.s32 $0x5400  }
0x111: {  	[tilespmem:s19], [sflag:$0x1] =	stream.indirect_vreg.gather [hbm4b:s3+s2], $0x80, v4, vm0, $0xb8;
	[tilespmem:$0x10400] =	vst v63  }
0x112: {  	s19 =	simm.s32 $0x5C00  }
0x113: {  	[tilespmem:s19], [sflag:$0x1] =	stream.indirect_vreg.gather [hbm4b:s3+s2], $0x80, v3, vm0, $0xb8;
	[tilespmem:$0x10400] =	vst v63  }
0x114: {  	v3 =	vld [tilespmem:s16+$0xA0];
	_ =	sdelay $0x4  }
0x115: {  	v62 =	vshll.u32 v3, $0x1  }
0x116: {  	v3 =	vand.u32 $0x7, v3;
	v4 =	vand.u32 $0xFFFFFFF0, v62  }
0x117: {  	v3 =	vor.u32 v3, v4  }
0x118: {  	v4 =	vperm.xlane v3, v0;
	_ =	sdelay $0x1  }
0x119: {  	v3 =	vperm.xlane v3, v2;
	v4 =	vadd.s32 v1, v4;
	_ =	sdelay $0x1  }
0x11a: {  	v3 =	vadd.s32 v1, v3;
	_ =	sdelay $0x2  }
0x11b: {  	[tilespmem:s20], [sflag:$0x1] =	stream.indirect_vreg.gather [hbm4b:s3+s2], $0x80, v4, vm0, $0xb8;
	[tilespmem:$0x10400] =	vst v63  }
0x11c: {  	_ = 	snop  }
0x11d: {  	[tilespmem:s21], [sflag:$0x1] =	stream.indirect_vreg.gather [hbm4b:s3+s2], $0x80, v3, vm0, $0xb8;
	[tilespmem:$0x10400] =	vst v63  }
0x11e: {  	v3 =	vld [tilespmem:s16+$0xB0];
	_ =	sdelay $0x4  }
0x11f: {  	v63 =	vshll.u32 v3, $0x1  }
0x120: {  	v3 =	vand.u32 $0x7, v3;
	v4 =	vand.u32 $0xFFFFFFF0, v63  }
0x121: {  	v3 =	vor.u32 v3, v4  }
0x122: {  	v4 =	vperm.xlane v3, v0;
	_ =	sdelay $0x1  }
0x123: {  	v3 =	vperm.xlane v3, v2;
	v4 =	vadd.s32 v1, v4;
	_ =	sdelay $0x1  }
0x124: {  	v3 =	vadd.s32 v1, v3  }
.Ltmp5:
0x125: {  	_ = 	snop;
	(pc) =	sbr.rel .LBB2_4-.Ltmp5, $4  }
0x126: {  	_ = 	snop  }
0x127: {  	[tilespmem:s22], [sflag:$0x1] =	stream.indirect_vreg.gather [hbm4b:s3+s2], $0x80, v4, vm0, $0xb8;
	[tilespmem:$0x10400] =	vst v63  }
0x128: {  	_ = 	snop  }
0x129: {  	[tilespmem:s23], [sflag:$0x1] =	stream.indirect_vreg.gather [hbm4b:s3+s2], $0x80, v3, vm0, $0xb8;
	[tilespmem:$0x10400] =	vst v63  }
.LBB2_6:
0x12a: {  	_ =	sfence.sel $0x180000  }
0x12b: {  	[bflag:$0x0] =	sbarrier.arrive $0xFFFF  }
0x12c: {  	_ =	strace $0x9000004D  }
0x12d: {  	s0 =	stileid.u32;
	[bflag:$0x2] =	sbarrier.arrive $0xFFFF  }
0x12e: {  	p0 =	sne.s32 s0, $0x0;
	s0 =	rddreg [dreg:$0x1]  }
0x12f: {  	s0 =	sadd.s32 @!p0 $0x100000, s0  }
0x130: {  	[sflag:s0] =	ssyncadd.tile.s32 @!p0 $0x1;
	_ =	shalt  }
.Lfunc_end2:
_tile_overlayer_lowered:
.L_overlay_start_2:
0x131: {  	(tag) =	ssettag $0x2  }
0x132: {  	s0 =	rddreg [dreg:$0x0];
	s2 =	stileid.u32  }
0x133: {  	s1 =	rddreg [dreg:$0x1];
	p0 =	sne.s32 s2, $0x0  }
0x134: {  	s3 =	rddreg [dreg:$0x2];
	[bflag:$0x3] =	sbarrier.arrive $0xFFFF;
	s2 =	simm.s32 @!p0 $0x1C03  }
0x135: {  	[timem:s3], [sflag:s2] =	dma.local @!p0 [hbm:s0], s1  }
0x136: {  	s0 =	simm.s32 @!p0 $0x3  }
0x137: {  	_ =	swait.ge @!p0 [sflag:s0], s1  }
0x138: {  	s1 =	ssub.s32 @!p0 $0x0, s1;
	[sflag:s0] =	ssyncset.done @!p0 $0x0  }
0x139: {  	[sflag:s0] =	ssyncadd.s32 @!p0 s1  }
0x13a: {  	[bflag:$0x3] =	sbarrier.arrive $0xFFFF  }
0x13b: {  	_ =	shalt  }

// kernel: kernel.18.cloned.1.call-start
scs
__scs_entry_jumppad:
0x0: {  	(pc) =	sbr.rel $0x88, $3  }
0x1: {  	(tag) =	ssettag $0x0;
	lr =	simm.s32 $0x1  }
0x2: {  	[smem:$0x3F8E] =	sst lr;
	_ =	strace $0xD0000000  }
0x3: {  	_ = 	snop  }
0x4: {  	_ = 	snop  }
0x5: {  	_ = 	snop  }
0x6: {  	_ = 	snop  }
0x7: {  	_ = 	snop  }
__scs_overlays_trampoline_lowered:
0x8: {  	[smem:$0x3F9D] =	sst s0  }
0x9: {  	[smem:$0x3F9E] =	sst s1  }
0xa: {  	[smem:$0x3F9F] =	sst s2  }
0xb: {  	[smem:$0x3FA0] =	sst s3  }
0xc: {  	[smem:$0x3FA1] =	sst s4  }
0xd: {  	[smem:$0x3FA2] =	sst s5  }
0xe: {  	[smem:$0x3FA3] =	sst s6  }
0xf: {  	[smem:$0x3FA4] =	sst s7  }
0x10: {  	[smem:$0x3FA5] =	sst s8  }
0x11: {  	[smem:$0x3FA6] =	sst s9;
	s0 =	simm.s32 @!p0 $0x0  }
0x12: {  	s1 =	sld [smem:$0x3F8C];
	s0 =	simm.s32 @p0 $0x1  }
0x13: {  	[smem:$0x3FA7] =	sst s0;
	s0 =	simm.s32 @!p1 $0x0  }
0x14: {  	s2 =	sld [smem:$0x3F8B];
	s0 =	simm.s32 @p1 $0x1  }
0x15: {  	[smem:$0x3FA8] =	sst s0;
	s0 =	simm.s32 @!p2 $0x0  }
0x16: {  	s3 =	sld [smem:$0x3FDB];
	s0 =	simm.s32 @p2 $0x1  }
0x17: {  	s4 =	simm.s32 $0x1BF5;
	[smem:$0x3FAA] =	sst s0  }
0x18: {  	s0 =	sld [smem:$0x3F8D];
	_ =	swait.ge [sflag:s4], $0x0  }
0x19: {  	s7 =	sld [smem:$0x3F8E]  }
0x1a: {  	s8 =	sadd.s32 $0xFFFFE003, lr  }
0x1b: {  	s9 =	sadd.s32 $0xFFFFFEF7, lr;
	s5 =	simm.s32 $0xFFFFFFFF;
	p2 =	slt.u32 s8, $0xFFFFF086  }
0x1c: {  	p1 =	slt.u32 s9, $0xF7A;
	s5 =	simm.s32 @!p2 $0x0  }
0x1d: {  	s5 =	simm.s32 @p1 $0x1;
	p0 =	seq.s32 s7, s2  }
0x1e: {  	s7 =	smul.u32 @!p0 $0xF7A, s2;
	p2 =	seq.s32 @!p0 s5, $0x0  }
0x1f: {  	s9 =	smul.u32 $0xF7A, s1;
	s8 =	simm.s32 @!p0 $0x1BF5;
	p2 =	por !p2, p0  }
0x20: {  	[sflag:s8] =	ssyncset.s32 @!p0 $0xFFFFF086;
	s6 =	sadd.s32 @!p0 s3, s7;
	s7 =	simm.s32 @!p0 $0x108  }
0x21: {  	s3 =	sadd.s32 s3, s9;
	s6 =	sadd.s32 @!p0 $0x88, s6;
	s7 =	simm.s32 @p2 $0x1082  }
0x22: {  	[simem:s7], [sflag:s8] =	dma.local @!p0 [hbm:s6], $0xF7A  }
0x23: {  	s9 =	sor.u32 $0xD0000000, s2;
	s6 =	simm.s32 $0x108;
	_ =	swait.ge @!p0 [sflag:s8], $0x0  }
0x24: {  	s3 =	sadd.s32 $0x88, s3;
	s6 =	simm.s32 @!p1 $0x1082;
	[sflag:s4] =	ssyncset.s32 $0xFFFFF086  }
0x25: {  	[simem:s6], [sflag:s4] =	dma.local [hbm:s3], $0xF7A  }
0x26: {  	[smem:$0x3F8E] =	sst s1;
	(tag) =	ssettag s2;
	_ =	strace s9  }
0x27: {  	s1 =	sld [smem:$0x3F9E]  }
0x28: {  	s2 =	sld [smem:$0x3F9F]  }
0x29: {  	s4 =	sld [smem:$0x3FA1]  }
0x2a: {  	p0 =	seq.s32 s5, $0x0;
	s5 =	sld [smem:$0x3FA2]  }
0x2b: {  	s6 =	sld [smem:$0x3FA3]  }
0x2c: {  	s7 =	sld [smem:$0x3FA4]  }
0x2d: {  	s3 =	simm.s32 $0x108;
	s8 =	sld [smem:$0x3FA5]  }
0x2e: {  	s3 =	simm.s32 @!p0 $0x1082;
	s9 =	sld [smem:$0x3FA6]  }
0x2f: {  	lr =	sadd.s32 s0, s3;
	s0 =	sld [smem:$0x3F9D]  }
0x30: {  	s3 =	sld [smem:$0x3FA0]  }
0x31: {  	[smem:$0x3FA9] =	sst s10  }
0x32: {  	s10 =	sld [smem:$0x3FA7];
	_ =	sdelay $0x3  }
0x33: {  	p0 =	seq.s32 s10, $0x1;
	s10 =	sld [smem:$0x3FA9];
	_ =	sdelay $0x3  }
0x34: {  	[smem:$0x3FA9] =	sst s10  }
0x35: {  	s10 =	sld [smem:$0x3FA8];
	_ =	sdelay $0x3  }
0x36: {  	p1 =	seq.s32 s10, $0x1;
	s10 =	sld [smem:$0x3FA9];
	_ =	sdelay $0x3  }
0x37: {  	[smem:$0x3FA9] =	sst s10  }
0x38: {  	s10 =	sld [smem:$0x3FAA]  }
0x39: {  	_ = 	snop;
	(pc) =	sbr.ind lr, $3  }
0x3a: {  	_ = 	snop  }
0x3b: {  	_ = 	snop  }
0x3c: {  	p2 =	seq.s32 s10, $0x1;
	s10 =	sld [smem:$0x3FA9]  }
0x3d: {  	_ =	shalt  }
0x3e: {  	_ =	shalt  }
0x3f: {  	_ =	shalt  }
0x40: {  	_ =	shalt  }
0x41: {  	_ =	shalt  }
0x42: {  	_ =	shalt  }
0x43: {  	_ =	shalt  }
0x44: {  	_ =	shalt  }
0x45: {  	_ =	shalt  }
0x46: {  	_ =	shalt  }
0x47: {  	_ =	shalt  }
0x48: {  	_ =	shalt  }
0x49: {  	_ =	shalt  }
0x4a: {  	_ =	shalt  }
0x4b: {  	_ =	shalt  }
0x4c: {  	_ =	shalt  }
0x4d: {  	_ =	shalt  }
0x4e: {  	_ =	shalt  }
0x4f: {  	_ =	shalt  }
0x50: {  	_ =	shalt  }
0x51: {  	_ =	shalt  }
0x52: {  	_ =	shalt  }
0x53: {  	_ =	shalt  }
0x54: {  	_ =	shalt  }
0x55: {  	_ =	shalt  }
0x56: {  	_ =	shalt  }
0x57: {  	_ =	shalt  }
0x58: {  	_ =	shalt  }
0x59: {  	_ =	shalt  }
0x5a: {  	_ =	shalt  }
0x5b: {  	_ =	shalt  }
0x5c: {  	_ =	shalt  }
0x5d: {  	_ =	shalt  }
0x5e: {  	_ =	shalt  }
0x5f: {  	_ =	shalt  }
0x60: {  	_ =	shalt  }
0x61: {  	_ =	shalt  }
0x62: {  	_ =	shalt  }
0x63: {  	_ =	shalt  }
0x64: {  	_ =	shalt  }
0x65: {  	_ =	shalt  }
0x66: {  	_ =	shalt  }
0x67: {  	_ =	shalt  }
0x68: {  	_ =	shalt  }
0x69: {  	_ =	shalt  }
0x6a: {  	_ =	shalt  }
0x6b: {  	_ =	shalt  }
0x6c: {  	_ =	shalt  }
0x6d: {  	_ =	shalt  }
0x6e: {  	_ =	shalt  }
0x6f: {  	_ =	shalt  }
0x70: {  	_ =	shalt  }
0x71: {  	_ =	shalt  }
0x72: {  	_ =	shalt  }
0x73: {  	_ =	shalt  }
0x74: {  	_ =	shalt  }
0x75: {  	_ =	shalt  }
0x76: {  	_ =	shalt  }
0x77: {  	_ =	shalt  }
0x78: {  	_ =	shalt  }
0x79: {  	_ =	shalt  }
0x7a: {  	_ =	shalt  }
0x7b: {  	_ =	shalt  }
0x7c: {  	_ =	shalt  }
0x7d: {  	_ =	shalt  }
0x7e: {  	_ =	shalt  }
0x7f: {  	_ =	shalt  }
0x80: {  	_ =	shalt  }
0x81: {  	_ =	shalt  }
0x82: {  	_ =	shalt  }
0x83: {  	_ =	shalt  }
0x84: {  	_ =	shalt  }
0x85: {  	_ =	shalt  }
0x86: {  	_ =	shalt  }
0x87: {  	_ =	shalt  }
.Lfunc_end0:
.L_simem_size_0:
called_computation.2_lowered:
.L_overlay_start_0:
0x88: {  	s2 =	sld [smem:$0x3FD9]  }
0x89: {  	s3 =	sld [smem:$0x3FFE];
	_ =	sdelay $0x1  }
0x8a: {  	s1 =	srdreg.scid  }
0x8b: {  	s0 =	sand.u32 $0x1, s1  }
0x8c: {  	s17 =	sshll.u32 s0, $0xA;
	s2 =	sadd.s32 s3, s2  }
0x8d: {  	s2 =	sadd.s32 s2, s17  }
0x8e: {  	[smem:$0x3FB5] =	sst s2  }
0x8f: {  	_ = 	snop  }
0x90: {  	s18 =	sld [smem:$0x3FD0];
	(tm) =	ssettm $0x1  }
0x91: {  	s19 =	sld [smem:$0x3FFB];
	_ =	sdelay $0x3  }
0x92: {  	_ =	strace s19  }
0x93: {  	s2 =	sld [smem:$0x3FFC];
	_ =	sdelay $0x3  }
0x94: {  	_ =	strace s2  }
0x95: {  	s2 =	sld [smem:$0x3FFD];
	_ =	sdelay $0x3  }
0x96: {  	_ =	strace s2  }
0x97: {  	_ =	strace $0x8FFFFFFF  }
0x98: {  	s20 =	sld [smem:$0x3FDB];
	_ =	sdelay $0x1  }
0x99: {  	s4 =	simm.s32 $_scs_section_size  }
0x9a: {  	s5 =	simm.s32 $_size__tile_overlayer_lowered;
	s6 =	simm.s32 $_tile_overlayer_lowered  }
0x9b: {  	s7 =	simm.s32 $0x1BFF;
	s21 =	sshll.u32 s6, $0x1;
	s4 =	sadd.s32 s4, s20  }
0x9c: {  	s22 =	simm.s32 $0x0;
	s5 =	sshll.u32 s5, $0x1;
	s6 =	sadd.s32 s21, s4  }
0x9d: {  	[timem:s22], [sflag:s7] =	dma.local [hbm:s6], s5  }
0x9e: {  	_ =	swait.ge [sflag:s7], s5  }
0x9f: {  	s5 =	ssub.s32 $0x0, s5;
	[sflag:s7] =	ssyncset.done $0x0  }
0xa0: {  	[sflag:s7] =	ssyncadd.s32 s5;
	_ =	sdelay $0x1  }
0xa1: {  	s23 =	simm.s32 $0x1B8B  }
0xa2: {  	_ =	swait.ge [sflag:s23], $0x1  }
0xa3: {  	[sflag:s23] =	ssyncset.done $0x0  }
0xa4: {  	[sflag:s23] =	ssyncadd.s32 $0xFFFFFFFF  }
0xa5: {  	s5 =	sld [smem:$0x0]  }
0xa6: {  	s6 =	sand.u32 $0xFFFFFFFE, s1  }
0xa7: {  	p0 =	sne.s32 s1, s6  }
0xa8: {  	s6 =	sshll.u32 @p0 s6, $0xE  }
0xa9: {  	s6 =	sadd.s32 @p0 $0x11B8D, s6;
	s7 =	sshll.u32 @p0 s5, $0x11  }
0xaa: {  	s6 =	sor.u32 @p0 s7, s6  }
0xab: {  	[sflag:s6] =	ssyncadd.remote.s32 @p0 $0x1;
	_ =	sdelay $0x1  }
0xac: {  	s6 =	simm.s32 @p0 $0x1B8D  }
0xad: {  	_ =	swait.eq @p0 [sflag:s6], $0x1  }
0xae: {  	[sflag:s6] =	ssyncadd.s32 @p0 $0xFFFFFFFF  }
0xaf: {  	s7 =	sshll.u32 @!p0 s1, $0xE  }
0xb0: {  	s7 =	sor.u32 @!p0 $0x4000, s7;
	s6 =	simm.s32 @!p0 $0x1B8D  }
0xb1: {  	s5 =	sshll.u32 @!p0 s5, $0x11;
	s7 =	sadd.s32 @!p0 $0x11B8D, s7;
	_ =	swait.eq @!p0 [sflag:s6], $0x1  }
0xb2: {  	s5 =	sor.u32 @!p0 s5, s7;
	[sflag:s6] =	ssyncadd.s32 @!p0 $0xFFFFFFFF  }
0xb3: {  	s25 =	simm.s32 $0x1B8E;
	s24 =	sld [smem:$0x3FFE];
	[sflag:s5] =	ssyncadd.remote.s32 @!p0 $0x1  }
0xb4: {  	s26 =	simm.s32 $execute0_lowered;
	[smem:$0x3FD2] =	sst s25  }
0xb5: {  	s6 =	sshll.u32 s26, $0x1;
	_ =	strace $0x80000049;
	[dreg:$0x1] =	wrdreg $0xFFFFFFFF  }
0xb6: {  	s28 =	simm.s32 $_size_execute0_lowered;
	s4 =	sadd.s32 s4, s6;
	[dreg:$0x0] =	wrdreg $0x0  }
0xb7: {  	s6 =	sshll.u32 s28, $0x1;
	[dreg:$0x2] =	wrdreg s4  }
0xb8: {  	[dreg:$0x3] =	wrdreg s6  }
0xb9: {  	[dreg:$0x4] =	wrdreg $0xC0  }
0xba: {  	_ =	task [dreg:s22], $0x5FFFF  }
0xbb: {  	[dreg:$0x1] =	wrdreg $0xFFFFFFFF  }
0xbc: {  	[dreg:$0x0] =	wrdreg $0x60  }
0xbd: {  	[dreg:$0x2] =	wrdreg s24  }
0xbe: {  	[dreg:$0x3] =	wrdreg s18  }
0xbf: {  	[dreg:$0x4] =	wrdreg $0xB  }
0xc0: {  	_ =	task.clear_ibuf [dreg:s22], $0x5FFFF;
	_ =	strace $0x90000049  }
0xc1: {  	s29 =	simm.s32 $0xB;
	_ =	strace $0x8000004B  }
0xc2: {  	_ =	swait.ge [sflag:s29], $0x1  }
0xc3: {  	[sflag:s29] =	ssyncadd.s32 $0xFFFFFFFF  }
0xc4: {  	_ =	strace $0x9000004B  }
0xc5: {  	_ =	sfence  }
0xc6: {  	s30 =	sld [smem:$0x0];
	_ =	sdelay $0x2  }
0xc7: {  	s31 =	sshll.u32 s1, $0xD;
	s1 =	sshrl.u32 s1, $0x2  }
0xc8: {  	s4 =	sand.u32 $0x4000, s31;
	s1 =	sadd.s32 s1, s30  }
0xc9: {  	s0 =	sor.u32 s4, s0;
	s1 =	sshll.u32 s1, $0x11  }
0xca: {  	s0 =	sor.u32 s1, s0  }
0xcb: {  	s0 =	sadd.s32 $0x8F2B, s0  }
0xcc: {  	[sflag:s0] =	ssyncadd.remote.s32 $0x1  }
0xcd: {  	_ =	sfence.sel $0xFFFF  }
0xce: {  	[dreg:$0x0] =	wrdreg $0xFFFFFFFF;
	(pc) =	sbr.abs _section_cstart, $3  }
0xcf: {  	[dreg:$0x1] =	wrdreg $0xFFFFFFFF  }
0xd0: {  	_ =	task.clear_ibuf [dreg:s22], $0x2FFFF;
	_ =	strace $0x9FFFFFFF  }
0xd1: {  	(tm) =	ssettm $0x7FFFFFFF  }
tec
execute0_lowered:
.L_overlay_start_1:
0x0: {  	(tag) =	ssettag $0x1  }
0x1: {  	s0 =	rddreg [dreg:$0x0]  }
0x2: {  	s2 =	rddreg [dreg:$0x1];
	s1 =	srdreg.scid  }
0x3: {  	s3 =	simm.s32 $0x0;
	s6 =	stileid.u32;
	s8 =	simm.s32 $0x400  }
0x4: {  	s20 =	simm.s32 $0x6400;
	s21 =	simm.s32 $0x6C00;
	s22 =	simm.s32 $0x7400  }
0x5: {  	s28 =	simm.s32 $0x9C00;
	s29 =	simm.s32 $0xA400;
	s30 =	simm.s32 $0xAC00  }
0x6: {  	s31 =	simm.s32 $0xB400;
	s9 =	simm.s32 $0xDC00;
	s10 =	simm.s32 $0xE400  }
0x7: {  	s11 =	simm.s32 $0xEC00;
	s12 =	simm.s32 $0xF400;
	s13 =	simm.s32 $0xFC00  }
0x8: {  	s14 =	simm.s32 $0x1;
	s15 =	simm.s32 $0x2;
	s17 =	simm.s32 $0x0  }
0x9: {  	s1 =	sand.u32 $0x1, s1;
	[smem:$0x7FF] =	sst s3;
	s4 =	sshll.u32 s6, $0xB  }
0xa: {  	s23 =	sshll.u32 s6, $0x10;
	s5 =	sshll.u32 s1, $0xA;
	_ =	strace $0x8000004A  }
0xb: {  	s24 =	ssub.s32 $0x2, s1;
	s1 =	sshll.u32 s1, $0xF;
	s4 =	sor.u32 s5, s4  }
0xc: {  	s5 =	sadd.s32 s23, s0;
	s7 =	sshrl.u32 s24, $0x1;
	s23 =	simm.s32 $0x7C00  }
0xd: {  	s4 =	sshrl.u32 s4, $0x3;
	s25 =	ssub.s32 s24, s7;
	s1 =	sadd.s32 s1, s5  }
.Ltmp0:
0xe: {  	s7 =	simm.s32 $0x3;
	s24 =	simm.s32 $0x8400;
	(pc) =	sbr.rel .LBB2_1-.Ltmp0, $4  }
0xf: {  	s5 =	simm.s32 $0xD400;
	s0 =	sadd.s32 s4, s0;
	s26 =	smax.u32 s25, $0x1  }
0x10: {  	v2 =	vlaneseq.u32;
	s6 =	sadd.s32 $0x107000, s1;
	s25 =	simm.s32 $0x8C00;
	s1 =	simm.s32 $0xC400  }
0x11: {  	vm0 =	vmmov $0xffff;
	v1 =	vshrl.u32 v2, $0x3;
	s4 =	simm.s32 $0xCC00;
	s0 =	sadd.s32 $0x5000, s0;
	[dreg:$0x4] =	wrdreg s26  }
0x12: {  	v0 =	vand.u32 $0x7, v2;
	v2 =	vor.u32 $0x8, v2;
	v1 =	vmul.u32 $0x8, v1;
	s26 =	simm.s32 $0x9400;
	[dreg:$0x3] =	wrdreg s0;
	s0 =	simm.s32 $0xBC00  }
.LBB2_5:
0x13: {  	s17 =	rddreg [dreg:$0x5]  }
0x14: {  	s16 =	rddreg [dreg:$0x4];
	s17 =	sadd.s32 $0x1, s17  }
0x15: {  	p0 =	sne.s32 s17, s16  }
.Ltmp1:
0x16: {  	_ = 	snop;
	(pc) =	sbr.rel @!p0 .LBB2_6-.Ltmp1, $1  }
0x17: {  	_ =	sdelay $0x3  }
.LBB2_1:
0x18: {  	[dreg:$0x5] =	wrdreg s17  }
0x19: {  	s16 =	rddreg [dreg:$0x3]  }
0x1a: {  	[tilespmem:s3], [sflag:$0x3] =	stream.linear.gather [hbm4b:s16+s3], $0x400, $0x38;
	[tilespmem:$0x10400] =	vst v63  }
0x1b: {  	_ =	swait.ge [sflag:s7], $0x400  }
0x1c: {  	[sflag:s7] =	ssyncset.done $0x0  }
0x1d: {  	[sflag:s7] =	ssyncadd.s32 $0xFFFFFC00  }
0x1e: {  	v3 =	vld [tilespmem:$0x0];
	_ =	sdelay $0x4  }
0x1f: {  	v4 =	vshll.u32 v3, $0x1  }
0x20: {  	v3 =	vand.u32 $0x7, v3;
	v4 =	vand.u32 $0xFFFFFFF0, v4  }
0x21: {  	v3 =	vor.u32 v3, v4  }
0x22: {  	v4 =	vperm.xlane v3, v0;
	_ =	sdelay $0x1  }
0x23: {  	v3 =	vperm.xlane v3, v2;
	v4 =	vadd.s32 v1, v4;
	_ =	sdelay $0x1  }
0x24: {  	v3 =	vadd.s32 v1, v3;
	_ =	sdelay $0x2  }
0x25: {  	[tilespmem:s8], [sflag:$0x1] =	stream.indirect_vreg.gather [hbm4b:s2+s3], $0x80, v4, vm0, $0xb8;
	[tilespmem:$0x10400] =	vst v63  }
0x26: {  	s18 =	simm.s32 $0xC00  }
0x27: {  	[tilespmem:s18], [sflag:$0x1] =	stream.indirect_vreg.gather [hbm4b:s2+s3], $0x80, v3, vm0, $0xb8;
	[tilespmem:$0x10400] =	vst v63  }
0x28: {  	v3 =	vld [tilespmem:$0x10];
	_ =	sdelay $0x4  }
0x29: {  	v57 =	vshll.u32 v3, $0x1  }
0x2a: {  	v3 =	vand.u32 $0x7, v3;
	v4 =	vand.u32 $0xFFFFFFF0, v57  }
0x2b: {  	v3 =	vor.u32 v3, v4  }
0x2c: {  	v4 =	vperm.xlane v3, v0;
	_ =	sdelay $0x1  }
0x2d: {  	v3 =	vperm.xlane v3, v2;
	v4 =	vadd.s32 v1, v4;
	_ =	sdelay $0x1  }
0x2e: {  	v3 =	vadd.s32 v1, v3;
	_ =	sdelay $0x1  }
0x2f: {  	s19 =	simm.s32 $0x1400  }
0x30: {  	[tilespmem:s19], [sflag:$0x1] =	stream.indirect_vreg.gather [hbm4b:s2+s3], $0x80, v4, vm0, $0xb8;
	[tilespmem:$0x10400] =	vst v63  }
0x31: {  	s17 =	simm.s32 $0x1C00  }
0x32: {  	[tilespmem:s17], [sflag:$0x1] =	stream.indirect_vreg.gather [hbm4b:s2+s3], $0x80, v3, vm0, $0xb8;
	[tilespmem:$0x10400] =	vst v63  }
0x33: {  	v3 =	vld [tilespmem:$0x20];
	_ =	sdelay $0x4  }
0x34: {  	v58 =	vshll.u32 v3, $0x1  }
0x35: {  	v3 =	vand.u32 $0x7, v3;
	v4 =	vand.u32 $0xFFFFFFF0, v58  }
0x36: {  	v3 =	vor.u32 v3, v4  }
0x37: {  	v4 =	vperm.xlane v3, v0;
	_ =	sdelay $0x1  }
0x38: {  	v3 =	vperm.xlane v3, v2;
	v4 =	vadd.s32 v1, v4;
	_ =	sdelay $0x1  }
0x39: {  	v3 =	vadd.s32 v1, v3;
	_ =	sdelay $0x1  }
0x3a: {  	s18 =	simm.s32 $0x2400  }
0x3b: {  	[tilespmem:s18], [sflag:$0x1] =	stream.indirect_vreg.gather [hbm4b:s2+s3], $0x80, v4, vm0, $0xb8;
	[tilespmem:$0x10400] =	vst v63  }
0x3c: {  	s19 =	simm.s32 $0x2C00  }
0x3d: {  	[tilespmem:s19], [sflag:$0x1] =	stream.indirect_vreg.gather [hbm4b:s2+s3], $0x80, v3, vm0, $0xb8;
	[tilespmem:$0x10400] =	vst v63  }
0x3e: {  	v3 =	vld [tilespmem:$0x30];
	_ =	sdelay $0x4  }
0x3f: {  	v59 =	vshll.u32 v3, $0x1  }
0x40: {  	v3 =	vand.u32 $0x7, v3;
	v4 =	vand.u32 $0xFFFFFFF0, v59  }
0x41: {  	v3 =	vor.u32 v3, v4  }
0x42: {  	v4 =	vperm.xlane v3, v0;
	_ =	sdelay $0x1  }
0x43: {  	v3 =	vperm.xlane v3, v2;
	v4 =	vadd.s32 v1, v4;
	_ =	sdelay $0x1  }
0x44: {  	v3 =	vadd.s32 v1, v3;
	_ =	sdelay $0x1  }
0x45: {  	s17 =	simm.s32 $0x3400  }
0x46: {  	[tilespmem:s17], [sflag:$0x1] =	stream.indirect_vreg.gather [hbm4b:s2+s3], $0x80, v4, vm0, $0xb8;
	[tilespmem:$0x10400] =	vst v63  }
0x47: {  	s18 =	simm.s32 $0x3C00  }
0x48: {  	[tilespmem:s18], [sflag:$0x1] =	stream.indirect_vreg.gather [hbm4b:s2+s3], $0x80, v3, vm0, $0xb8;
	[tilespmem:$0x10400] =	vst v63  }
0x49: {  	v3 =	vld [tilespmem:$0x40];
	_ =	sdelay $0x4  }
0x4a: {  	v60 =	vshll.u32 v3, $0x1  }
0x4b: {  	v3 =	vand.u32 $0x7, v3;
	v4 =	vand.u32 $0xFFFFFFF0, v60  }
0x4c: {  	v3 =	vor.u32 v3, v4  }
0x4d: {  	v4 =	vperm.xlane v3, v0;
	_ =	sdelay $0x1  }
0x4e: {  	v3 =	vperm.xlane v3, v2;
	v4 =	vadd.s32 v1, v4;
	_ =	sdelay $0x1  }
0x4f: {  	v3 =	vadd.s32 v1, v3;
	_ =	sdelay $0x1  }
0x50: {  	s19 =	simm.s32 $0x4400  }
0x51: {  	[tilespmem:s19], [sflag:$0x1] =	stream.indirect_vreg.gather [hbm4b:s2+s3], $0x80, v4, vm0, $0xb8;
	[tilespmem:$0x10400] =	vst v63  }
0x52: {  	s17 =	simm.s32 $0x4C00  }
0x53: {  	[tilespmem:s17], [sflag:$0x1] =	stream.indirect_vreg.gather [hbm4b:s2+s3], $0x80, v3, vm0, $0xb8;
	[tilespmem:$0x10400] =	vst v63  }
0x54: {  	v3 =	vld [tilespmem:$0x50];
	_ =	sdelay $0x4  }
0x55: {  	v61 =	vshll.u32 v3, $0x1  }
0x56: {  	v3 =	vand.u32 $0x7, v3;
	v4 =	vand.u32 $0xFFFFFFF0, v61  }
0x57: {  	v3 =	vor.u32 v3, v4  }
0x58: {  	v4 =	vperm.xlane v3, v0;
	_ =	sdelay $0x1  }
0x59: {  	v3 =	vperm.xlane v3, v2;
	v4 =	vadd.s32 v1, v4;
	_ =	sdelay $0x1  }
0x5a: {  	v3 =	vadd.s32 v1, v3;
	_ =	sdelay $0x1  }
0x5b: {  	s18 =	simm.s32 $0x5400  }
0x5c: {  	[tilespmem:s18], [sflag:$0x1] =	stream.indirect_vreg.gather [hbm4b:s2+s3], $0x80, v4, vm0, $0xb8;
	[tilespmem:$0x10400] =	vst v63  }
0x5d: {  	s19 =	simm.s32 $0x5C00  }
0x5e: {  	[tilespmem:s19], [sflag:$0x1] =	stream.indirect_vreg.gather [hbm4b:s2+s3], $0x80, v3, vm0, $0xb8;
	[tilespmem:$0x10400] =	vst v63  }
0x5f: {  	v3 =	vld [tilespmem:$0x60];
	_ =	sdelay $0x4  }
0x60: {  	v62 =	vshll.u32 v3, $0x1  }
0x61: {  	v3 =	vand.u32 $0x7, v3;
	v4 =	vand.u32 $0xFFFFFFF0, v62  }
0x62: {  	v3 =	vor.u32 v3, v4  }
0x63: {  	v4 =	vperm.xlane v3, v0;
	_ =	sdelay $0x1  }
0x64: {  	v3 =	vperm.xlane v3, v2;
	v4 =	vadd.s32 v1, v4;
	_ =	sdelay $0x1  }
0x65: {  	v3 =	vadd.s32 v1, v3;
	_ =	sdelay $0x2  }
0x66: {  	[tilespmem:s20], [sflag:$0x1] =	stream.indirect_vreg.gather [hbm4b:s2+s3], $0x80, v4, vm0, $0xb8;
	[tilespmem:$0x10400] =	vst v63  }
0x67: {  	_ = 	snop  }
0x68: {  	[tilespmem:s21], [sflag:$0x1] =	stream.indirect_vreg.gather [hbm4b:s2+s3], $0x80, v3, vm0, $0xb8;
	[tilespmem:$0x10400] =	vst v63  }
0x69: {  	v3 =	vld [tilespmem:$0x70];
	_ =	sdelay $0x4  }
0x6a: {  	v63 =	vshll.u32 v3, $0x1  }
0x6b: {  	v3 =	vand.u32 $0x7, v3;
	v4 =	vand.u32 $0xFFFFFFF0, v63  }
0x6c: {  	v3 =	vor.u32 v3, v4  }
0x6d: {  	v4 =	vperm.xlane v3, v0;
	_ =	sdelay $0x1  }
0x6e: {  	v3 =	vperm.xlane v3, v2;
	v4 =	vadd.s32 v1, v4;
	_ =	sdelay $0x1  }
0x6f: {  	v3 =	vadd.s32 v1, v3  }
.Ltmp2:
0x70: {  	_ = 	snop;
	(pc) =	sbr.rel .LBB2_2-.Ltmp2, $4  }
0x71: {  	_ = 	snop  }
0x72: {  	[tilespmem:s22], [sflag:$0x1] =	stream.indirect_vreg.gather [hbm4b:s2+s3], $0x80, v4, vm0, $0xb8;
	[tilespmem:$0x10400] =	vst v63  }
0x73: {  	s16 =	simm.s32 $0xC0;
	s17 =	simm.s32 $0x0  }
0x74: {  	[tilespmem:s23], [sflag:$0x1] =	stream.indirect_vreg.gather [hbm4b:s2+s3], $0x80, v3, vm0, $0xb8;
	[tilespmem:$0x10400] =	vst v63  }
.LBB2_4:
0x75: {  	_ =	swait.ge [sflag:s15], $0x8000;
	s17 =	sadd.s32 $0x2000, s17  }
0x76: {  	[sflag:s15] =	ssyncset.done $0x0;
	p0 =	sne.s32 s17, $0x8000  }
.Ltmp3:
0x77: {  	s18 =	sadd.s32 $0x1000, s18;
	[sflag:s15] =	ssyncadd.s32 $0xFFFF8000;
	(pc) =	sbr.rel @!p0 .LBB2_5-.Ltmp3, $4  }
0x78: {  	[hbm4b:s18+s3] =	stream.linear.scatter [tilespmem:s24], [sflag:$0x3], $0x8000, $0x38;
	[tilespmem:$0x10400] =	vst v63  }
0x79: {  	_ =	swait.ge [sflag:s7], $0x8000  }
0x7a: {  	[sflag:s7] =	ssyncset.done $0x0  }
0x7b: {  	s16 =	sadd.s32 $0x100, s16;
	[sflag:s7] =	ssyncadd.s32 $0xFFFF8000  }
.LBB2_2:
0x7c: {  	v3 =	vld [tilespmem:s16+$0xFFFFFFC0];
	_ =	sdelay $0x4  }
0x7d: {  	v4 =	vshll.u32 v3, $0x1  }
0x7e: {  	v3 =	vand.u32 $0x7, v3;
	v4 =	vand.u32 $0xFFFFFFF0, v4  }
0x7f: {  	v3 =	vor.u32 v3, v4  }
0x80: {  	v4 =	vperm.xlane v3, v0;
	_ =	sdelay $0x1  }
0x81: {  	v3 =	vperm.xlane v3, v2;
	v4 =	vadd.s32 v1, v4;
	_ =	sdelay $0x1  }
0x82: {  	v3 =	vadd.s32 v1, v3;
	_ =	sdelay $0x2  }
0x83: {  	[tilespmem:s24], [sflag:$0x2] =	stream.indirect_vreg.gather [hbm4b:s2+s3], $0x80, v4, vm0, $0xb8;
	[tilespmem:$0x10400] =	vst v63  }
0x84: {  	_ = 	snop  }
0x85: {  	[tilespmem:s25], [sflag:$0x2] =	stream.indirect_vreg.gather [hbm4b:s2+s3], $0x80, v3, vm0, $0xb8;
	[tilespmem:$0x10400] =	vst v63  }
0x86: {  	v3 =	vld [tilespmem:s16+$0xFFFFFFD0];
	_ =	sdelay $0x4  }
0x87: {  	v57 =	vshll.u32 v3, $0x1  }
0x88: {  	v3 =	vand.u32 $0x7, v3;
	v4 =	vand.u32 $0xFFFFFFF0, v57  }
0x89: {  	v3 =	vor.u32 v3, v4  }
0x8a: {  	v4 =	vperm.xlane v3, v0;
	_ =	sdelay $0x1  }
0x8b: {  	v3 =	vperm.xlane v3, v2;
	v4 =	vadd.s32 v1, v4;
	_ =	sdelay $0x1  }
0x8c: {  	v3 =	vadd.s32 v1, v3;
	_ =	sdelay $0x2  }
0x8d: {  	[tilespmem:s26], [sflag:$0x2] =	stream.indirect_vreg.gather [hbm4b:s2+s3], $0x80, v4, vm0, $0xb8;
	[tilespmem:$0x10400] =	vst v63  }
0x8e: {  	_ = 	snop  }
0x8f: {  	[tilespmem:s28], [sflag:$0x2] =	stream.indirect_vreg.gather [hbm4b:s2+s3], $0x80, v3, vm0, $0xb8;
	[tilespmem:$0x10400] =	vst v63  }
0x90: {  	v3 =	vld [tilespmem:s16+$0xFFFFFFE0];
	_ =	sdelay $0x4  }
0x91: {  	v58 =	vshll.u32 v3, $0x1  }
0x92: {  	v3 =	vand.u32 $0x7, v3;
	v4 =	vand.u32 $0xFFFFFFF0, v58  }
0x93: {  	v3 =	vor.u32 v3, v4  }
0x94: {  	v4 =	vperm.xlane v3, v0;
	_ =	sdelay $0x1  }
0x95: {  	v3 =	vperm.xlane v3, v2;
	v4 =	vadd.s32 v1, v4;
	_ =	sdelay $0x1  }
0x96: {  	v3 =	vadd.s32 v1, v3;
	_ =	sdelay $0x2  }
0x97: {  	[tilespmem:s29], [sflag:$0x2] =	stream.indirect_vreg.gather [hbm4b:s2+s3], $0x80, v4, vm0, $0xb8;
	[tilespmem:$0x10400] =	vst v63  }
0x98: {  	_ = 	snop  }
0x99: {  	[tilespmem:s30], [sflag:$0x2] =	stream.indirect_vreg.gather [hbm4b:s2+s3], $0x80, v3, vm0, $0xb8;
	[tilespmem:$0x10400] =	vst v63  }
0x9a: {  	v3 =	vld [tilespmem:s16+$0xFFFFFFF0];
	_ =	sdelay $0x4  }
0x9b: {  	v59 =	vshll.u32 v3, $0x1  }
0x9c: {  	v3 =	vand.u32 $0x7, v3;
	v4 =	vand.u32 $0xFFFFFFF0, v59  }
0x9d: {  	v3 =	vor.u32 v3, v4  }
0x9e: {  	v4 =	vperm.xlane v3, v0;
	_ =	sdelay $0x1  }
0x9f: {  	v3 =	vperm.xlane v3, v2;
	v4 =	vadd.s32 v1, v4;
	_ =	sdelay $0x1  }
0xa0: {  	v3 =	vadd.s32 v1, v3;
	_ =	sdelay $0x2  }
0xa1: {  	[tilespmem:s31], [sflag:$0x2] =	stream.indirect_vreg.gather [hbm4b:s2+s3], $0x80, v4, vm0, $0xb8;
	[tilespmem:$0x10400] =	vst v63  }
0xa2: {  	_ = 	snop  }
0xa3: {  	[tilespmem:s0], [sflag:$0x2] =	stream.indirect_vreg.gather [hbm4b:s2+s3], $0x80, v3, vm0, $0xb8;
	[tilespmem:$0x10400] =	vst v63  }
0xa4: {  	v3 =	vld [tilespmem:s16+$0x0];
	_ =	sdelay $0x4  }
0xa5: {  	v60 =	vshll.u32 v3, $0x1  }
0xa6: {  	v3 =	vand.u32 $0x7, v3;
	v4 =	vand.u32 $0xFFFFFFF0, v60  }
0xa7: {  	v3 =	vor.u32 v3, v4  }
0xa8: {  	v4 =	vperm.xlane v3, v0;
	_ =	sdelay $0x1  }
0xa9: {  	v3 =	vperm.xlane v3, v2;
	v4 =	vadd.s32 v1, v4;
	_ =	sdelay $0x1  }
0xaa: {  	v3 =	vadd.s32 v1, v3;
	_ =	sdelay $0x2  }
0xab: {  	[tilespmem:s1], [sflag:$0x2] =	stream.indirect_vreg.gather [hbm4b:s2+s3], $0x80, v4, vm0, $0xb8;
	[tilespmem:$0x10400] =	vst v63  }
0xac: {  	_ = 	snop  }
0xad: {  	[tilespmem:s4], [sflag:$0x2] =	stream.indirect_vreg.gather [hbm4b:s2+s3], $0x80, v3, vm0, $0xb8;
	[tilespmem:$0x10400] =	vst v63  }
0xae: {  	v3 =	vld [tilespmem:s16+$0x10];
	_ =	sdelay $0x4  }
0xaf: {  	v61 =	vshll.u32 v3, $0x1  }
0xb0: {  	v3 =	vand.u32 $0x7, v3;
	v4 =	vand.u32 $0xFFFFFFF0, v61  }
0xb1: {  	v3 =	vor.u32 v3, v4  }
0xb2: {  	v4 =	vperm.xlane v3, v0;
	_ =	sdelay $0x1  }
0xb3: {  	v3 =	vperm.xlane v3, v2;
	v4 =	vadd.s32 v1, v4;
	_ =	sdelay $0x1  }
0xb4: {  	v3 =	vadd.s32 v1, v3;
	_ =	sdelay $0x2  }
0xb5: {  	[tilespmem:s5], [sflag:$0x2] =	stream.indirect_vreg.gather [hbm4b:s2+s3], $0x80, v4, vm0, $0xb8;
	[tilespmem:$0x10400] =	vst v63  }
0xb6: {  	_ = 	snop  }
0xb7: {  	[tilespmem:s9], [sflag:$0x2] =	stream.indirect_vreg.gather [hbm4b:s2+s3], $0x80, v3, vm0, $0xb8;
	[tilespmem:$0x10400] =	vst v63  }
0xb8: {  	v3 =	vld [tilespmem:s16+$0x20];
	_ =	sdelay $0x4  }
0xb9: {  	v62 =	vshll.u32 v3, $0x1  }
0xba: {  	v3 =	vand.u32 $0x7, v3;
	v4 =	vand.u32 $0xFFFFFFF0, v62  }
0xbb: {  	v3 =	vor.u32 v3, v4  }
0xbc: {  	v4 =	vperm.xlane v3, v0;
	_ =	sdelay $0x1  }
0xbd: {  	v3 =	vperm.xlane v3, v2;
	v4 =	vadd.s32 v1, v4;
	_ =	sdelay $0x1  }
0xbe: {  	v3 =	vadd.s32 v1, v3;
	_ =	sdelay $0x2  }
0xbf: {  	[tilespmem:s10], [sflag:$0x2] =	stream.indirect_vreg.gather [hbm4b:s2+s3], $0x80, v4, vm0, $0xb8;
	[tilespmem:$0x10400] =	vst v63  }
0xc0: {  	_ = 	snop  }
0xc1: {  	[tilespmem:s11], [sflag:$0x2] =	stream.indirect_vreg.gather [hbm4b:s2+s3], $0x80, v3, vm0, $0xb8;
	[tilespmem:$0x10400] =	vst v63  }
0xc2: {  	v3 =	vld [tilespmem:s16+$0x30];
	_ =	sdelay $0x4  }
0xc3: {  	v63 =	vshll.u32 v3, $0x1  }
0xc4: {  	v3 =	vand.u32 $0x7, v3;
	v4 =	vand.u32 $0xFFFFFFF0, v63  }
0xc5: {  	v3 =	vor.u32 v3, v4  }
0xc6: {  	v4 =	vperm.xlane v3, v0;
	_ =	sdelay $0x1  }
0xc7: {  	v3 =	vperm.xlane v3, v2;
	v4 =	vadd.s32 v1, v4;
	_ =	sdelay $0x1  }
0xc8: {  	v3 =	vadd.s32 v1, v3;
	_ =	sdelay $0x2  }
0xc9: {  	[tilespmem:s12], [sflag:$0x2] =	stream.indirect_vreg.gather [hbm4b:s2+s3], $0x80, v4, vm0, $0xb8;
	[tilespmem:$0x10400] =	vst v63  }
0xca: {  	_ = 	snop  }
0xcb: {  	[tilespmem:s13], [sflag:$0x2] =	stream.indirect_vreg.gather [hbm4b:s2+s3], $0x80, v3, vm0, $0xb8;
	[tilespmem:$0x10400] =	vst v63  }
0xcc: {  	_ =	swait.ge [sflag:s14], $0x8000  }
0xcd: {  	p0 =	seq.s32 s17, $0x6000;
	[sflag:s14] =	ssyncset.done $0x0  }
.Ltmp4:
0xce: {  	s18 =	sadd.s32 s17, s6;
	[sflag:s14] =	ssyncadd.s32 $0xFFFF8000;
	(pc) =	sbr.rel @p0 .LBB2_4-.Ltmp4, $4  }
0xcf: {  	[hbm4b:s18+s3] =	stream.linear.scatter [tilespmem:s8], [sflag:$0x3], $0x8000, $0x38;
	[tilespmem:$0x10400] =	vst v63  }
0xd0: {  	_ =	swait.ge [sflag:s7], $0x8000  }
0xd1: {  	[sflag:s7] =	ssyncset.done $0x0  }
0xd2: {  	[sflag:s7] =	ssyncadd.s32 $0xFFFF8000  }
0xd3: {  	v3 =	vld [tilespmem:s16+$0x40];
	_ =	sdelay $0x4  }
0xd4: {  	v4 =	vshll.u32 v3, $0x1  }
0xd5: {  	v3 =	vand.u32 $0x7, v3;
	v4 =	vand.u32 $0xFFFFFFF0, v4  }
0xd6: {  	v3 =	vor.u32 v3, v4  }
0xd7: {  	v4 =	vperm.xlane v3, v0;
	_ =	sdelay $0x1  }
0xd8: {  	v3 =	vperm.xlane v3, v2;
	v4 =	vadd.s32 v1, v4;
	_ =	sdelay $0x1  }
0xd9: {  	v3 =	vadd.s32 v1, v3;
	_ =	sdelay $0x2  }
0xda: {  	[tilespmem:s8], [sflag:$0x1] =	stream.indirect_vreg.gather [hbm4b:s2+s3], $0x80, v4, vm0, $0xb8;
	[tilespmem:$0x10400] =	vst v63  }
0xdb: {  	s19 =	simm.s32 $0xC00  }
0xdc: {  	[tilespmem:s19], [sflag:$0x1] =	stream.indirect_vreg.gather [hbm4b:s2+s3], $0x80, v3, vm0, $0xb8;
	[tilespmem:$0x10400] =	vst v63  }
0xdd: {  	v3 =	vld [tilespmem:s16+$0x50];
	_ =	sdelay $0x4  }
0xde: {  	v57 =	vshll.u32 v3, $0x1  }
0xdf: {  	v3 =	vand.u32 $0x7, v3;
	v4 =	vand.u32 $0xFFFFFFF0, v57  }
0xe0: {  	v3 =	vor.u32 v3, v4  }
0xe1: {  	v4 =	vperm.xlane v3, v0;
	_ =	sdelay $0x1  }
0xe2: {  	v3 =	vperm.xlane v3, v2;
	v4 =	vadd.s32 v1, v4;
	_ =	sdelay $0x1  }
0xe3: {  	v3 =	vadd.s32 v1, v3;
	_ =	sdelay $0x1  }
0xe4: {  	s19 =	simm.s32 $0x1400  }
0xe5: {  	[tilespmem:s19], [sflag:$0x1] =	stream.indirect_vreg.gather [hbm4b:s2+s3], $0x80, v4, vm0, $0xb8;
	[tilespmem:$0x10400] =	vst v63  }
0xe6: {  	s19 =	simm.s32 $0x1C00  }
0xe7: {  	[tilespmem:s19], [sflag:$0x1] =	stream.indirect_vreg.gather [hbm4b:s2+s3], $0x80, v3, vm0, $0xb8;
	[tilespmem:$0x10400] =	vst v63  }
0xe8: {  	v3 =	vld [tilespmem:s16+$0x60];
	_ =	sdelay $0x4  }
0xe9: {  	v58 =	vshll.u32 v3, $0x1  }
0xea: {  	v3 =	vand.u32 $0x7, v3;
	v4 =	vand.u32 $0xFFFFFFF0, v58  }
0xeb: {  	v3 =	vor.u32 v3, v4  }
0xec: {  	v4 =	vperm.xlane v3, v0;
	_ =	sdelay $0x1  }
0xed: {  	v3 =	vperm.xlane v3, v2;
	v4 =	vadd.s32 v1, v4;
	_ =	sdelay $0x1  }
0xee: {  	v3 =	vadd.s32 v1, v3;
	_ =	sdelay $0x1  }
0xef: {  	s19 =	simm.s32 $0x2400  }
0xf0: {  	[tilespmem:s19], [sflag:$0x1] =	stream.indirect_vreg.gather [hbm4b:s2+s3], $0x80, v4, vm0, $0xb8;
	[tilespmem:$0x10400] =	vst v63  }
0xf1: {  	s19 =	simm.s32 $0x2C00  }
0xf2: {  	[tilespmem:s19], [sflag:$0x1] =	stream.indirect_vreg.gather [hbm4b:s2+s3], $0x80, v3, vm0, $0xb8;
	[tilespmem:$0x10400] =	vst v63  }
0xf3: {  	v3 =	vld [tilespmem:s16+$0x70];
	_ =	sdelay $0x4  }
0xf4: {  	v59 =	vshll.u32 v3, $0x1  }
0xf5: {  	v3 =	vand.u32 $0x7, v3;
	v4 =	vand.u32 $0xFFFFFFF0, v59  }
0xf6: {  	v3 =	vor.u32 v3, v4  }
0xf7: {  	v4 =	vperm.xlane v3, v0;
	_ =	sdelay $0x1  }
0xf8: {  	v3 =	vperm.xlane v3, v2;
	v4 =	vadd.s32 v1, v4;
	_ =	sdelay $0x1  }
0xf9: {  	v3 =	vadd.s32 v1, v3;
	_ =	sdelay $0x1  }
0xfa: {  	s19 =	simm.s32 $0x3400  }
0xfb: {  	[tilespmem:s19], [sflag:$0x1] =	stream.indirect_vreg.gather [hbm4b:s2+s3], $0x80, v4, vm0, $0xb8;
	[tilespmem:$0x10400] =	vst v63  }
0xfc: {  	s19 =	simm.s32 $0x3C00  }
0xfd: {  	[tilespmem:s19], [sflag:$0x1] =	stream.indirect_vreg.gather [hbm4b:s2+s3], $0x80, v3, vm0, $0xb8;
	[tilespmem:$0x10400] =	vst v63  }
0xfe: {  	v3 =	vld [tilespmem:s16+$0x80];
	_ =	sdelay $0x4  }
0xff: {  	v60 =	vshll.u32 v3, $0x1  }
0x100: {  	v3 =	vand.u32 $0x7, v3;
	v4 =	vand.u32 $0xFFFFFFF0, v60  }
0x101: {  	v3 =	vor.u32 v3, v4  }
0x102: {  	v4 =	vperm.xlane v3, v0;
	_ =	sdelay $0x1  }
0x103: {  	v3 =	vperm.xlane v3, v2;
	v4 =	vadd.s32 v1, v4;
	_ =	sdelay $0x1  }
0x104: {  	v3 =	vadd.s32 v1, v3;
	_ =	sdelay $0x1  }
0x105: {  	s19 =	simm.s32 $0x4400  }
0x106: {  	[tilespmem:s19], [sflag:$0x1] =	stream.indirect_vreg.gather [hbm4b:s2+s3], $0x80, v4, vm0, $0xb8;
	[tilespmem:$0x10400] =	vst v63  }
0x107: {  	s19 =	simm.s32 $0x4C00  }
0x108: {  	[tilespmem:s19], [sflag:$0x1] =	stream.indirect_vreg.gather [hbm4b:s2+s3], $0x80, v3, vm0, $0xb8;
	[tilespmem:$0x10400] =	vst v63  }
0x109: {  	v3 =	vld [tilespmem:s16+$0x90];
	_ =	sdelay $0x4  }
0x10a: {  	v61 =	vshll.u32 v3, $0x1  }
0x10b: {  	v3 =	vand.u32 $0x7, v3;
	v4 =	vand.u32 $0xFFFFFFF0, v61  }
0x10c: {  	v3 =	vor.u32 v3, v4  }
0x10d: {  	v4 =	vperm.xlane v3, v0;
	_ =	sdelay $0x1  }
0x10e: {  	v3 =	vperm.xlane v3, v2;
	v4 =	vadd.s32 v1, v4;
	_ =	sdelay $0x1  }
0x10f: {  	v3 =	vadd.s32 v1, v3;
	_ =	sdelay $0x1  }
0x110: {  	s19 =	simm.s32 $0x5400  }
0x111: {  	[tilespmem:s19], [sflag:$0x1] =	stream.indirect_vreg.gather [hbm4b:s2+s3], $0x80, v4, vm0, $0xb8;
	[tilespmem:$0x10400] =	vst v63  }
0x112: {  	s19 =	simm.s32 $0x5C00  }
0x113: {  	[tilespmem:s19], [sflag:$0x1] =	stream.indirect_vreg.gather [hbm4b:s2+s3], $0x80, v3, vm0, $0xb8;
	[tilespmem:$0x10400] =	vst v63  }
0x114: {  	v3 =	vld [tilespmem:s16+$0xA0];
	_ =	sdelay $0x4  }
0x115: {  	v62 =	vshll.u32 v3, $0x1  }
0x116: {  	v3 =	vand.u32 $0x7, v3;
	v4 =	vand.u32 $0xFFFFFFF0, v62  }
0x117: {  	v3 =	vor.u32 v3, v4  }
0x118: {  	v4 =	vperm.xlane v3, v0;
	_ =	sdelay $0x1  }
0x119: {  	v3 =	vperm.xlane v3, v2;
	v4 =	vadd.s32 v1, v4;
	_ =	sdelay $0x1  }
0x11a: {  	v3 =	vadd.s32 v1, v3;
	_ =	sdelay $0x2  }
0x11b: {  	[tilespmem:s20], [sflag:$0x1] =	stream.indirect_vreg.gather [hbm4b:s2+s3], $0x80, v4, vm0, $0xb8;
	[tilespmem:$0x10400] =	vst v63  }
0x11c: {  	_ = 	snop  }
0x11d: {  	[tilespmem:s21], [sflag:$0x1] =	stream.indirect_vreg.gather [hbm4b:s2+s3], $0x80, v3, vm0, $0xb8;
	[tilespmem:$0x10400] =	vst v63  }
0x11e: {  	v3 =	vld [tilespmem:s16+$0xB0];
	_ =	sdelay $0x4  }
0x11f: {  	v63 =	vshll.u32 v3, $0x1  }
0x120: {  	v3 =	vand.u32 $0x7, v3;
	v4 =	vand.u32 $0xFFFFFFF0, v63  }
0x121: {  	v3 =	vor.u32 v3, v4  }
0x122: {  	v4 =	vperm.xlane v3, v0;
	_ =	sdelay $0x1  }
0x123: {  	v3 =	vperm.xlane v3, v2;
	v4 =	vadd.s32 v1, v4;
	_ =	sdelay $0x1  }
0x124: {  	v3 =	vadd.s32 v1, v3  }
.Ltmp5:
0x125: {  	_ = 	snop;
	(pc) =	sbr.rel .LBB2_4-.Ltmp5, $4  }
0x126: {  	_ = 	snop  }
0x127: {  	[tilespmem:s22], [sflag:$0x1] =	stream.indirect_vreg.gather [hbm4b:s2+s3], $0x80, v4, vm0, $0xb8;
	[tilespmem:$0x10400] =	vst v63  }
0x128: {  	_ = 	snop  }
0x129: {  	[tilespmem:s23], [sflag:$0x1] =	stream.indirect_vreg.gather [hbm4b:s2+s3], $0x80, v3, vm0, $0xb8;
	[tilespmem:$0x10400] =	vst v63  }
.LBB2_6:
0x12a: {  	_ =	sfence.sel $0x180000  }
0x12b: {  	[bflag:$0x0] =	sbarrier.arrive $0xFFFF  }
0x12c: {  	_ =	strace $0x9000004A  }
0x12d: {  	s0 =	stileid.u32;
	[bflag:$0x2] =	sbarrier.arrive $0xFFFF  }
0x12e: {  	p0 =	sne.s32 s0, $0x0;
	s0 =	rddreg [dreg:$0x2]  }
0x12f: {  	s0 =	sadd.s32 @!p0 $0x100000, s0  }
0x130: {  	[sflag:s0] =	ssyncadd.tile.s32 @!p0 $0x1;
	_ =	shalt  }
.Lfunc_end2:
_tile_overlayer_lowered:
.L_overlay_start_2:
0x131: {  	(tag) =	ssettag $0x2  }
0x132: {  	s0 =	rddreg [dreg:$0x0];
	s2 =	stileid.u32  }
0x133: {  	s1 =	rddreg [dreg:$0x1];
	p0 =	sne.s32 s2, $0x0  }
0x134: {  	s3 =	rddreg [dreg:$0x2];
	[bflag:$0x3] =	sbarrier.arrive $0xFFFF;
	s2 =	simm.s32 @!p0 $0x1C03  }
0x135: {  	[timem:s3], [sflag:s2] =	dma.local @!p0 [hbm:s0], s1  }
0x136: {  	s0 =	simm.s32 @!p0 $0x3  }
0x137: {  	_ =	swait.ge @!p0 [sflag:s0], s1  }
0x138: {  	s1 =	ssub.s32 @!p0 $0x0, s1;
	[sflag:s0] =	ssyncset.done @!p0 $0x0  }
0x139: {  	[sflag:s0] =	ssyncadd.s32 @!p0 s1  }
0x13a: {  	[bflag:$0x3] =	sbarrier.arrive $0xFFFF  }
0x13b: {  	_ =	shalt  }

// kernel: kernel.21.cloned.1.call-start
scs
__scs_entry_jumppad:
0x0: {  	(pc) =	sbr.rel $0x88, $3  }
0x1: {  	(tag) =	ssettag $0x0;
	lr =	simm.s32 $0x1  }
0x2: {  	[smem:$0x3F8E] =	sst lr;
	_ =	strace $0xD0000000  }
0x3: {  	_ = 	snop  }
0x4: {  	_ = 	snop  }
0x5: {  	_ = 	snop  }
0x6: {  	_ = 	snop  }
0x7: {  	_ = 	snop  }
__scs_overlays_trampoline_lowered:
0x8: {  	[smem:$0x3F9D] =	sst s0  }
0x9: {  	[smem:$0x3F9E] =	sst s1  }
0xa: {  	[smem:$0x3F9F] =	sst s2  }
0xb: {  	[smem:$0x3FA0] =	sst s3  }
0xc: {  	[smem:$0x3FA1] =	sst s4  }
0xd: {  	[smem:$0x3FA2] =	sst s5  }
0xe: {  	[smem:$0x3FA3] =	sst s6  }
0xf: {  	[smem:$0x3FA4] =	sst s7  }
0x10: {  	[smem:$0x3FA5] =	sst s8  }
0x11: {  	[smem:$0x3FA6] =	sst s9;
	s0 =	simm.s32 @!p0 $0x0  }
0x12: {  	s1 =	sld [smem:$0x3F8C];
	s0 =	simm.s32 @p0 $0x1  }
0x13: {  	[smem:$0x3FA7] =	sst s0;
	s0 =	simm.s32 @!p1 $0x0  }
0x14: {  	s2 =	sld [smem:$0x3F8B];
	s0 =	simm.s32 @p1 $0x1  }
0x15: {  	[smem:$0x3FA8] =	sst s0;
	s0 =	simm.s32 @!p2 $0x0  }
0x16: {  	s3 =	sld [smem:$0x3FDB];
	s0 =	simm.s32 @p2 $0x1  }
0x17: {  	s4 =	simm.s32 $0x1BF5;
	[smem:$0x3FAA] =	sst s0  }
0x18: {  	s0 =	sld [smem:$0x3F8D];
	_ =	swait.ge [sflag:s4], $0x0  }
0x19: {  	s7 =	sld [smem:$0x3F8E]  }
0x1a: {  	s8 =	sadd.s32 $0xFFFFE003, lr  }
0x1b: {  	s9 =	sadd.s32 $0xFFFFFEF7, lr;
	s5 =	simm.s32 $0xFFFFFFFF;
	p2 =	slt.u32 s8, $0xFFFFF086  }
0x1c: {  	p1 =	slt.u32 s9, $0xF7A;
	s5 =	simm.s32 @!p2 $0x0  }
0x1d: {  	s5 =	simm.s32 @p1 $0x1;
	p0 =	seq.s32 s7, s2  }
0x1e: {  	s7 =	smul.u32 @!p0 $0xF7A, s2;
	p2 =	seq.s32 @!p0 s5, $0x0  }
0x1f: {  	s9 =	smul.u32 $0xF7A, s1;
	s8 =	simm.s32 @!p0 $0x1BF5;
	p2 =	por !p2, p0  }
0x20: {  	[sflag:s8] =	ssyncset.s32 @!p0 $0xFFFFF086;
	s6 =	sadd.s32 @!p0 s3, s7;
	s7 =	simm.s32 @!p0 $0x108  }
0x21: {  	s3 =	sadd.s32 s3, s9;
	s6 =	sadd.s32 @!p0 $0x88, s6;
	s7 =	simm.s32 @p2 $0x1082  }
0x22: {  	[simem:s7], [sflag:s8] =	dma.local @!p0 [hbm:s6], $0xF7A  }
0x23: {  	s9 =	sor.u32 $0xD0000000, s2;
	s6 =	simm.s32 $0x108;
	_ =	swait.ge @!p0 [sflag:s8], $0x0  }
0x24: {  	s3 =	sadd.s32 $0x88, s3;
	s6 =	simm.s32 @!p1 $0x1082;
	[sflag:s4] =	ssyncset.s32 $0xFFFFF086  }
0x25: {  	[simem:s6], [sflag:s4] =	dma.local [hbm:s3], $0xF7A  }
0x26: {  	[smem:$0x3F8E] =	sst s1;
	(tag) =	ssettag s2;
	_ =	strace s9  }
0x27: {  	s1 =	sld [smem:$0x3F9E]  }
0x28: {  	s2 =	sld [smem:$0x3F9F]  }
0x29: {  	s4 =	sld [smem:$0x3FA1]  }
0x2a: {  	p0 =	seq.s32 s5, $0x0;
	s5 =	sld [smem:$0x3FA2]  }
0x2b: {  	s6 =	sld [smem:$0x3FA3]  }
0x2c: {  	s7 =	sld [smem:$0x3FA4]  }
0x2d: {  	s3 =	simm.s32 $0x108;
	s8 =	sld [smem:$0x3FA5]  }
0x2e: {  	s3 =	simm.s32 @!p0 $0x1082;
	s9 =	sld [smem:$0x3FA6]  }
0x2f: {  	lr =	sadd.s32 s0, s3;
	s0 =	sld [smem:$0x3F9D]  }
0x30: {  	s3 =	sld [smem:$0x3FA0]  }
0x31: {  	[smem:$0x3FA9] =	sst s10  }
0x32: {  	s10 =	sld [smem:$0x3FA7];
	_ =	sdelay $0x3  }
0x33: {  	p0 =	seq.s32 s10, $0x1;
	s10 =	sld [smem:$0x3FA9];
	_ =	sdelay $0x3  }
0x34: {  	[smem:$0x3FA9] =	sst s10  }
0x35: {  	s10 =	sld [smem:$0x3FA8];
	_ =	sdelay $0x3  }
0x36: {  	p1 =	seq.s32 s10, $0x1;
	s10 =	sld [smem:$0x3FA9];
	_ =	sdelay $0x3  }
0x37: {  	[smem:$0x3FA9] =	sst s10  }
0x38: {  	s10 =	sld [smem:$0x3FAA]  }
0x39: {  	_ = 	snop;
	(pc) =	sbr.ind lr, $3  }
0x3a: {  	_ = 	snop  }
0x3b: {  	_ = 	snop  }
0x3c: {  	p2 =	seq.s32 s10, $0x1;
	s10 =	sld [smem:$0x3FA9]  }
0x3d: {  	_ =	shalt  }
0x3e: {  	_ =	shalt  }
0x3f: {  	_ =	shalt  }
0x40: {  	_ =	shalt  }
0x41: {  	_ =	shalt  }
0x42: {  	_ =	shalt  }
0x43: {  	_ =	shalt  }
0x44: {  	_ =	shalt  }
0x45: {  	_ =	shalt  }
0x46: {  	_ =	shalt  }
0x47: {  	_ =	shalt  }
0x48: {  	_ =	shalt  }
0x49: {  	_ =	shalt  }
0x4a: {  	_ =	shalt  }
0x4b: {  	_ =	shalt  }
0x4c: {  	_ =	shalt  }
0x4d: {  	_ =	shalt  }
0x4e: {  	_ =	shalt  }
0x4f: {  	_ =	shalt  }
0x50: {  	_ =	shalt  }
0x51: {  	_ =	shalt  }
0x52: {  	_ =	shalt  }
0x53: {  	_ =	shalt  }
0x54: {  	_ =	shalt  }
0x55: {  	_ =	shalt  }
0x56: {  	_ =	shalt  }
0x57: {  	_ =	shalt  }
0x58: {  	_ =	shalt  }
0x59: {  	_ =	shalt  }
0x5a: {  	_ =	shalt  }
0x5b: {  	_ =	shalt  }
0x5c: {  	_ =	shalt  }
0x5d: {  	_ =	shalt  }
0x5e: {  	_ =	shalt  }
0x5f: {  	_ =	shalt  }
0x60: {  	_ =	shalt  }
0x61: {  	_ =	shalt  }
0x62: {  	_ =	shalt  }
0x63: {  	_ =	shalt  }
0x64: {  	_ =	shalt  }
0x65: {  	_ =	shalt  }
0x66: {  	_ =	shalt  }
0x67: {  	_ =	shalt  }
0x68: {  	_ =	shalt  }
0x69: {  	_ =	shalt  }
0x6a: {  	_ =	shalt  }
0x6b: {  	_ =	shalt  }
0x6c: {  	_ =	shalt  }
0x6d: {  	_ =	shalt  }
0x6e: {  	_ =	shalt  }
0x6f: {  	_ =	shalt  }
0x70: {  	_ =	shalt  }
0x71: {  	_ =	shalt  }
0x72: {  	_ =	shalt  }
0x73: {  	_ =	shalt  }
0x74: {  	_ =	shalt  }
0x75: {  	_ =	shalt  }
0x76: {  	_ =	shalt  }
0x77: {  	_ =	shalt  }
0x78: {  	_ =	shalt  }
0x79: {  	_ =	shalt  }
0x7a: {  	_ =	shalt  }
0x7b: {  	_ =	shalt  }
0x7c: {  	_ =	shalt  }
0x7d: {  	_ =	shalt  }
0x7e: {  	_ =	shalt  }
0x7f: {  	_ =	shalt  }
0x80: {  	_ =	shalt  }
0x81: {  	_ =	shalt  }
0x82: {  	_ =	shalt  }
0x83: {  	_ =	shalt  }
0x84: {  	_ =	shalt  }
0x85: {  	_ =	shalt  }
0x86: {  	_ =	shalt  }
0x87: {  	_ =	shalt  }
.Lfunc_end0:
.L_simem_size_0:
called_computation.3_lowered:
.L_overlay_start_0:
0x88: {  	s2 =	sld [smem:$0x3FD9]  }
0x89: {  	s3 =	sld [smem:$0x3FFE];
	_ =	sdelay $0x1  }
0x8a: {  	s1 =	srdreg.scid  }
0x8b: {  	s0 =	sand.u32 $0x1, s1  }
0x8c: {  	s17 =	sshll.u32 s0, $0xA;
	s2 =	sadd.s32 s3, s2  }
0x8d: {  	s2 =	sadd.s32 s2, s17  }
0x8e: {  	[smem:$0x3FB5] =	sst s2  }
0x8f: {  	_ = 	snop  }
0x90: {  	s2 =	sld [smem:$0x3FD0];
	(tm) =	ssettm $0x1  }
0x91: {  	s18 =	sld [smem:$0x3FFB];
	_ =	sdelay $0x3  }
0x92: {  	_ =	strace s18  }
0x93: {  	s3 =	sld [smem:$0x3FFC];
	_ =	sdelay $0x3  }
0x94: {  	_ =	strace s3  }
0x95: {  	s3 =	sld [smem:$0x3FFD];
	_ =	sdelay $0x3  }
0x96: {  	_ =	strace s3  }
0x97: {  	_ =	strace $0x8FFFFFFF  }
0x98: {  	s19 =	sld [smem:$0x3FDB];
	_ =	sdelay $0x1  }
0x99: {  	s4 =	simm.s32 $_scs_section_size  }
0x9a: {  	s5 =	simm.s32 $_size__tile_overlayer_lowered;
	s6 =	simm.s32 $_tile_overlayer_lowered  }
0x9b: {  	s22 =	simm.s32 $0x1BFF;
	s21 =	sshll.u32 s6, $0x1;
	s3 =	sadd.s32 s4, s19  }
0x9c: {  	s7 =	simm.s32 $0x0;
	s20 =	sshll.u32 s5, $0x1;
	s5 =	sadd.s32 s21, s3  }
0x9d: {  	[timem:s7], [sflag:s22] =	dma.local [hbm:s5], s20  }
0x9e: {  	_ =	swait.ge [sflag:s22], s20  }
0x9f: {  	s4 =	ssub.s32 $0x0, s20;
	[sflag:s22] =	ssyncset.done $0x0  }
0xa0: {  	[sflag:s22] =	ssyncadd.s32 s4;
	_ =	sdelay $0x1  }
0xa1: {  	s23 =	simm.s32 $0x1B8B  }
0xa2: {  	_ =	swait.ge [sflag:s23], $0x1  }
0xa3: {  	[sflag:s23] =	ssyncset.done $0x0  }
0xa4: {  	s25 =	simm.s32 $0x1B8E;
	s24 =	sld [smem:$0x3FFE];
	[sflag:s23] =	ssyncadd.s32 $0xFFFFFFFF  }
0xa5: {  	s26 =	simm.s32 $execute0_lowered;
	[smem:$0x3FD2] =	sst s25  }
0xa6: {  	s5 =	sshll.u32 s26, $0x1;
	_ =	strace $0x80000046;
	[dreg:$0x1] =	wrdreg $0xFFFFFFFF  }
0xa7: {  	s28 =	simm.s32 $_size_execute0_lowered;
	s3 =	sadd.s32 s3, s5;
	[dreg:$0x0] =	wrdreg $0x0  }
0xa8: {  	s5 =	sshll.u32 s28, $0x1;
	[dreg:$0x2] =	wrdreg s3  }
0xa9: {  	[dreg:$0x3] =	wrdreg s5  }
0xaa: {  	[dreg:$0x4] =	wrdreg $0xC0  }
0xab: {  	_ =	task [dreg:s7], $0x5FFFF  }
0xac: {  	[dreg:$0x1] =	wrdreg $0xFFFFFFFF  }
0xad: {  	[dreg:$0x0] =	wrdreg $0x60  }
0xae: {  	[dreg:$0x2] =	wrdreg s24  }
0xaf: {  	[dreg:$0x3] =	wrdreg s2  }
0xb0: {  	[dreg:$0x4] =	wrdreg $0xC  }
0xb1: {  	_ =	task.clear_ibuf [dreg:s7], $0x5FFFF;
	_ =	strace $0x90000046  }
0xb2: {  	s29 =	simm.s32 $0xC;
	_ =	strace $0x80000048  }
0xb3: {  	_ =	swait.ge [sflag:s29], $0x1  }
0xb4: {  	[sflag:s29] =	ssyncadd.s32 $0xFFFFFFFF  }
0xb5: {  	_ =	strace $0x90000048  }
0xb6: {  	_ =	sfence  }
0xb7: {  	s30 =	sld [smem:$0x0];
	_ =	sdelay $0x2  }
0xb8: {  	s31 =	sshll.u32 s1, $0xD;
	s1 =	sshrl.u32 s1, $0x2  }
0xb9: {  	s3 =	sand.u32 $0x4000, s31;
	s1 =	sadd.s32 s1, s30  }
0xba: {  	s0 =	sor.u32 s3, s0;
	s1 =	sshll.u32 s1, $0x11  }
0xbb: {  	s0 =	sor.u32 s1, s0  }
0xbc: {  	s0 =	sadd.s32 $0x8F2B, s0  }
0xbd: {  	[sflag:s0] =	ssyncadd.remote.s32 $0x1  }
0xbe: {  	_ =	sfence.sel $0xFFFF  }
0xbf: {  	[dreg:$0x0] =	wrdreg $0xFFFFFFFF;
	(pc) =	sbr.abs _section_cstart, $3  }
0xc0: {  	[dreg:$0x1] =	wrdreg $0xFFFFFFFF  }
0xc1: {  	_ =	task.clear_ibuf [dreg:s7], $0x2FFFF;
	_ =	strace $0x9FFFFFFF  }
0xc2: {  	(tm) =	ssettm $0x7FFFFFFF  }
0xc3: {  	_ =	shalt  }
tec
execute0_lowered:
.L_overlay_start_1:
0x0: {  	(tag) =	ssettag $0x1  }
0x1: {  	s0 =	rddreg [dreg:$0x0]  }
0x2: {  	s2 =	rddreg [dreg:$0x1];
	s1 =	srdreg.scid  }
0x3: {  	s3 =	simm.s32 $0x0;
	s6 =	stileid.u32;
	s8 =	simm.s32 $0x400  }
0x4: {  	s20 =	simm.s32 $0x6400;
	s21 =	simm.s32 $0x6C00;
	s22 =	simm.s32 $0x7400  }
0x5: {  	s28 =	simm.s32 $0x9C00;
	s29 =	simm.s32 $0xA400;
	s30 =	simm.s32 $0xAC00  }
0x6: {  	s31 =	simm.s32 $0xB400;
	s9 =	simm.s32 $0xDC00;
	s10 =	simm.s32 $0xE400  }
0x7: {  	s11 =	simm.s32 $0xEC00;
	s12 =	simm.s32 $0xF400;
	s13 =	simm.s32 $0xFC00  }
0x8: {  	s14 =	simm.s32 $0x1;
	s15 =	simm.s32 $0x2;
	s17 =	simm.s32 $0x0  }
0x9: {  	s1 =	sand.u32 $0x1, s1;
	[smem:$0x7FF] =	sst s3;
	s4 =	sshll.u32 s6, $0xB  }
0xa: {  	s23 =	sshll.u32 s6, $0x10;
	s5 =	sshll.u32 s1, $0xA;
	_ =	strace $0x80000047  }
0xb: {  	s24 =	ssub.s32 $0x2, s1;
	s1 =	sshll.u32 s1, $0xF;
	s4 =	sor.u32 s5, s4  }
0xc: {  	s5 =	sadd.s32 s23, s0;
	s7 =	sshrl.u32 s24, $0x1;
	s23 =	simm.s32 $0x7C00  }
0xd: {  	s4 =	sshrl.u32 s4, $0x3;
	s25 =	ssub.s32 s24, s7;
	s1 =	sadd.s32 s1, s5  }
.Ltmp0:
0xe: {  	s7 =	simm.s32 $0x3;
	s24 =	simm.s32 $0x8400;
	(pc) =	sbr.rel .LBB2_1-.Ltmp0, $4  }
0xf: {  	s5 =	simm.s32 $0xD400;
	s0 =	sadd.s32 s4, s0;
	s26 =	smax.u32 s25, $0x1  }
0x10: {  	v2 =	vlaneseq.u32;
	s6 =	sadd.s32 $0x7000, s1;
	s25 =	simm.s32 $0x8C00;
	s1 =	simm.s32 $0xC400  }
0x11: {  	vm0 =	vmmov $0xffff;
	v1 =	vshrl.u32 v2, $0x3;
	s4 =	simm.s32 $0xCC00;
	s0 =	sadd.s32 $0x4000, s0;
	[dreg:$0x4] =	wrdreg s26  }
0x12: {  	v0 =	vand.u32 $0x7, v2;
	v2 =	vor.u32 $0x8, v2;
	v1 =	vmul.u32 $0x8, v1;
	s26 =	simm.s32 $0x9400;
	[dreg:$0x3] =	wrdreg s0;
	s0 =	simm.s32 $0xBC00  }
.LBB2_5:
0x13: {  	s17 =	rddreg [dreg:$0x5]  }
0x14: {  	s16 =	rddreg [dreg:$0x4];
	s17 =	sadd.s32 $0x1, s17  }
0x15: {  	p0 =	sne.s32 s17, s16  }
.Ltmp1:
0x16: {  	_ = 	snop;
	(pc) =	sbr.rel @!p0 .LBB2_6-.Ltmp1, $1  }
0x17: {  	_ =	sdelay $0x3  }
.LBB2_1:
0x18: {  	[dreg:$0x5] =	wrdreg s17  }
0x19: {  	s16 =	rddreg [dreg:$0x3]  }
0x1a: {  	[tilespmem:s3], [sflag:$0x3] =	stream.linear.gather [hbm4b:s16+s3], $0x400, $0x38;
	[tilespmem:$0x10400] =	vst v63  }
0x1b: {  	_ =	swait.ge [sflag:s7], $0x400  }
0x1c: {  	[sflag:s7] =	ssyncset.done $0x0  }
0x1d: {  	[sflag:s7] =	ssyncadd.s32 $0xFFFFFC00  }
0x1e: {  	v3 =	vld [tilespmem:$0x0];
	_ =	sdelay $0x4  }
0x1f: {  	v4 =	vshll.u32 v3, $0x1  }
0x20: {  	v3 =	vand.u32 $0x7, v3;
	v4 =	vand.u32 $0xFFFFFFF0, v4  }
0x21: {  	v3 =	vor.u32 v3, v4  }
0x22: {  	v4 =	vperm.xlane v3, v0;
	_ =	sdelay $0x1  }
0x23: {  	v3 =	vperm.xlane v3, v2;
	v4 =	vadd.s32 v1, v4;
	_ =	sdelay $0x1  }
0x24: {  	v3 =	vadd.s32 v1, v3;
	_ =	sdelay $0x2  }
0x25: {  	[tilespmem:s8], [sflag:$0x1] =	stream.indirect_vreg.gather [hbm4b:s2+s3], $0x80, v4, vm0, $0xb8;
	[tilespmem:$0x10400] =	vst v63  }
0x26: {  	s18 =	simm.s32 $0xC00  }
0x27: {  	[tilespmem:s18], [sflag:$0x1] =	stream.indirect_vreg.gather [hbm4b:s2+s3], $0x80, v3, vm0, $0xb8;
	[tilespmem:$0x10400] =	vst v63  }
0x28: {  	v3 =	vld [tilespmem:$0x10];
	_ =	sdelay $0x4  }
0x29: {  	v57 =	vshll.u32 v3, $0x1  }
0x2a: {  	v3 =	vand.u32 $0x7, v3;
	v4 =	vand.u32 $0xFFFFFFF0, v57  }
0x2b: {  	v3 =	vor.u32 v3, v4  }
0x2c: {  	v4 =	vperm.xlane v3, v0;
	_ =	sdelay $0x1  }
0x2d: {  	v3 =	vperm.xlane v3, v2;
	v4 =	vadd.s32 v1, v4;
	_ =	sdelay $0x1  }
0x2e: {  	v3 =	vadd.s32 v1, v3;
	_ =	sdelay $0x1  }
0x2f: {  	s19 =	simm.s32 $0x1400  }
0x30: {  	[tilespmem:s19], [sflag:$0x1] =	stream.indirect_vreg.gather [hbm4b:s2+s3], $0x80, v4, vm0, $0xb8;
	[tilespmem:$0x10400] =	vst v63  }
0x31: {  	s17 =	simm.s32 $0x1C00  }
0x32: {  	[tilespmem:s17], [sflag:$0x1] =	stream.indirect_vreg.gather [hbm4b:s2+s3], $0x80, v3, vm0, $0xb8;
	[tilespmem:$0x10400] =	vst v63  }
0x33: {  	v3 =	vld [tilespmem:$0x20];
	_ =	sdelay $0x4  }
0x34: {  	v58 =	vshll.u32 v3, $0x1  }
0x35: {  	v3 =	vand.u32 $0x7, v3;
	v4 =	vand.u32 $0xFFFFFFF0, v58  }
0x36: {  	v3 =	vor.u32 v3, v4  }
0x37: {  	v4 =	vperm.xlane v3, v0;
	_ =	sdelay $0x1  }
0x38: {  	v3 =	vperm.xlane v3, v2;
	v4 =	vadd.s32 v1, v4;
	_ =	sdelay $0x1  }
0x39: {  	v3 =	vadd.s32 v1, v3;
	_ =	sdelay $0x1  }
0x3a: {  	s18 =	simm.s32 $0x2400  }
0x3b: {  	[tilespmem:s18], [sflag:$0x1] =	stream.indirect_vreg.gather [hbm4b:s2+s3], $0x80, v4, vm0, $0xb8;
	[tilespmem:$0x10400] =	vst v63  }
0x3c: {  	s19 =	simm.s32 $0x2C00  }
0x3d: {  	[tilespmem:s19], [sflag:$0x1] =	stream.indirect_vreg.gather [hbm4b:s2+s3], $0x80, v3, vm0, $0xb8;
	[tilespmem:$0x10400] =	vst v63  }
0x3e: {  	v3 =	vld [tilespmem:$0x30];
	_ =	sdelay $0x4  }
0x3f: {  	v59 =	vshll.u32 v3, $0x1  }
0x40: {  	v3 =	vand.u32 $0x7, v3;
	v4 =	vand.u32 $0xFFFFFFF0, v59  }
0x41: {  	v3 =	vor.u32 v3, v4  }
0x42: {  	v4 =	vperm.xlane v3, v0;
	_ =	sdelay $0x1  }
0x43: {  	v3 =	vperm.xlane v3, v2;
	v4 =	vadd.s32 v1, v4;
	_ =	sdelay $0x1  }
0x44: {  	v3 =	vadd.s32 v1, v3;
	_ =	sdelay $0x1  }
0x45: {  	s17 =	simm.s32 $0x3400  }
0x46: {  	[tilespmem:s17], [sflag:$0x1] =	stream.indirect_vreg.gather [hbm4b:s2+s3], $0x80, v4, vm0, $0xb8;
	[tilespmem:$0x10400] =	vst v63  }
0x47: {  	s18 =	simm.s32 $0x3C00  }
0x48: {  	[tilespmem:s18], [sflag:$0x1] =	stream.indirect_vreg.gather [hbm4b:s2+s3], $0x80, v3, vm0, $0xb8;
	[tilespmem:$0x10400] =	vst v63  }
0x49: {  	v3 =	vld [tilespmem:$0x40];
	_ =	sdelay $0x4  }
0x4a: {  	v60 =	vshll.u32 v3, $0x1  }
0x4b: {  	v3 =	vand.u32 $0x7, v3;
	v4 =	vand.u32 $0xFFFFFFF0, v60  }
0x4c: {  	v3 =	vor.u32 v3, v4  }
0x4d: {  	v4 =	vperm.xlane v3, v0;
	_ =	sdelay $0x1  }
0x4e: {  	v3 =	vperm.xlane v3, v2;
	v4 =	vadd.s32 v1, v4;
	_ =	sdelay $0x1  }
0x4f: {  	v3 =	vadd.s32 v1, v3;
	_ =	sdelay $0x1  }
0x50: {  	s19 =	simm.s32 $0x4400  }
0x51: {  	[tilespmem:s19], [sflag:$0x1] =	stream.indirect_vreg.gather [hbm4b:s2+s3], $0x80, v4, vm0, $0xb8;
	[tilespmem:$0x10400] =	vst v63  }
0x52: {  	s17 =	simm.s32 $0x4C00  }
0x53: {  	[tilespmem:s17], [sflag:$0x1] =	stream.indirect_vreg.gather [hbm4b:s2+s3], $0x80, v3, vm0, $0xb8;
	[tilespmem:$0x10400] =	vst v63  }
0x54: {  	v3 =	vld [tilespmem:$0x50];
	_ =	sdelay $0x4  }
0x55: {  	v61 =	vshll.u32 v3, $0x1  }
0x56: {  	v3 =	vand.u32 $0x7, v3;
	v4 =	vand.u32 $0xFFFFFFF0, v61  }
0x57: {  	v3 =	vor.u32 v3, v4  }
0x58: {  	v4 =	vperm.xlane v3, v0;
	_ =	sdelay $0x1  }
0x59: {  	v3 =	vperm.xlane v3, v2;
	v4 =	vadd.s32 v1, v4;
	_ =	sdelay $0x1  }
0x5a: {  	v3 =	vadd.s32 v1, v3;
	_ =	sdelay $0x1  }
0x5b: {  	s18 =	simm.s32 $0x5400  }
0x5c: {  	[tilespmem:s18], [sflag:$0x1] =	stream.indirect_vreg.gather [hbm4b:s2+s3], $0x80, v4, vm0, $0xb8;
	[tilespmem:$0x10400] =	vst v63  }
0x5d: {  	s19 =	simm.s32 $0x5C00  }
0x5e: {  	[tilespmem:s19], [sflag:$0x1] =	stream.indirect_vreg.gather [hbm4b:s2+s3], $0x80, v3, vm0, $0xb8;
	[tilespmem:$0x10400] =	vst v63  }
0x5f: {  	v3 =	vld [tilespmem:$0x60];
	_ =	sdelay $0x4  }
0x60: {  	v62 =	vshll.u32 v3, $0x1  }
0x61: {  	v3 =	vand.u32 $0x7, v3;
	v4 =	vand.u32 $0xFFFFFFF0, v62  }
0x62: {  	v3 =	vor.u32 v3, v4  }
0x63: {  	v4 =	vperm.xlane v3, v0;
	_ =	sdelay $0x1  }
0x64: {  	v3 =	vperm.xlane v3, v2;
	v4 =	vadd.s32 v1, v4;
	_ =	sdelay $0x1  }
0x65: {  	v3 =	vadd.s32 v1, v3;
	_ =	sdelay $0x2  }
0x66: {  	[tilespmem:s20], [sflag:$0x1] =	stream.indirect_vreg.gather [hbm4b:s2+s3], $0x80, v4, vm0, $0xb8;
	[tilespmem:$0x10400] =	vst v63  }
0x67: {  	_ = 	snop  }
0x68: {  	[tilespmem:s21], [sflag:$0x1] =	stream.indirect_vreg.gather [hbm4b:s2+s3], $0x80, v3, vm0, $0xb8;
	[tilespmem:$0x10400] =	vst v63  }
0x69: {  	v3 =	vld [tilespmem:$0x70];
	_ =	sdelay $0x4  }
0x6a: {  	v63 =	vshll.u32 v3, $0x1  }
0x6b: {  	v3 =	vand.u32 $0x7, v3;
	v4 =	vand.u32 $0xFFFFFFF0, v63  }
0x6c: {  	v3 =	vor.u32 v3, v4  }
0x6d: {  	v4 =	vperm.xlane v3, v0;
	_ =	sdelay $0x1  }
0x6e: {  	v3 =	vperm.xlane v3, v2;
	v4 =	vadd.s32 v1, v4;
	_ =	sdelay $0x1  }
0x6f: {  	v3 =	vadd.s32 v1, v3  }
.Ltmp2:
0x70: {  	_ = 	snop;
	(pc) =	sbr.rel .LBB2_2-.Ltmp2, $4  }
0x71: {  	_ = 	snop  }
0x72: {  	[tilespmem:s22], [sflag:$0x1] =	stream.indirect_vreg.gather [hbm4b:s2+s3], $0x80, v4, vm0, $0xb8;
	[tilespmem:$0x10400] =	vst v63  }
0x73: {  	s16 =	simm.s32 $0xC0;
	s17 =	simm.s32 $0x0  }
0x74: {  	[tilespmem:s23], [sflag:$0x1] =	stream.indirect_vreg.gather [hbm4b:s2+s3], $0x80, v3, vm0, $0xb8;
	[tilespmem:$0x10400] =	vst v63  }
.LBB2_4:
0x75: {  	_ =	swait.ge [sflag:s15], $0x8000;
	s17 =	sadd.s32 $0x2000, s17  }
0x76: {  	[sflag:s15] =	ssyncset.done $0x0;
	p0 =	sne.s32 s17, $0x8000  }
.Ltmp3:
0x77: {  	s18 =	sadd.s32 $0x1000, s18;
	[sflag:s15] =	ssyncadd.s32 $0xFFFF8000;
	(pc) =	sbr.rel @!p0 .LBB2_5-.Ltmp3, $4  }
0x78: {  	[hbm4b:s18+s3] =	stream.linear.scatter [tilespmem:s24], [sflag:$0x3], $0x8000, $0x38;
	[tilespmem:$0x10400] =	vst v63  }
0x79: {  	_ =	swait.ge [sflag:s7], $0x8000  }
0x7a: {  	[sflag:s7] =	ssyncset.done $0x0  }
0x7b: {  	s16 =	sadd.s32 $0x100, s16;
	[sflag:s7] =	ssyncadd.s32 $0xFFFF8000  }
.LBB2_2:
0x7c: {  	v3 =	vld [tilespmem:s16+$0xFFFFFFC0];
	_ =	sdelay $0x4  }
0x7d: {  	v4 =	vshll.u32 v3, $0x1  }
0x7e: {  	v3 =	vand.u32 $0x7, v3;
	v4 =	vand.u32 $0xFFFFFFF0, v4  }
0x7f: {  	v3 =	vor.u32 v3, v4  }
0x80: {  	v4 =	vperm.xlane v3, v0;
	_ =	sdelay $0x1  }
0x81: {  	v3 =	vperm.xlane v3, v2;
	v4 =	vadd.s32 v1, v4;
	_ =	sdelay $0x1  }
0x82: {  	v3 =	vadd.s32 v1, v3;
	_ =	sdelay $0x2  }
0x83: {  	[tilespmem:s24], [sflag:$0x2] =	stream.indirect_vreg.gather [hbm4b:s2+s3], $0x80, v4, vm0, $0xb8;
	[tilespmem:$0x10400] =	vst v63  }
0x84: {  	_ = 	snop  }
0x85: {  	[tilespmem:s25], [sflag:$0x2] =	stream.indirect_vreg.gather [hbm4b:s2+s3], $0x80, v3, vm0, $0xb8;
	[tilespmem:$0x10400] =	vst v63  }
0x86: {  	v3 =	vld [tilespmem:s16+$0xFFFFFFD0];
	_ =	sdelay $0x4  }
0x87: {  	v57 =	vshll.u32 v3, $0x1  }
0x88: {  	v3 =	vand.u32 $0x7, v3;
	v4 =	vand.u32 $0xFFFFFFF0, v57  }
0x89: {  	v3 =	vor.u32 v3, v4  }
0x8a: {  	v4 =	vperm.xlane v3, v0;
	_ =	sdelay $0x1  }
0x8b: {  	v3 =	vperm.xlane v3, v2;
	v4 =	vadd.s32 v1, v4;
	_ =	sdelay $0x1  }
0x8c: {  	v3 =	vadd.s32 v1, v3;
	_ =	sdelay $0x2  }
0x8d: {  	[tilespmem:s26], [sflag:$0x2] =	stream.indirect_vreg.gather [hbm4b:s2+s3], $0x80, v4, vm0, $0xb8;
	[tilespmem:$0x10400] =	vst v63  }
0x8e: {  	_ = 	snop  }
0x8f: {  	[tilespmem:s28], [sflag:$0x2] =	stream.indirect_vreg.gather [hbm4b:s2+s3], $0x80, v3, vm0, $0xb8;
	[tilespmem:$0x10400] =	vst v63  }
0x90: {  	v3 =	vld [tilespmem:s16+$0xFFFFFFE0];
	_ =	sdelay $0x4  }
0x91: {  	v58 =	vshll.u32 v3, $0x1  }
0x92: {  	v3 =	vand.u32 $0x7, v3;
	v4 =	vand.u32 $0xFFFFFFF0, v58  }
0x93: {  	v3 =	vor.u32 v3, v4  }
0x94: {  	v4 =	vperm.xlane v3, v0;
	_ =	sdelay $0x1  }
0x95: {  	v3 =	vperm.xlane v3, v2;
	v4 =	vadd.s32 v1, v4;
	_ =	sdelay $0x1  }
0x96: {  	v3 =	vadd.s32 v1, v3;
	_ =	sdelay $0x2  }
0x97: {  	[tilespmem:s29], [sflag:$0x2] =	stream.indirect_vreg.gather [hbm4b:s2+s3], $0x80, v4, vm0, $0xb8;
	[tilespmem:$0x10400] =	vst v63  }
0x98: {  	_ = 	snop  }
0x99: {  	[tilespmem:s30], [sflag:$0x2] =	stream.indirect_vreg.gather [hbm4b:s2+s3], $0x80, v3, vm0, $0xb8;
	[tilespmem:$0x10400] =	vst v63  }
0x9a: {  	v3 =	vld [tilespmem:s16+$0xFFFFFFF0];
	_ =	sdelay $0x4  }
0x9b: {  	v59 =	vshll.u32 v3, $0x1  }
0x9c: {  	v3 =	vand.u32 $0x7, v3;
	v4 =	vand.u32 $0xFFFFFFF0, v59  }
0x9d: {  	v3 =	vor.u32 v3, v4  }
0x9e: {  	v4 =	vperm.xlane v3, v0;
	_ =	sdelay $0x1  }
0x9f: {  	v3 =	vperm.xlane v3, v2;
	v4 =	vadd.s32 v1, v4;
	_ =	sdelay $0x1  }
0xa0: {  	v3 =	vadd.s32 v1, v3;
	_ =	sdelay $0x2  }
0xa1: {  	[tilespmem:s31], [sflag:$0x2] =	stream.indirect_vreg.gather [hbm4b:s2+s3], $0x80, v4, vm0, $0xb8;
	[tilespmem:$0x10400] =	vst v63  }
0xa2: {  	_ = 	snop  }
0xa3: {  	[tilespmem:s0], [sflag:$0x2] =	stream.indirect_vreg.gather [hbm4b:s2+s3], $0x80, v3, vm0, $0xb8;
	[tilespmem:$0x10400] =	vst v63  }
0xa4: {  	v3 =	vld [tilespmem:s16+$0x0];
	_ =	sdelay $0x4  }
0xa5: {  	v60 =	vshll.u32 v3, $0x1  }
0xa6: {  	v3 =	vand.u32 $0x7, v3;
	v4 =	vand.u32 $0xFFFFFFF0, v60  }
0xa7: {  	v3 =	vor.u32 v3, v4  }
0xa8: {  	v4 =	vperm.xlane v3, v0;
	_ =	sdelay $0x1  }
0xa9: {  	v3 =	vperm.xlane v3, v2;
	v4 =	vadd.s32 v1, v4;
	_ =	sdelay $0x1  }
0xaa: {  	v3 =	vadd.s32 v1, v3;
	_ =	sdelay $0x2  }
0xab: {  	[tilespmem:s1], [sflag:$0x2] =	stream.indirect_vreg.gather [hbm4b:s2+s3], $0x80, v4, vm0, $0xb8;
	[tilespmem:$0x10400] =	vst v63  }
0xac: {  	_ = 	snop  }
0xad: {  	[tilespmem:s4], [sflag:$0x2] =	stream.indirect_vreg.gather [hbm4b:s2+s3], $0x80, v3, vm0, $0xb8;
	[tilespmem:$0x10400] =	vst v63  }
0xae: {  	v3 =	vld [tilespmem:s16+$0x10];
	_ =	sdelay $0x4  }
0xaf: {  	v61 =	vshll.u32 v3, $0x1  }
0xb0: {  	v3 =	vand.u32 $0x7, v3;
	v4 =	vand.u32 $0xFFFFFFF0, v61  }
0xb1: {  	v3 =	vor.u32 v3, v4  }
0xb2: {  	v4 =	vperm.xlane v3, v0;
	_ =	sdelay $0x1  }
0xb3: {  	v3 =	vperm.xlane v3, v2;
	v4 =	vadd.s32 v1, v4;
	_ =	sdelay $0x1  }
0xb4: {  	v3 =	vadd.s32 v1, v3;
	_ =	sdelay $0x2  }
0xb5: {  	[tilespmem:s5], [sflag:$0x2] =	stream.indirect_vreg.gather [hbm4b:s2+s3], $0x80, v4, vm0, $0xb8;
	[tilespmem:$0x10400] =	vst v63  }
0xb6: {  	_ = 	snop  }
0xb7: {  	[tilespmem:s9], [sflag:$0x2] =	stream.indirect_vreg.gather [hbm4b:s2+s3], $0x80, v3, vm0, $0xb8;
	[tilespmem:$0x10400] =	vst v63  }
0xb8: {  	v3 =	vld [tilespmem:s16+$0x20];
	_ =	sdelay $0x4  }
0xb9: {  	v62 =	vshll.u32 v3, $0x1  }
0xba: {  	v3 =	vand.u32 $0x7, v3;
	v4 =	vand.u32 $0xFFFFFFF0, v62  }
0xbb: {  	v3 =	vor.u32 v3, v4  }
0xbc: {  	v4 =	vperm.xlane v3, v0;
	_ =	sdelay $0x1  }
0xbd: {  	v3 =	vperm.xlane v3, v2;
	v4 =	vadd.s32 v1, v4;
	_ =	sdelay $0x1  }
0xbe: {  	v3 =	vadd.s32 v1, v3;
	_ =	sdelay $0x2  }
0xbf: {  	[tilespmem:s10], [sflag:$0x2] =	stream.indirect_vreg.gather [hbm4b:s2+s3], $0x80, v4, vm0, $0xb8;
	[tilespmem:$0x10400] =	vst v63  }
0xc0: {  	_ = 	snop  }
0xc1: {  	[tilespmem:s11], [sflag:$0x2] =	stream.indirect_vreg.gather [hbm4b:s2+s3], $0x80, v3, vm0, $0xb8;
	[tilespmem:$0x10400] =	vst v63  }
0xc2: {  	v3 =	vld [tilespmem:s16+$0x30];
	_ =	sdelay $0x4  }
0xc3: {  	v63 =	vshll.u32 v3, $0x1  }
0xc4: {  	v3 =	vand.u32 $0x7, v3;
	v4 =	vand.u32 $0xFFFFFFF0, v63  }
0xc5: {  	v3 =	vor.u32 v3, v4  }
0xc6: {  	v4 =	vperm.xlane v3, v0;
	_ =	sdelay $0x1  }
0xc7: {  	v3 =	vperm.xlane v3, v2;
	v4 =	vadd.s32 v1, v4;
	_ =	sdelay $0x1  }
0xc8: {  	v3 =	vadd.s32 v1, v3;
	_ =	sdelay $0x2  }
0xc9: {  	[tilespmem:s12], [sflag:$0x2] =	stream.indirect_vreg.gather [hbm4b:s2+s3], $0x80, v4, vm0, $0xb8;
	[tilespmem:$0x10400] =	vst v63  }
0xca: {  	_ = 	snop  }
0xcb: {  	[tilespmem:s13], [sflag:$0x2] =	stream.indirect_vreg.gather [hbm4b:s2+s3], $0x80, v3, vm0, $0xb8;
	[tilespmem:$0x10400] =	vst v63  }
0xcc: {  	_ =	swait.ge [sflag:s14], $0x8000  }
0xcd: {  	p0 =	seq.s32 s17, $0x6000;
	[sflag:s14] =	ssyncset.done $0x0  }
.Ltmp4:
0xce: {  	s18 =	sadd.s32 s17, s6;
	[sflag:s14] =	ssyncadd.s32 $0xFFFF8000;
	(pc) =	sbr.rel @p0 .LBB2_4-.Ltmp4, $4  }
0xcf: {  	[hbm4b:s18+s3] =	stream.linear.scatter [tilespmem:s8], [sflag:$0x3], $0x8000, $0x38;
	[tilespmem:$0x10400] =	vst v63  }
0xd0: {  	_ =	swait.ge [sflag:s7], $0x8000  }
0xd1: {  	[sflag:s7] =	ssyncset.done $0x0  }
0xd2: {  	[sflag:s7] =	ssyncadd.s32 $0xFFFF8000  }
0xd3: {  	v3 =	vld [tilespmem:s16+$0x40];
	_ =	sdelay $0x4  }
0xd4: {  	v4 =	vshll.u32 v3, $0x1  }
0xd5: {  	v3 =	vand.u32 $0x7, v3;
	v4 =	vand.u32 $0xFFFFFFF0, v4  }
0xd6: {  	v3 =	vor.u32 v3, v4  }
0xd7: {  	v4 =	vperm.xlane v3, v0;
	_ =	sdelay $0x1  }
0xd8: {  	v3 =	vperm.xlane v3, v2;
	v4 =	vadd.s32 v1, v4;
	_ =	sdelay $0x1  }
0xd9: {  	v3 =	vadd.s32 v1, v3;
	_ =	sdelay $0x2  }
0xda: {  	[tilespmem:s8], [sflag:$0x1] =	stream.indirect_vreg.gather [hbm4b:s2+s3], $0x80, v4, vm0, $0xb8;
	[tilespmem:$0x10400] =	vst v63  }
0xdb: {  	s19 =	simm.s32 $0xC00  }
0xdc: {  	[tilespmem:s19], [sflag:$0x1] =	stream.indirect_vreg.gather [hbm4b:s2+s3], $0x80, v3, vm0, $0xb8;
	[tilespmem:$0x10400] =	vst v63  }
0xdd: {  	v3 =	vld [tilespmem:s16+$0x50];
	_ =	sdelay $0x4  }
0xde: {  	v57 =	vshll.u32 v3, $0x1  }
0xdf: {  	v3 =	vand.u32 $0x7, v3;
	v4 =	vand.u32 $0xFFFFFFF0, v57  }
0xe0: {  	v3 =	vor.u32 v3, v4  }
0xe1: {  	v4 =	vperm.xlane v3, v0;
	_ =	sdelay $0x1  }
0xe2: {  	v3 =	vperm.xlane v3, v2;
	v4 =	vadd.s32 v1, v4;
	_ =	sdelay $0x1  }
0xe3: {  	v3 =	vadd.s32 v1, v3;
	_ =	sdelay $0x1  }
0xe4: {  	s19 =	simm.s32 $0x1400  }
0xe5: {  	[tilespmem:s19], [sflag:$0x1] =	stream.indirect_vreg.gather [hbm4b:s2+s3], $0x80, v4, vm0, $0xb8;
	[tilespmem:$0x10400] =	vst v63  }
0xe6: {  	s19 =	simm.s32 $0x1C00  }
0xe7: {  	[tilespmem:s19], [sflag:$0x1] =	stream.indirect_vreg.gather [hbm4b:s2+s3], $0x80, v3, vm0, $0xb8;
	[tilespmem:$0x10400] =	vst v63  }
0xe8: {  	v3 =	vld [tilespmem:s16+$0x60];
	_ =	sdelay $0x4  }
0xe9: {  	v58 =	vshll.u32 v3, $0x1  }
0xea: {  	v3 =	vand.u32 $0x7, v3;
	v4 =	vand.u32 $0xFFFFFFF0, v58  }
0xeb: {  	v3 =	vor.u32 v3, v4  }
0xec: {  	v4 =	vperm.xlane v3, v0;
	_ =	sdelay $0x1  }
0xed: {  	v3 =	vperm.xlane v3, v2;
	v4 =	vadd.s32 v1, v4;
	_ =	sdelay $0x1  }
0xee: {  	v3 =	vadd.s32 v1, v3;
	_ =	sdelay $0x1  }
0xef: {  	s19 =	simm.s32 $0x2400  }
0xf0: {  	[tilespmem:s19], [sflag:$0x1] =	stream.indirect_vreg.gather [hbm4b:s2+s3], $0x80, v4, vm0, $0xb8;
	[tilespmem:$0x10400] =	vst v63  }
0xf1: {  	s19 =	simm.s32 $0x2C00  }
0xf2: {  	[tilespmem:s19], [sflag:$0x1] =	stream.indirect_vreg.gather [hbm4b:s2+s3], $0x80, v3, vm0, $0xb8;
	[tilespmem:$0x10400] =	vst v63  }
0xf3: {  	v3 =	vld [tilespmem:s16+$0x70];
	_ =	sdelay $0x4  }
0xf4: {  	v59 =	vshll.u32 v3, $0x1  }
0xf5: {  	v3 =	vand.u32 $0x7, v3;
	v4 =	vand.u32 $0xFFFFFFF0, v59  }
0xf6: {  	v3 =	vor.u32 v3, v4  }
0xf7: {  	v4 =	vperm.xlane v3, v0;
	_ =	sdelay $0x1  }
0xf8: {  	v3 =	vperm.xlane v3, v2;
	v4 =	vadd.s32 v1, v4;
	_ =	sdelay $0x1  }
0xf9: {  	v3 =	vadd.s32 v1, v3;
	_ =	sdelay $0x1  }
0xfa: {  	s19 =	simm.s32 $0x3400  }
0xfb: {  	[tilespmem:s19], [sflag:$0x1] =	stream.indirect_vreg.gather [hbm4b:s2+s3], $0x80, v4, vm0, $0xb8;
	[tilespmem:$0x10400] =	vst v63  }
0xfc: {  	s19 =	simm.s32 $0x3C00  }
0xfd: {  	[tilespmem:s19], [sflag:$0x1] =	stream.indirect_vreg.gather [hbm4b:s2+s3], $0x80, v3, vm0, $0xb8;
	[tilespmem:$0x10400] =	vst v63  }
0xfe: {  	v3 =	vld [tilespmem:s16+$0x80];
	_ =	sdelay $0x4  }
0xff: {  	v60 =	vshll.u32 v3, $0x1  }
0x100: {  	v3 =	vand.u32 $0x7, v3;
	v4 =	vand.u32 $0xFFFFFFF0, v60  }
0x101: {  	v3 =	vor.u32 v3, v4  }
0x102: {  	v4 =	vperm.xlane v3, v0;
	_ =	sdelay $0x1  }
0x103: {  	v3 =	vperm.xlane v3, v2;
	v4 =	vadd.s32 v1, v4;
	_ =	sdelay $0x1  }
0x104: {  	v3 =	vadd.s32 v1, v3;
	_ =	sdelay $0x1  }
0x105: {  	s19 =	simm.s32 $0x4400  }
0x106: {  	[tilespmem:s19], [sflag:$0x1] =	stream.indirect_vreg.gather [hbm4b:s2+s3], $0x80, v4, vm0, $0xb8;
	[tilespmem:$0x10400] =	vst v63  }
0x107: {  	s19 =	simm.s32 $0x4C00  }
0x108: {  	[tilespmem:s19], [sflag:$0x1] =	stream.indirect_vreg.gather [hbm4b:s2+s3], $0x80, v3, vm0, $0xb8;
	[tilespmem:$0x10400] =	vst v63  }
0x109: {  	v3 =	vld [tilespmem:s16+$0x90];
	_ =	sdelay $0x4  }
0x10a: {  	v61 =	vshll.u32 v3, $0x1  }
0x10b: {  	v3 =	vand.u32 $0x7, v3;
	v4 =	vand.u32 $0xFFFFFFF0, v61  }
0x10c: {  	v3 =	vor.u32 v3, v4  }
0x10d: {  	v4 =	vperm.xlane v3, v0;
	_ =	sdelay $0x1  }
0x10e: {  	v3 =	vperm.xlane v3, v2;
	v4 =	vadd.s32 v1, v4;
	_ =	sdelay $0x1  }
0x10f: {  	v3 =	vadd.s32 v1, v3;
	_ =	sdelay $0x1  }
0x110: {  	s19 =	simm.s32 $0x5400  }
0x111: {  	[tilespmem:s19], [sflag:$0x1] =	stream.indirect_vreg.gather [hbm4b:s2+s3], $0x80, v4, vm0, $0xb8;
	[tilespmem:$0x10400] =	vst v63  }
0x112: {  	s19 =	simm.s32 $0x5C00  }
0x113: {  	[tilespmem:s19], [sflag:$0x1] =	stream.indirect_vreg.gather [hbm4b:s2+s3], $0x80, v3, vm0, $0xb8;
	[tilespmem:$0x10400] =	vst v63  }
0x114: {  	v3 =	vld [tilespmem:s16+$0xA0];
	_ =	sdelay $0x4  }
0x115: {  	v62 =	vshll.u32 v3, $0x1  }
0x116: {  	v3 =	vand.u32 $0x7, v3;
	v4 =	vand.u32 $0xFFFFFFF0, v62  }
0x117: {  	v3 =	vor.u32 v3, v4  }
0x118: {  	v4 =	vperm.xlane v3, v0;
	_ =	sdelay $0x1  }
0x119: {  	v3 =	vperm.xlane v3, v2;
	v4 =	vadd.s32 v1, v4;
	_ =	sdelay $0x1  }
0x11a: {  	v3 =	vadd.s32 v1, v3;
	_ =	sdelay $0x2  }
0x11b: {  	[tilespmem:s20], [sflag:$0x1] =	stream.indirect_vreg.gather [hbm4b:s2+s3], $0x80, v4, vm0, $0xb8;
	[tilespmem:$0x10400] =	vst v63  }
0x11c: {  	_ = 	snop  }
0x11d: {  	[tilespmem:s21], [sflag:$0x1] =	stream.indirect_vreg.gather [hbm4b:s2+s3], $0x80, v3, vm0, $0xb8;
	[tilespmem:$0x10400] =	vst v63  }
0x11e: {  	v3 =	vld [tilespmem:s16+$0xB0];
	_ =	sdelay $0x4  }
0x11f: {  	v63 =	vshll.u32 v3, $0x1  }
0x120: {  	v3 =	vand.u32 $0x7, v3;
	v4 =	vand.u32 $0xFFFFFFF0, v63  }
0x121: {  	v3 =	vor.u32 v3, v4  }
0x122: {  	v4 =	vperm.xlane v3, v0;
	_ =	sdelay $0x1  }
0x123: {  	v3 =	vperm.xlane v3, v2;
	v4 =	vadd.s32 v1, v4;
	_ =	sdelay $0x1  }
0x124: {  	v3 =	vadd.s32 v1, v3  }
.Ltmp5:
0x125: {  	_ = 	snop;
	(pc) =	sbr.rel .LBB2_4-.Ltmp5, $4  }
0x126: {  	_ = 	snop  }
0x127: {  	[tilespmem:s22], [sflag:$0x1] =	stream.indirect_vreg.gather [hbm4b:s2+s3], $0x80, v4, vm0, $0xb8;
	[tilespmem:$0x10400] =	vst v63  }
0x128: {  	_ = 	snop  }
0x129: {  	[tilespmem:s23], [sflag:$0x1] =	stream.indirect_vreg.gather [hbm4b:s2+s3], $0x80, v3, vm0, $0xb8;
	[tilespmem:$0x10400] =	vst v63  }
.LBB2_6:
0x12a: {  	_ =	sfence.sel $0x180000  }
0x12b: {  	[bflag:$0x0] =	sbarrier.arrive $0xFFFF  }
0x12c: {  	_ =	strace $0x90000047  }
0x12d: {  	s0 =	stileid.u32;
	[bflag:$0x2] =	sbarrier.arrive $0xFFFF  }
0x12e: {  	p0 =	sne.s32 s0, $0x0;
	s0 =	rddreg [dreg:$0x2]  }
0x12f: {  	s0 =	sadd.s32 @!p0 $0x100000, s0  }
0x130: {  	[sflag:s0] =	ssyncadd.tile.s32 @!p0 $0x1;
	_ =	shalt  }
.Lfunc_end2:
_tile_overlayer_lowered:
.L_overlay_start_2:
0x131: {  	(tag) =	ssettag $0x2  }
0x132: {  	s0 =	rddreg [dreg:$0x0];
	s2 =	stileid.u32  }
0x133: {  	s1 =	rddreg [dreg:$0x1];
	p0 =	sne.s32 s2, $0x0  }
0x134: {  	s3 =	rddreg [dreg:$0x2];
	[bflag:$0x3] =	sbarrier.arrive $0xFFFF;
	s2 =	simm.s32 @!p0 $0x1C03  }
0x135: {  	[timem:s3], [sflag:s2] =	dma.local @!p0 [hbm:s0], s1  }
0x136: {  	s0 =	simm.s32 @!p0 $0x3  }
0x137: {  	_ =	swait.ge @!p0 [sflag:s0], s1  }
0x138: {  	s1 =	ssub.s32 @!p0 $0x0, s1;
	[sflag:s0] =	ssyncset.done @!p0 $0x0  }
0x139: {  	[sflag:s0] =	ssyncadd.s32 @!p0 s1  }
0x13a: {  	[bflag:$0x3] =	sbarrier.arrive $0xFFFF  }
0x13b: {  	_ =	shalt  }

</sc_bundles>
